<compile_context>
chip_gen: v7x
topology: tpu7x:2x2x1
jax: 0.10.2.dev20260603
libtpu: 0.0.44.dev20260713+nightly
codegen_flags: <defaults>
</compile_context>

<pallas_src>
import functools

import jax
import jax.numpy as jnp
from jax import lax
from jax.experimental import pallas as pl
from jax.experimental.pallas import tpu as pltpu
from jax.experimental.pallas import tpu_sc as plsc

MARGIN = 0.2
NUM_CORES = 2
NUM_SUBCORES = 16
LANES = 16
NUM_WORKERS = NUM_CORES * NUM_SUBCORES

B, S, C = 128, 1024, 64
B_SC = 72
B_TC = B - B_SC
CHUNK_ROWS = 256
S_CHUNKS = S // CHUNK_ROWS
SC_CHUNKS_PER_WORKER = B_SC * S_CHUNKS // NUM_WORKERS
GROUPS = CHUNK_ROWS // LANES


def _make_sc_kernel():
    mesh = plsc.VectorSubcoreMesh(
        core_axis_name="c", subcore_axis_name="s",
        num_cores=NUM_CORES, num_subcores=NUM_SUBCORES)

    @functools.partial(
        pl.kernel,
        out_type=[
            jax.ShapeDtypeStruct((B_SC, S), jnp.float32),
            jax.ShapeDtypeStruct((B_SC, S), jnp.int32),
            jax.ShapeDtypeStruct((B_SC, S), jnp.int32),
            jax.ShapeDtypeStruct((NUM_WORKERS, LANES), jnp.float32),
            jax.ShapeDtypeStruct((NUM_WORKERS, LANES), jnp.float32),
        ],
        mesh=mesh,
        compiler_params=pltpu.CompilerParams(needs_layout_passes=False),
        scratch_types=[
            pltpu.VMEM((C, CHUNK_ROWS), jnp.float32),
            pltpu.VMEM((C, CHUNK_ROWS), jnp.int32),
            pltpu.VMEM((CHUNK_ROWS,), jnp.int32),
            pltpu.VMEM((CHUNK_ROWS,), jnp.float32),
            pltpu.VMEM((CHUNK_ROWS,), jnp.int32),
            pltpu.VMEM((CHUNK_ROWS,), jnp.int32),
            pltpu.VMEM((LANES,), jnp.float32),
        ],
    )
    def sc_kernel(scores_hbm, ents_hbm, gold_hbm,
                  maxs_hbm, pred_hbm, maski_hbm, lsum_hbm, lcnt_hbm,
                  s_v, e_v, g_v, mx_v, pd_v, mk_v, acc_v):
        wid = lax.axis_index("s") * NUM_CORES + lax.axis_index("c")
        zf = jnp.zeros((LANES,), jnp.float32)
        zi = jnp.zeros((LANES,), jnp.int32)

        def chunk_body(ci, carry):
            la, ca = carry
            ck = wid * SC_CHUNKS_PER_WORKER + ci
            b = ck // S_CHUNKS
            s0 = (ck % S_CHUNKS) * CHUNK_ROWS
            pltpu.sync_copy(
                scores_hbm.at[b, :, pl.ds(s0, CHUNK_ROWS)], s_v)
            pltpu.sync_copy(
                ents_hbm.at[b, :, pl.ds(s0, CHUNK_ROWS)], e_v)
            pltpu.sync_copy(gold_hbm.at[b, pl.ds(s0, CHUNK_ROWS)], g_v)

            def group_body(gi, carry2):
                la, ca = carry2
                goldv = g_v[pl.ds(gi * LANES, LANES)]
                rmax = jnp.full((LANES,), -3.4e38, jnp.float32)
                pred = zi
                for c in range(C):
                    vs = s_v[c, pl.ds(gi * LANES, LANES)]
                    ve = e_v[c, pl.ds(gi * LANES, LANES)]
                    pos = ve == goldv
                    elem = jnp.maximum(
                        jnp.where(pos, MARGIN - vs, MARGIN + vs), 0.0)
                    maskb = ve > 0
                    la = la + jnp.where(maskb, elem, zf)
                    ca = ca + plsc.all_reduce_population_count(maskb)
                    takes = vs > rmax
                    rmax = jnp.maximum(rmax, vs)
                    pred = jnp.where(takes, ve, pred)
                above = rmax > 0.0
                predz = jnp.where(above & (pred != 0), pred, zi)
                mx_v[pl.ds(gi * LANES, LANES)] = rmax
                pd_v[pl.ds(gi * LANES, LANES)] = predz
                mk_v[pl.ds(gi * LANES, LANES)] = jnp.where(above, 1, 0)
                return la, ca

            la, ca = lax.fori_loop(0, GROUPS, group_body, (la, ca))
            pltpu.sync_copy(mx_v, maxs_hbm.at[b, pl.ds(s0, CHUNK_ROWS)])
            pltpu.sync_copy(pd_v, pred_hbm.at[b, pl.ds(s0, CHUNK_ROWS)])
            pltpu.sync_copy(mk_v, maski_hbm.at[b, pl.ds(s0, CHUNK_ROWS)])
            return la, ca

        la, ca = lax.fori_loop(0, SC_CHUNKS_PER_WORKER, chunk_body, (zf, zi))
        acc_v[...] = la
        pltpu.sync_copy(acc_v, lsum_hbm.at[wid])
        acc_v[...] = ca.astype(jnp.float32) * 0.0625
        pltpu.sync_copy(acc_v, lcnt_hbm.at[wid])

    return sc_kernel


def _tc_body(s_ref, e_ref, g_ref, mx_ref, pd_ref, mk_ref, ls_ref, lc_ref):
    vs = s_ref[0]
    ve = e_ref[0]
    gold = g_ref[0]
    pos = ve == gold
    maskb = ve > 0
    elem = jnp.maximum(jnp.where(pos, MARGIN - vs, MARGIN + vs), 0.0)
    elemz = jnp.where(maskb, elem, 0.0)
    ls_ref[0] = jnp.sum(elemz, axis=0, keepdims=True)
    lc_ref[0] = jnp.sum(maskb.astype(jnp.float32), axis=0, keepdims=True)
    rmax = jnp.max(vs, axis=0, keepdims=True)
    ids = lax.broadcasted_iota(jnp.int32, (C, S), 0)
    cand = jnp.where(vs == rmax, ids, C)
    aidx = jnp.min(cand, axis=0, keepdims=True)
    pred = jnp.sum(jnp.where(ids == aidx, ve, 0), axis=0, keepdims=True)
    above = rmax > 0.0
    predz = jnp.where(above & (pred != 0), pred, 0)
    mx_ref[0] = rmax
    pd_ref[0] = predz
    mk_ref[0] = jnp.where(above, 1, 0)


def _tc_call(scores_t, ents_t, gold3):
    blk_in = pl.BlockSpec((1, C, S), lambda b: (B_SC + b, 0, 0))
    blk_g = pl.BlockSpec((1, 1, S), lambda b: (B_SC + b, 0, 0))
    blk_out = pl.BlockSpec((1, 1, S), lambda b: (b, 0, 0))
    out_shape = jax.ShapeDtypeStruct((B_TC, 1, S), jnp.float32)
    out_shape_i = jax.ShapeDtypeStruct((B_TC, 1, S), jnp.int32)
    return pl.pallas_call(
        _tc_body,
        grid=(B_TC,),
        in_specs=[blk_in, blk_in, blk_g],
        out_specs=[blk_out] * 5,
        out_shape=[out_shape, out_shape_i, out_shape_i, out_shape, out_shape],
    )(scores_t, ents_t, gold3)


def kernel(linking_scores, candidate_spans, candidate_entities, gold_entities):
    del candidate_spans
    scores_t = linking_scores.transpose(0, 2, 1)
    ents_t = candidate_entities.astype(jnp.int32).transpose(0, 2, 1)
    gold = gold_entities.reshape(B, S).astype(jnp.int32)
    gold3 = gold.reshape(B, 1, S)
    sc_maxs, sc_pred, sc_maski, sc_ls, sc_lc = _make_sc_kernel()(
        scores_t, ents_t, gold)
    tc_mx, tc_pd, tc_mk, tc_ls, tc_lc = _tc_call(scores_t, ents_t, gold3)
    maxs = jnp.concatenate([sc_maxs, tc_mx.reshape(B_TC, S)], axis=0)
    pred = jnp.concatenate([sc_pred, tc_pd.reshape(B_TC, S)], axis=0)
    maski = jnp.concatenate([sc_maski, tc_mk.reshape(B_TC, S)], axis=0)
    lsum = jnp.sum(sc_ls) + jnp.sum(tc_ls)
    lcnt = jnp.sum(sc_lc) + jnp.sum(tc_lc)
    loss = lsum / jnp.maximum(lcnt, 1.0)
    return (
        loss.astype(linking_scores.dtype),
        maxs,
        pred.astype(candidate_entities.dtype),
        maski.astype(jnp.bool_),
    )

# --- scband reference (transcript-rebuilt; emitter-appended) ---
"""Pipeline reference for scband-custom-entity-linking-with-candidate-mentions-30829275251118 (READ-ONLY COPY).

The authoritative reference and input builder live on the scoring server;
editing this copy changes nothing except your own understanding.
"""

import jax, jax.numpy as jnp
import numpy as np

MARGIN = 0.2
DECODE_THRESHOLD = 0.0
NULL_ENTITY_ID = 0


def setup_inputs(seed: int = 0) -> dict:
    key = jax.random.key(seed)
    B, S, C = 128, 1024, 64
    k1, k2, k3, k4 = jax.random.split(key, 4)
    linking_scores = jax.random.normal(k1, (B, S, C), dtype=jnp.float32)
    candidate_spans = jax.random.randint(k2, (B, S, 2), 0, 512).astype(jnp.int64)
    candidate_entities = jax.random.randint(k3, (B, S, C), 0, 117000).astype(jnp.int64)
    gold_entities = jax.random.randint(k4, (B, S, 1), 0, 117000).astype(jnp.int64)
    return {
        "linking_scores": linking_scores,
        "candidate_spans": candidate_spans,
        "candidate_entities": candidate_entities,
        "gold_entities": gold_entities,
    }


def reference(linking_scores, candidate_spans, candidate_entities, gold_entities):
    # --- margin ranking loss over valid candidates (faithful to _compute_margin_loss) ---
    candidate_mask = candidate_entities > 0
    broadcast_gold = jnp.broadcast_to(gold_entities, candidate_entities.shape)
    positive = (broadcast_gold == candidate_entities)
    labels = jnp.where(positive, 1.0, -1.0).astype(linking_scores.dtype)
    # MarginRankingLoss(x1=scores, x2=0, y=labels): mean(relu(-y*(x1-x2) + margin))
    elem_loss = jnp.maximum(0.0, -labels * linking_scores + MARGIN)
    maskf = candidate_mask.astype(linking_scores.dtype)
    denom = jnp.maximum(jnp.sum(maskf), 1.0)
    loss = jnp.sum(elem_loss * maskf) / denom

    # --- decode: max over candidates + threshold mask (topk_masking core) ---
    max_candidate_score = jnp.max(linking_scores, axis=-1)
    max_candidate_indices = jnp.argmax(linking_scores, axis=-1)
    above_threshold_mask = max_candidate_score > DECODE_THRESHOLD
    predicted_ids = jnp.take_along_axis(
        candidate_entities, max_candidate_indices[..., None], axis=-1
    )[..., 0]
    predicted_ids = jnp.where(
        above_threshold_mask & (predicted_ids != NULL_ENTITY_ID),
        predicted_ids,
        NULL_ENTITY_ID,
    )
    return (loss, max_candidate_score, predicted_ids, above_threshold_mask)

if __name__ == "__main__":
    import jax
    _d = setup_inputs()
    print(jax.jit(kernel)(*tuple(_d.values())))

</pallas_src>

<mosaic_0001>
#map = affine_map<(d0, d1) -> (0, 0, 0)>
#map1 = affine_map<(d0, d1) -> (0, 0)>
module attributes {stable_mosaic.version = 14 : i64} {
  func.func @sc_kernel(%arg0: i32, %arg1: i32, %arg2: memref<128x64x1024xf32, #tpu.memory_space<hbm>>, %arg3: memref<128x64x1024xi32, #tpu.memory_space<hbm>>, %arg4: memref<128x1024xi32, #tpu.memory_space<hbm>>, %arg5: memref<72x1024xf32, #tpu.memory_space<hbm>>, %arg6: memref<72x1024xi32, #tpu.memory_space<hbm>>, %arg7: memref<72x1024xi32, #tpu.memory_space<hbm>>, %arg8: memref<32x16xf32, #tpu.memory_space<hbm>>, %arg9: memref<32x16xf32, #tpu.memory_space<hbm>>, %arg10: memref<64x256xf32, #tpu.memory_space<vmem>>, %arg11: memref<64x256xi32, #tpu.memory_space<vmem>>, %arg12: memref<256xi32, #tpu.memory_space<vmem>>, %arg13: memref<256xf32, #tpu.memory_space<vmem>>, %arg14: memref<256xi32, #tpu.memory_space<vmem>>, %arg15: memref<256xi32, #tpu.memory_space<vmem>>, %arg16: memref<16xf32, #tpu.memory_space<vmem>>) attributes {dimension_semantics = [#tpu.dimension_semantics<core_parallel>, #tpu.dimension_semantics<subcore_parallel>], iteration_bounds = array<i64: 2, 16>, scalar_prefetch = 0 : i64, scratch_operands = 7 : i64, tpu.core_type = #tpu.core_type<sc_vector_subcore>, window_params = [{transform_indices = #map}, {transform_indices = #map}, {transform_indices = #map1}, {transform_indices = #map1}, {transform_indices = #map1}, {transform_indices = #map1}, {transform_indices = #map1}, {transform_indices = #map1}]} {
    %mul3A = arith.constant 2 : i32
    %mul3A_0 = arith.muli %arg1, %mul3A : i32
    %add3A = arith.addi %mul3A_0, %arg0 : i32
    %broadcast_in_dim3A = arith.constant 0.000000e+00 : f32
    %broadcast_in_dim3A_1 = vector.broadcast %broadcast_in_dim3A : f32 to vector<16xf32>
    %broadcast_in_dim3A_2 = arith.constant 0 : i32
    %broadcast_in_dim3A_3 = vector.broadcast %broadcast_in_dim3A_2 : i32 to vector<16xi32>
    %scan3A = arith.constant 0 : i32
    %scan3A_4 = arith.constant 9 : i32
    %scan3A_5 = arith.addi %scan3A, %scan3A_4 : i32
    %scan3A_6 = arith.constant 1 : i32
    %scan3A_7:2 = scf.for %scan3A_15 = %scan3A to %scan3A_5 step %scan3A_6 iter_args(%scan3A_16 = %broadcast_in_dim3A_1, %scan3A_17 = %broadcast_in_dim3A_3) -> (vector<16xf32>, vector<16xi32>)  : i32 {
      %mul3A_18 = arith.constant 9 : i32
      %mul3A_19 = arith.muli %add3A, %mul3A_18 : i32
      %add3A_20 = arith.addi %mul3A_19, %scan3A_15 : i32
      %jit3A = arith.constant 4 : i32
      %div3A = arith.divsi %add3A_20, %jit3A : i32
      %sign3A = arith.constant 0 : i32
      %sign3A_21 = arith.cmpi sgt, %add3A_20, %sign3A : i32
      %sign3A_22 = arith.extui %sign3A_21 : i1 to i32
      %sign3A_23 = arith.constant 0 : i32
      %sign3A_24 = arith.cmpi slt, %add3A_20, %sign3A_23 : i32
      %sign3A_25 = arith.extui %sign3A_24 : i1 to i32
      %sign3A_26 = arith.subi %sign3A_22, %sign3A_25 : i32
      %sign3A_27 = arith.constant 0 : i32
      %sign3A_28 = arith.cmpi sgt, %jit3A, %sign3A_27 : i32
      %sign3A_29 = arith.extui %sign3A_28 : i1 to i32
      %sign3A_30 = arith.constant 0 : i32
      %sign3A_31 = arith.cmpi slt, %jit3A, %sign3A_30 : i32
      %sign3A_32 = arith.extui %sign3A_31 : i1 to i32
      %sign3A_33 = arith.subi %sign3A_29, %sign3A_32 : i32
      %ne3A = arith.cmpi ne, %sign3A_26, %sign3A_33 : i32
      %rem3A = arith.remsi %add3A_20, %jit3A : i32
      %ne3A_34 = arith.constant 0 : i32
      %ne3A_35 = arith.cmpi ne, %rem3A, %ne3A_34 : i32
      %and3A = arith.andi %ne3A, %ne3A_35 : i1
      %sub3A = arith.constant 1 : i32
      %sub3A_36 = arith.subi %div3A, %sub3A : i32
      %select_n3A = arith.select %and3A, %sub3A_36, %div3A : i32
      %jit3A_37 = arith.constant 4 : i32
      %eq3A = arith.constant 0 : i32
      %eq3A_38 = arith.cmpi eq, %jit3A_37, %eq3A : i32
      %jit3A_39 = arith.constant 1 : i32
      %select_n3A_40 = arith.select %eq3A_38, %jit3A_39, %jit3A_37 : i32
      %rem3A_41 = arith.remsi %add3A_20, %select_n3A_40 : i32
      %ne3A_42 = arith.constant 0 : i32
      %ne3A_43 = arith.cmpi ne, %rem3A_41, %ne3A_42 : i32
      %lt3A = arith.constant 0 : i32
      %lt3A_44 = arith.cmpi slt, %rem3A_41, %lt3A : i32
      %lt3A_45 = arith.constant 0 : i32
      %lt3A_46 = arith.cmpi slt, %select_n3A_40, %lt3A_45 : i32
      %ne3A_47 = arith.xori %lt3A_44, %lt3A_46 : i1
      %and3A_48 = arith.andi %ne3A_47, %ne3A_43 : i1
      %add3A_49 = arith.addi %rem3A_41, %select_n3A_40 : i32
      %select_n3A_50 = arith.select %and3A_48, %add3A_49, %rem3A_41 : i32
      %mul3A_51 = arith.constant 256 : i32
      %mul3A_52 = arith.muli %select_n3A_50, %mul3A_51 : i32
      "tpu.region"() ({
        %run_scoped3A = tpu.sem_alloc : memref<!tpu.dma_semaphore, #tpu.memory_space<semaphore_mem>>
        %dma_start3A = arith.constant 0 : i32
        %dma_start3A_59 = tpu.memref_slice %arg2[%select_n3A, %dma_start3A, %mul3A_52] : memref<128x64x1024xf32, #tpu.memory_space<hbm>> -> memref<1x64x256xf32, #tpu.memory_space<hbm>>
        %dma_start3A_60 = tpu.memref_squeeze %dma_start3A_59 : memref<1x64x256xf32, #tpu.memory_space<hbm>> -> memref<64x256xf32, #tpu.memory_space<hbm>>
        %dma_start3A_61 = arith.constant 0 : i32
        %dma_start3A_62 = tpu.memref_slice %arg2[%select_n3A, %dma_start3A_61, %mul3A_52] : memref<128x64x1024xf32, #tpu.memory_space<hbm>> -> memref<1x64x256xf32, #tpu.memory_space<hbm>>
        %dma_start3A_63 = tpu.memref_squeeze %dma_start3A_62 : memref<1x64x256xf32, #tpu.memory_space<hbm>> -> memref<64x256xf32, #tpu.memory_space<hbm>>
        tpu.enqueue_dma source(%dma_start3A_63 : memref<64x256xf32, #tpu.memory_space<hbm>>) target(%arg10 : memref<64x256xf32, #tpu.memory_space<vmem>>) target_semaphore(%run_scoped3A : memref<!tpu.dma_semaphore, #tpu.memory_space<semaphore_mem>>)
        %dma_wait3A = arith.constant 0 : i32
        %dma_wait3A_64 = tpu.memref_slice %arg2[%select_n3A, %dma_wait3A, %mul3A_52] : memref<128x64x1024xf32, #tpu.memory_space<hbm>> -> memref<1x64x256xf32, #tpu.memory_space<hbm>>
        %dma_wait3A_65 = tpu.memref_squeeze %dma_wait3A_64 : memref<1x64x256xf32, #tpu.memory_space<hbm>> -> memref<64x256xf32, #tpu.memory_space<hbm>>
        %dma_wait3A_66 = arith.constant 0 : i32
        %dma_wait3A_67 = tpu.memref_slice %arg2[%select_n3A, %dma_wait3A_66, %mul3A_52] : memref<128x64x1024xf32, #tpu.memory_space<hbm>> -> memref<1x64x256xf32, #tpu.memory_space<hbm>>
        %dma_wait3A_68 = tpu.memref_squeeze %dma_wait3A_67 : memref<1x64x256xf32, #tpu.memory_space<hbm>> -> memref<64x256xf32, #tpu.memory_space<hbm>>
        tpu.wait_dma2 semaphore(%run_scoped3A : memref<!tpu.dma_semaphore, #tpu.memory_space<semaphore_mem>>) src(%dma_wait3A_68 : memref<64x256xf32, #tpu.memory_space<hbm>>) dst(%arg10 : memref<64x256xf32, #tpu.memory_space<vmem>>)
        tpu.yield
      }) : () -> ()
      "tpu.region"() ({
        %run_scoped3A = tpu.sem_alloc : memref<!tpu.dma_semaphore, #tpu.memory_space<semaphore_mem>>
        %dma_start3A = arith.constant 0 : i32
        %dma_start3A_59 = tpu.memref_slice %arg3[%select_n3A, %dma_start3A, %mul3A_52] : memref<128x64x1024xi32, #tpu.memory_space<hbm>> -> memref<1x64x256xi32, #tpu.memory_space<hbm>>
        %dma_start3A_60 = tpu.memref_squeeze %dma_start3A_59 : memref<1x64x256xi32, #tpu.memory_space<hbm>> -> memref<64x256xi32, #tpu.memory_space<hbm>>
        %dma_start3A_61 = arith.constant 0 : i32
        %dma_start3A_62 = tpu.memref_slice %arg3[%select_n3A, %dma_start3A_61, %mul3A_52] : memref<128x64x1024xi32, #tpu.memory_space<hbm>> -> memref<1x64x256xi32, #tpu.memory_space<hbm>>
        %dma_start3A_63 = tpu.memref_squeeze %dma_start3A_62 : memref<1x64x256xi32, #tpu.memory_space<hbm>> -> memref<64x256xi32, #tpu.memory_space<hbm>>
        tpu.enqueue_dma source(%dma_start3A_63 : memref<64x256xi32, #tpu.memory_space<hbm>>) target(%arg11 : memref<64x256xi32, #tpu.memory_space<vmem>>) target_semaphore(%run_scoped3A : memref<!tpu.dma_semaphore, #tpu.memory_space<semaphore_mem>>)
        %dma_wait3A = arith.constant 0 : i32
        %dma_wait3A_64 = tpu.memref_slice %arg3[%select_n3A, %dma_wait3A, %mul3A_52] : memref<128x64x1024xi32, #tpu.memory_space<hbm>> -> memref<1x64x256xi32, #tpu.memory_space<hbm>>
        %dma_wait3A_65 = tpu.memref_squeeze %dma_wait3A_64 : memref<1x64x256xi32, #tpu.memory_space<hbm>> -> memref<64x256xi32, #tpu.memory_space<hbm>>
        %dma_wait3A_66 = arith.constant 0 : i32
        %dma_wait3A_67 = tpu.memref_slice %arg3[%select_n3A, %dma_wait3A_66, %mul3A_52] : memref<128x64x1024xi32, #tpu.memory_space<hbm>> -> memref<1x64x256xi32, #tpu.memory_space<hbm>>
        %dma_wait3A_68 = tpu.memref_squeeze %dma_wait3A_67 : memref<1x64x256xi32, #tpu.memory_space<hbm>> -> memref<64x256xi32, #tpu.memory_space<hbm>>
        tpu.wait_dma2 semaphore(%run_scoped3A : memref<!tpu.dma_semaphore, #tpu.memory_space<semaphore_mem>>) src(%dma_wait3A_68 : memref<64x256xi32, #tpu.memory_space<hbm>>) dst(%arg11 : memref<64x256xi32, #tpu.memory_space<vmem>>)
        tpu.yield
      }) : () -> ()
      "tpu.region"() ({
        %run_scoped3A = tpu.sem_alloc : memref<!tpu.dma_semaphore, #tpu.memory_space<semaphore_mem>>
        %dma_start3A = tpu.memref_slice %arg4[%select_n3A, %mul3A_52] : memref<128x1024xi32, #tpu.memory_space<hbm>> -> memref<1x256xi32, #tpu.memory_space<hbm>>
        %dma_start3A_59 = tpu.memref_squeeze %dma_start3A : memref<1x256xi32, #tpu.memory_space<hbm>> -> memref<256xi32, #tpu.memory_space<hbm>>
        %dma_start3A_60 = tpu.memref_slice %arg4[%select_n3A, %mul3A_52] : memref<128x1024xi32, #tpu.memory_space<hbm>> -> memref<1x256xi32, #tpu.memory_space<hbm>>
        %dma_start3A_61 = tpu.memref_squeeze %dma_start3A_60 : memref<1x256xi32, #tpu.memory_space<hbm>> -> memref<256xi32, #tpu.memory_space<hbm>>
        tpu.enqueue_dma source(%dma_start3A_61 : memref<256xi32, #tpu.memory_space<hbm>>) target(%arg12 : memref<256xi32, #tpu.memory_space<vmem>>) target_semaphore(%run_scoped3A : memref<!tpu.dma_semaphore, #tpu.memory_space<semaphore_mem>>)
        %dma_wait3A = tpu.memref_slice %arg4[%select_n3A, %mul3A_52] : memref<128x1024xi32, #tpu.memory_space<hbm>> -> memref<1x256xi32, #tpu.memory_space<hbm>>
        %dma_wait3A_62 = tpu.memref_squeeze %dma_wait3A : memref<1x256xi32, #tpu.memory_space<hbm>> -> memref<256xi32, #tpu.memory_space<hbm>>
        %dma_wait3A_63 = tpu.memref_slice %arg4[%select_n3A, %mul3A_52] : memref<128x1024xi32, #tpu.memory_space<hbm>> -> memref<1x256xi32, #tpu.memory_space<hbm>>
        %dma_wait3A_64 = tpu.memref_squeeze %dma_wait3A_63 : memref<1x256xi32, #tpu.memory_space<hbm>> -> memref<256xi32, #tpu.memory_space<hbm>>
        tpu.wait_dma2 semaphore(%run_scoped3A : memref<!tpu.dma_semaphore, #tpu.memory_space<semaphore_mem>>) src(%dma_wait3A_64 : memref<256xi32, #tpu.memory_space<hbm>>) dst(%arg12 : memref<256xi32, #tpu.memory_space<vmem>>)
        tpu.yield
      }) : () -> ()
      %scan3A_53 = arith.constant 0 : i32
      %scan3A_54 = arith.constant 16 : i32
      %scan3A_55 = arith.addi %scan3A_53, %scan3A_54 : i32
      %scan3A_56 = arith.constant 1 : i32
      %scan3A_57:2 = scf.for %scan3A_59 = %scan3A_53 to %scan3A_55 step %scan3A_56 iter_args(%scan3A_60 = %scan3A_16, %scan3A_61 = %scan3A_17) -> (vector<16xf32>, vector<16xi32>)  : i32 {
        %mul3A_62 = arith.constant 16 : i32
        %mul3A_63 = arith.muli %scan3A_59, %mul3A_62 : i32
        %get3A = arith.index_cast %mul3A_63 : i32 to index
        %get3A_64 = tpu.vector_load %arg12[%get3A] {strides = array<i32>} : memref<256xi32, #tpu.memory_space<vmem>>, vector<16xi32>,
        %broadcast_in_dim3A_65 = arith.constant -3.400000e+38 : f32
        %broadcast_in_dim3A_66 = vector.broadcast %broadcast_in_dim3A_65 : f32 to vector<16xf32>
        %mul3A_67 = arith.constant 16 : i32
        %mul3A_68 = arith.muli %scan3A_59, %mul3A_67 : i32
        %get3A_69 = arith.constant 0 : i32
        %get3A_70 = arith.index_cast %get3A_69 : i32 to index
        %get3A_71 = arith.index_cast %mul3A_68 : i32 to index
        %get3A_72 = tpu.vector_load %arg10[%get3A_70, %get3A_71] {strides = array<i32>} : memref<64x256xf32, #tpu.memory_space<vmem>>, vector<16xf32>,
        %mul3A_73 = arith.constant 16 : i32
        %mul3A_74 = arith.muli %scan3A_59, %mul3A_73 : i32
        %get3A_75 = arith.constant 0 : i32
        %get3A_76 = arith.index_cast %get3A_75 : i32 to index
        %get3A_77 = arith.index_cast %mul3A_74 : i32 to index
        %get3A_78 = tpu.vector_load %arg11[%get3A_76, %get3A_77] {strides = array<i32>} : memref<64x256xi32, #tpu.memory_space<vmem>>, vector<16xi32>,
        %eq3A_79 = arith.cmpi eq, %get3A_78, %get3A_64 : vector<16xi32>
        %sub3A_80 = arith.constant 2.000000e-01 : f32
        %sub3A_81 = vector.broadcast %sub3A_80 : f32 to vector<16xf32>
        %sub3A_82 = arith.subf %sub3A_81, %get3A_72 : vector<16xf32>
        %add3A_83 = arith.constant 2.000000e-01 : f32
        %add3A_84 = vector.broadcast %add3A_83 : f32 to vector<16xf32>
        %add3A_85 = arith.addf %add3A_84, %get3A_72 : vector<16xf32>
        %select_n3A_86 = arith.select %eq3A_79, %sub3A_82, %add3A_85 : vector<16xi1>, vector<16xf32>
        %max3A = arith.constant 0.000000e+00 : f32
        %max3A_87 = vector.broadcast %max3A : f32 to vector<16xf32>
        %max3A_88 = arith.maximumf %select_n3A_86, %max3A_87 : vector<16xf32>
        %gt3A = arith.constant 0 : i32
        %gt3A_89 = vector.broadcast %gt3A : i32 to vector<16xi32>
        %gt3A_90 = arith.cmpi sgt, %get3A_78, %gt3A_89 : vector<16xi32>
        %select_n3A_91 = arith.select %gt3A_90, %max3A_88, %broadcast_in_dim3A_1 : vector<16xi1>, vector<16xf32>
        %add3A_92 = arith.addf %scan3A_60, %select_n3A_91 : vector<16xf32>
        %all_reduce_population_count3A = tpu.all_reduce %gt3A_90 {dim = 0 : i64, kind = #tpu.reduction_kind<sum>} : vector<16xi1> -> vector<16xi32>
        %add3A_93 = arith.addi %scan3A_61, %all_reduce_population_count3A : vector<16xi32>
        %gt3A_94 = arith.cmpf ogt, %get3A_72, %broadcast_in_dim3A_66 : vector<16xf32>
        %max3A_95 = arith.maximumf %broadcast_in_dim3A_66, %get3A_72 : vector<16xf32>
        %select_n3A_96 = arith.select %gt3A_94, %get3A_78, %broadcast_in_dim3A_3 : vector<16xi1>, vector<16xi32>
        %mul3A_97 = arith.constant 16 : i32
        %mul3A_98 = arith.muli %scan3A_59, %mul3A_97 : i32
        %get3A_99 = arith.constant 1 : i32
        %get3A_100 = arith.index_cast %get3A_99 : i32 to index
        %get3A_101 = arith.index_cast %mul3A_98 : i32 to index
        %get3A_102 = tpu.vector_load %arg10[%get3A_100, %get3A_101] {strides = array<i32>} : memref<64x256xf32, #tpu.memory_space<vmem>>, vector<16xf32>,
        %mul3A_103 = arith.constant 16 : i32
        %mul3A_104 = arith.muli %scan3A_59, %mul3A_103 : i32
        %get3A_105 = arith.constant 1 : i32
        %get3A_106 = arith.index_cast %get3A_105 : i32 to index
        %get3A_107 = arith.index_cast %mul3A_104 : i32 to index
        %get3A_108 = tpu.vector_load %arg11[%get3A_106, %get3A_107] {strides = array<i32>} : memref<64x256xi32, #tpu.memory_space<vmem>>, vector<16xi32>,
        %eq3A_109 = arith.cmpi eq, %get3A_108, %get3A_64 : vector<16xi32>
        %sub3A_110 = arith.constant 2.000000e-01 : f32
        %sub3A_111 = vector.broadcast %sub3A_110 : f32 to vector<16xf32>
        %sub3A_112 = arith.subf %sub3A_111, %get3A_102 : vector<16xf32>
        %add3A_113 = arith.constant 2.000000e-01 : f32
        %add3A_114 = vector.broadcast %add3A_113 : f32 to vector<16xf32>
        %add3A_115 = arith.addf %add3A_114, %get3A_102 : vector<16xf32>
        %select_n3A_116 = arith.select %eq3A_109, %sub3A_112, %add3A_115 : vector<16xi1>, vector<16xf32>
        %max3A_117 = arith.constant 0.000000e+00 : f32
        %max3A_118 = vector.broadcast %max3A_117 : f32 to vector<16xf32>
        %max3A_119 = arith.maximumf %select_n3A_116, %max3A_118 : vector<16xf32>
        %gt3A_120 = arith.constant 0 : i32
        %gt3A_121 = vector.broadcast %gt3A_120 : i32 to vector<16xi32>
        %gt3A_122 = arith.cmpi sgt, %get3A_108, %gt3A_121 : vector<16xi32>
        %select_n3A_123 = arith.select %gt3A_122, %max3A_119, %broadcast_in_dim3A_1 : vector<16xi1>, vector<16xf32>
        %add3A_124 = arith.addf %add3A_92, %select_n3A_123 : vector<16xf32>
        %all_reduce_population_count3A_125 = tpu.all_reduce %gt3A_122 {dim = 0 : i64, kind = #tpu.reduction_kind<sum>} : vector<16xi1> -> vector<16xi32>
        %add3A_126 = arith.addi %add3A_93, %all_reduce_population_count3A_125 : vector<16xi32>
        %gt3A_127 = arith.cmpf ogt, %get3A_102, %max3A_95 : vector<16xf32>
        %max3A_128 = arith.maximumf %max3A_95, %get3A_102 : vector<16xf32>
        %select_n3A_129 = arith.select %gt3A_127, %get3A_108, %select_n3A_96 : vector<16xi1>, vector<16xi32>
        %mul3A_130 = arith.constant 16 : i32
        %mul3A_131 = arith.muli %scan3A_59, %mul3A_130 : i32
        %get3A_132 = arith.constant 2 : i32
        %get3A_133 = arith.index_cast %get3A_132 : i32 to index
        %get3A_134 = arith.index_cast %mul3A_131 : i32 to index
        %get3A_135 = tpu.vector_load %arg10[%get3A_133, %get3A_134] {strides = array<i32>} : memref<64x256xf32, #tpu.memory_space<vmem>>, vector<16xf32>,
        %mul3A_136 = arith.constant 16 : i32
        %mul3A_137 = arith.muli %scan3A_59, %mul3A_136 : i32
        %get3A_138 = arith.constant 2 : i32
        %get3A_139 = arith.index_cast %get3A_138 : i32 to index
        %get3A_140 = arith.index_cast %mul3A_137 : i32 to index
        %get3A_141 = tpu.vector_load %arg11[%get3A_139, %get3A_140] {strides = array<i32>} : memref<64x256xi32, #tpu.memory_space<vmem>>, vector<16xi32>,
        %eq3A_142 = arith.cmpi eq, %get3A_141, %get3A_64 : vector<16xi32>
        %sub3A_143 = arith.constant 2.000000e-01 : f32
        %sub3A_144 = vector.broadcast %sub3A_143 : f32 to vector<16xf32>
        %sub3A_145 = arith.subf %sub3A_144, %get3A_135 : vector<16xf32>
        %add3A_146 = arith.constant 2.000000e-01 : f32
        %add3A_147 = vector.broadcast %add3A_146 : f32 to vector<16xf32>
        %add3A_148 = arith.addf %add3A_147, %get3A_135 : vector<16xf32>
        %select_n3A_149 = arith.select %eq3A_142, %sub3A_145, %add3A_148 : vector<16xi1>, vector<16xf32>
        %max3A_150 = arith.constant 0.000000e+00 : f32
        %max3A_151 = vector.broadcast %max3A_150 : f32 to vector<16xf32>
        %max3A_152 = arith.maximumf %select_n3A_149, %max3A_151 : vector<16xf32>
        %gt3A_153 = arith.constant 0 : i32
        %gt3A_154 = vector.broadcast %gt3A_153 : i32 to vector<16xi32>
        %gt3A_155 = arith.cmpi sgt, %get3A_141, %gt3A_154 : vector<16xi32>
        %select_n3A_156 = arith.select %gt3A_155, %max3A_152, %broadcast_in_dim3A_1 : vector<16xi1>, vector<16xf32>
        %add3A_157 = arith.addf %add3A_124, %select_n3A_156 : vector<16xf32>
        %all_reduce_population_count3A_158 = tpu.all_reduce %gt3A_155 {dim = 0 : i64, kind = #tpu.reduction_kind<sum>} : vector<16xi1> -> vector<16xi32>
        %add3A_159 = arith.addi %add3A_126, %all_reduce_population_count3A_158 : vector<16xi32>
        %gt3A_160 = arith.cmpf ogt, %get3A_135, %max3A_128 : vector<16xf32>
        %max3A_161 = arith.maximumf %max3A_128, %get3A_135 : vector<16xf32>
        %select_n3A_162 = arith.select %gt3A_160, %get3A_141, %select_n3A_129 : vector<16xi1>, vector<16xi32>
        %mul3A_163 = arith.constant 16 : i32
        %mul3A_164 = arith.muli %scan3A_59, %mul3A_163 : i32
        %get3A_165 = arith.constant 3 : i32
        %get3A_166 = arith.index_cast %get3A_165 : i32 to index
        %get3A_167 = arith.index_cast %mul3A_164 : i32 to index
        %get3A_168 = tpu.vector_load %arg10[%get3A_166, %get3A_167] {strides = array<i32>} : memref<64x256xf32, #tpu.memory_space<vmem>>, vector<16xf32>,
        %mul3A_169 = arith.constant 16 : i32
        %mul3A_170 = arith.muli %scan3A_59, %mul3A_169 : i32
        %get3A_171 = arith.constant 3 : i32
        %get3A_172 = arith.index_cast %get3A_171 : i32 to index
        %get3A_173 = arith.index_cast %mul3A_170 : i32 to index
        %get3A_174 = tpu.vector_load %arg11[%get3A_172, %get3A_173] {strides = array<i32>} : memref<64x256xi32, #tpu.memory_space<vmem>>, vector<16xi32>,
        %eq3A_175 = arith.cmpi eq, %get3A_174, %get3A_64 : vector<16xi32>
        %sub3A_176 = arith.constant 2.000000e-01 : f32
        %sub3A_177 = vector.broadcast %sub3A_176 : f32 to vector<16xf32>
        %sub3A_178 = arith.subf %sub3A_177, %get3A_168 : vector<16xf32>
        %add3A_179 = arith.constant 2.000000e-01 : f32
        %add3A_180 = vector.broadcast %add3A_179 : f32 to vector<16xf32>
        %add3A_181 = arith.addf %add3A_180, %get3A_168 : vector<16xf32>
        %select_n3A_182 = arith.select %eq3A_175, %sub3A_178, %add3A_181 : vector<16xi1>, vector<16xf32>
        %max3A_183 = arith.constant 0.000000e+00 : f32
        %max3A_184 = vector.broadcast %max3A_183 : f32 to vector<16xf32>
        %max3A_185 = arith.maximumf %select_n3A_182, %max3A_184 : vector<16xf32>
        %gt3A_186 = arith.constant 0 : i32
        %gt3A_187 = vector.broadcast %gt3A_186 : i32 to vector<16xi32>
        %gt3A_188 = arith.cmpi sgt, %get3A_174, %gt3A_187 : vector<16xi32>
        %select_n3A_189 = arith.select %gt3A_188, %max3A_185, %broadcast_in_dim3A_1 : vector<16xi1>, vector<16xf32>
        %add3A_190 = arith.addf %add3A_157, %select_n3A_189 : vector<16xf32>
        %all_reduce_population_count3A_191 = tpu.all_reduce %gt3A_188 {dim = 0 : i64, kind = #tpu.reduction_kind<sum>} : vector<16xi1> -> vector<16xi32>
        %add3A_192 = arith.addi %add3A_159, %all_reduce_population_count3A_191 : vector<16xi32>
        %gt3A_193 = arith.cmpf ogt, %get3A_168, %max3A_161 : vector<16xf32>
        %max3A_194 = arith.maximumf %max3A_161, %get3A_168 : vector<16xf32>
        %select_n3A_195 = arith.select %gt3A_193, %get3A_174, %select_n3A_162 : vector<16xi1>, vector<16xi32>
        %mul3A_196 = arith.constant 16 : i32
        %mul3A_197 = arith.muli %scan3A_59, %mul3A_196 : i32
        %get3A_198 = arith.constant 4 : i32
        %get3A_199 = arith.index_cast %get3A_198 : i32 to index
        %get3A_200 = arith.index_cast %mul3A_197 : i32 to index
        %get3A_201 = tpu.vector_load %arg10[%get3A_199, %get3A_200] {strides = array<i32>} : memref<64x256xf32, #tpu.memory_space<vmem>>, vector<16xf32>,
        %mul3A_202 = arith.constant 16 : i32
        %mul3A_203 = arith.muli %scan3A_59, %mul3A_202 : i32
        %get3A_204 = arith.constant 4 : i32
        %get3A_205 = arith.index_cast %get3A_204 : i32 to index
        %get3A_206 = arith.index_cast %mul3A_203 : i32 to index
        %get3A_207 = tpu.vector_load %arg11[%get3A_205, %get3A_206] {strides = array<i32>} : memref<64x256xi32, #tpu.memory_space<vmem>>, vector<16xi32>,
        %eq3A_208 = arith.cmpi eq, %get3A_207, %get3A_64 : vector<16xi32>
        %sub3A_209 = arith.constant 2.000000e-01 : f32
        %sub3A_210 = vector.broadcast %sub3A_209 : f32 to vector<16xf32>
        %sub3A_211 = arith.subf %sub3A_210, %get3A_201 : vector<16xf32>
        %add3A_212 = arith.constant 2.000000e-01 : f32
        %add3A_213 = vector.broadcast %add3A_212 : f32 to vector<16xf32>
        %add3A_214 = arith.addf %add3A_213, %get3A_201 : vector<16xf32>
        %select_n3A_215 = arith.select %eq3A_208, %sub3A_211, %add3A_214 : vector<16xi1>, vector<16xf32>
        %max3A_216 = arith.constant 0.000000e+00 : f32
        %max3A_217 = vector.broadcast %max3A_216 : f32 to vector<16xf32>
        %max3A_218 = arith.maximumf %select_n3A_215, %max3A_217 : vector<16xf32>
        %gt3A_219 = arith.constant 0 : i32
        %gt3A_220 = vector.broadcast %gt3A_219 : i32 to vector<16xi32>
        %gt3A_221 = arith.cmpi sgt, %get3A_207, %gt3A_220 : vector<16xi32>
        %select_n3A_222 = arith.select %gt3A_221, %max3A_218, %broadcast_in_dim3A_1 : vector<16xi1>, vector<16xf32>
        %add3A_223 = arith.addf %add3A_190, %select_n3A_222 : vector<16xf32>
        %all_reduce_population_count3A_224 = tpu.all_reduce %gt3A_221 {dim = 0 : i64, kind = #tpu.reduction_kind<sum>} : vector<16xi1> -> vector<16xi32>
        %add3A_225 = arith.addi %add3A_192, %all_reduce_population_count3A_224 : vector<16xi32>
        %gt3A_226 = arith.cmpf ogt, %get3A_201, %max3A_194 : vector<16xf32>
        %max3A_227 = arith.maximumf %max3A_194, %get3A_201 : vector<16xf32>
        %select_n3A_228 = arith.select %gt3A_226, %get3A_207, %select_n3A_195 : vector<16xi1>, vector<16xi32>
        %mul3A_229 = arith.constant 16 : i32
        %mul3A_230 = arith.muli %scan3A_59, %mul3A_229 : i32
        %get3A_231 = arith.constant 5 : i32
        %get3A_232 = arith.index_cast %get3A_231 : i32 to index
        %get3A_233 = arith.index_cast %mul3A_230 : i32 to index
        %get3A_234 = tpu.vector_load %arg10[%get3A_232, %get3A_233] {strides = array<i32>} : memref<64x256xf32, #tpu.memory_space<vmem>>, vector<16xf32>,
        %mul3A_235 = arith.constant 16 : i32
        %mul3A_236 = arith.muli %scan3A_59, %mul3A_235 : i32
        %get3A_237 = arith.constant 5 : i32
        %get3A_238 = arith.index_cast %get3A_237 : i32 to index
        %get3A_239 = arith.index_cast %mul3A_236 : i32 to index
        %get3A_240 = tpu.vector_load %arg11[%get3A_238, %get3A_239] {strides = array<i32>} : memref<64x256xi32, #tpu.memory_space<vmem>>, vector<16xi32>,
        %eq3A_241 = arith.cmpi eq, %get3A_240, %get3A_64 : vector<16xi32>
        %sub3A_242 = arith.constant 2.000000e-01 : f32
        %sub3A_243 = vector.broadcast %sub3A_242 : f32 to vector<16xf32>
        %sub3A_244 = arith.subf %sub3A_243, %get3A_234 : vector<16xf32>
        %add3A_245 = arith.constant 2.000000e-01 : f32
        %add3A_246 = vector.broadcast %add3A_245 : f32 to vector<16xf32>
        %add3A_247 = arith.addf %add3A_246, %get3A_234 : vector<16xf32>
        %select_n3A_248 = arith.select %eq3A_241, %sub3A_244, %add3A_247 : vector<16xi1>, vector<16xf32>
        %max3A_249 = arith.constant 0.000000e+00 : f32
        %max3A_250 = vector.broadcast %max3A_249 : f32 to vector<16xf32>
        %max3A_251 = arith.maximumf %select_n3A_248, %max3A_250 : vector<16xf32>
        %gt3A_252 = arith.constant 0 : i32
        %gt3A_253 = vector.broadcast %gt3A_252 : i32 to vector<16xi32>
        %gt3A_254 = arith.cmpi sgt, %get3A_240, %gt3A_253 : vector<16xi32>
        %select_n3A_255 = arith.select %gt3A_254, %max3A_251, %broadcast_in_dim3A_1 : vector<16xi1>, vector<16xf32>
        %add3A_256 = arith.addf %add3A_223, %select_n3A_255 : vector<16xf32>
        %all_reduce_population_count3A_257 = tpu.all_reduce %gt3A_254 {dim = 0 : i64, kind = #tpu.reduction_kind<sum>} : vector<16xi1> -> vector<16xi32>
        %add3A_258 = arith.addi %add3A_225, %all_reduce_population_count3A_257 : vector<16xi32>
        %gt3A_259 = arith.cmpf ogt, %get3A_234, %max3A_227 : vector<16xf32>
        %max3A_260 = arith.maximumf %max3A_227, %get3A_234 : vector<16xf32>
        %select_n3A_261 = arith.select %gt3A_259, %get3A_240, %select_n3A_228 : vector<16xi1>, vector<16xi32>
        %mul3A_262 = arith.constant 16 : i32
        %mul3A_263 = arith.muli %scan3A_59, %mul3A_262 : i32
        %get3A_264 = arith.constant 6 : i32
        %get3A_265 = arith.index_cast %get3A_264 : i32 to index
        %get3A_266 = arith.index_cast %mul3A_263 : i32 to index
        %get3A_267 = tpu.vector_load %arg10[%get3A_265, %get3A_266] {strides = array<i32>} : memref<64x256xf32, #tpu.memory_space<vmem>>, vector<16xf32>,
        %mul3A_268 = arith.constant 16 : i32
        %mul3A_269 = arith.muli %scan3A_59, %mul3A_268 : i32
        %get3A_270 = arith.constant 6 : i32
        %get3A_271 = arith.index_cast %get3A_270 : i32 to index
        %get3A_272 = arith.index_cast %mul3A_269 : i32 to index
        %get3A_273 = tpu.vector_load %arg11[%get3A_271, %get3A_272] {strides = array<i32>} : memref<64x256xi32, #tpu.memory_space<vmem>>, vector<16xi32>,
        %eq3A_274 = arith.cmpi eq, %get3A_273, %get3A_64 : vector<16xi32>
        %sub3A_275 = arith.constant 2.000000e-01 : f32
        %sub3A_276 = vector.broadcast %sub3A_275 : f32 to vector<16xf32>
        %sub3A_277 = arith.subf %sub3A_276, %get3A_267 : vector<16xf32>
        %add3A_278 = arith.constant 2.000000e-01 : f32
        %add3A_279 = vector.broadcast %add3A_278 : f32 to vector<16xf32>
        %add3A_280 = arith.addf %add3A_279, %get3A_267 : vector<16xf32>
        %select_n3A_281 = arith.select %eq3A_274, %sub3A_277, %add3A_280 : vector<16xi1>, vector<16xf32>
        %max3A_282 = arith.constant 0.000000e+00 : f32
        %max3A_283 = vector.broadcast %max3A_282 : f32 to vector<16xf32>
        %max3A_284 = arith.maximumf %select_n3A_281, %max3A_283 : vector<16xf32>
        %gt3A_285 = arith.constant 0 : i32
        %gt3A_286 = vector.broadcast %gt3A_285 : i32 to vector<16xi32>
        %gt3A_287 = arith.cmpi sgt, %get3A_273, %gt3A_286 : vector<16xi32>
        %select_n3A_288 = arith.select %gt3A_287, %max3A_284, %broadcast_in_dim3A_1 : vector<16xi1>, vector<16xf32>
        %add3A_289 = arith.addf %add3A_256, %select_n3A_288 : vector<16xf32>
        %all_reduce_population_count3A_290 = tpu.all_reduce %gt3A_287 {dim = 0 : i64, kind = #tpu.reduction_kind<sum>} : vector<16xi1> -> vector<16xi32>
        %add3A_291 = arith.addi %add3A_258, %all_reduce_population_count3A_290 : vector<16xi32>
        %gt3A_292 = arith.cmpf ogt, %get3A_267, %max3A_260 : vector<16xf32>
        %max3A_293 = arith.maximumf %max3A_260, %get3A_267 : vector<16xf32>
        %select_n3A_294 = arith.select %gt3A_292, %get3A_273, %select_n3A_261 : vector<16xi1>, vector<16xi32>
        %mul3A_295 = arith.constant 16 : i32
        %mul3A_296 = arith.muli %scan3A_59, %mul3A_295 : i32
        %get3A_297 = arith.constant 7 : i32
        %get3A_298 = arith.index_cast %get3A_297 : i32 to index
        %get3A_299 = arith.index_cast %mul3A_296 : i32 to index
        %get3A_300 = tpu.vector_load %arg10[%get3A_298, %get3A_299] {strides = array<i32>} : memref<64x256xf32, #tpu.memory_space<vmem>>, vector<16xf32>,
        %mul3A_301 = arith.constant 16 : i32
        %mul3A_302 = arith.muli %scan3A_59, %mul3A_301 : i32
        %get3A_303 = arith.constant 7 : i32
        %get3A_304 = arith.index_cast %get3A_303 : i32 to index
        %get3A_305 = arith.index_cast %mul3A_302 : i32 to index
        %get3A_306 = tpu.vector_load %arg11[%get3A_304, %get3A_305] {strides = array<i32>} : memref<64x256xi32, #tpu.memory_space<vmem>>, vector<16xi32>,
        %eq3A_307 = arith.cmpi eq, %get3A_306, %get3A_64 : vector<16xi32>
        %sub3A_308 = arith.constant 2.000000e-01 : f32
        %sub3A_309 = vector.broadcast %sub3A_308 : f32 to vector<16xf32>
        %sub3A_310 = arith.subf %sub3A_309, %get3A_300 : vector<16xf32>
        %add3A_311 = arith.constant 2.000000e-01 : f32
        %add3A_312 = vector.broadcast %add3A_311 : f32 to vector<16xf32>
        %add3A_313 = arith.addf %add3A_312, %get3A_300 : vector<16xf32>
        %select_n3A_314 = arith.select %eq3A_307, %sub3A_310, %add3A_313 : vector<16xi1>, vector<16xf32>
        %max3A_315 = arith.constant 0.000000e+00 : f32
        %max3A_316 = vector.broadcast %max3A_315 : f32 to vector<16xf32>
        %max3A_317 = arith.maximumf %select_n3A_314, %max3A_316 : vector<16xf32>
        %gt3A_318 = arith.constant 0 : i32
        %gt3A_319 = vector.broadcast %gt3A_318 : i32 to vector<16xi32>
        %gt3A_320 = arith.cmpi sgt, %get3A_306, %gt3A_319 : vector<16xi32>
        %select_n3A_321 = arith.select %gt3A_320, %max3A_317, %broadcast_in_dim3A_1 : vector<16xi1>, vector<16xf32>
        %add3A_322 = arith.addf %add3A_289, %select_n3A_321 : vector<16xf32>
        %all_reduce_population_count3A_323 = tpu.all_reduce %gt3A_320 {dim = 0 : i64, kind = #tpu.reduction_kind<sum>} : vector<16xi1> -> vector<16xi32>
        %add3A_324 = arith.addi %add3A_291, %all_reduce_population_count3A_323 : vector<16xi32>
        %gt3A_325 = arith.cmpf ogt, %get3A_300, %max3A_293 : vector<16xf32>
        %max3A_326 = arith.maximumf %max3A_293, %get3A_300 : vector<16xf32>
        %select_n3A_327 = arith.select %gt3A_325, %get3A_306, %select_n3A_294 : vector<16xi1>, vector<16xi32>
        %mul3A_328 = arith.constant 16 : i32
        %mul3A_329 = arith.muli %scan3A_59, %mul3A_328 : i32
        %get3A_330 = arith.constant 8 : i32
        %get3A_331 = arith.index_cast %get3A_330 : i32 to index
        %get3A_332 = arith.index_cast %mul3A_329 : i32 to index
        %get3A_333 = tpu.vector_load %arg10[%get3A_331, %get3A_332] {strides = array<i32>} : memref<64x256xf32, #tpu.memory_space<vmem>>, vector<16xf32>,
        %mul3A_334 = arith.constant 16 : i32
        %mul3A_335 = arith.muli %scan3A_59, %mul3A_334 : i32
        %get3A_336 = arith.constant 8 : i32
        %get3A_337 = arith.index_cast %get3A_336 : i32 to index
        %get3A_338 = arith.index_cast %mul3A_335 : i32 to index
        %get3A_339 = tpu.vector_load %arg11[%get3A_337, %get3A_338] {strides = array<i32>} : memref<64x256xi32, #tpu.memory_space<vmem>>, vector<16xi32>,
        %eq3A_340 = arith.cmpi eq, %get3A_339, %get3A_64 : vector<16xi32>
        %sub3A_341 = arith.constant 2.000000e-01 : f32
        %sub3A_342 = vector.broadcast %sub3A_341 : f32 to vector<16xf32>
        %sub3A_343 = arith.subf %sub3A_342, %get3A_333 : vector<16xf32>
        %add3A_344 = arith.constant 2.000000e-01 : f32
        %add3A_345 = vector.broadcast %add3A_344 : f32 to vector<16xf32>
        %add3A_346 = arith.addf %add3A_345, %get3A_333 : vector<16xf32>
        %select_n3A_347 = arith.select %eq3A_340, %sub3A_343, %add3A_346 : vector<16xi1>, vector<16xf32>
        %max3A_348 = arith.constant 0.000000e+00 : f32
        %max3A_349 = vector.broadcast %max3A_348 : f32 to vector<16xf32>
        %max3A_350 = arith.maximumf %select_n3A_347, %max3A_349 : vector<16xf32>
        %gt3A_351 = arith.constant 0 : i32
        %gt3A_352 = vector.broadcast %gt3A_351 : i32 to vector<16xi32>
        %gt3A_353 = arith.cmpi sgt, %get3A_339, %gt3A_352 : vector<16xi32>
        %select_n3A_354 = arith.select %gt3A_353, %max3A_350, %broadcast_in_dim3A_1 : vector<16xi1>, vector<16xf32>
        %add3A_355 = arith.addf %add3A_322, %select_n3A_354 : vector<16xf32>
        %all_reduce_population_count3A_356 = tpu.all_reduce %gt3A_353 {dim = 0 : i64, kind = #tpu.reduction_kind<sum>} : vector<16xi1> -> vector<16xi32>
        %add3A_357 = arith.addi %add3A_324, %all_reduce_population_count3A_356 : vector<16xi32>
        %gt3A_358 = arith.cmpf ogt, %get3A_333, %max3A_326 : vector<16xf32>
        %max3A_359 = arith.maximumf %max3A_326, %get3A_333 : vector<16xf32>
        %select_n3A_360 = arith.select %gt3A_358, %get3A_339, %select_n3A_327 : vector<16xi1>, vector<16xi32>
        %mul3A_361 = arith.constant 16 : i32
        %mul3A_362 = arith.muli %scan3A_59, %mul3A_361 : i32
        %get3A_363 = arith.constant 9 : i32
        %get3A_364 = arith.index_cast %get3A_363 : i32 to index
        %get3A_365 = arith.index_cast %mul3A_362 : i32 to index
        %get3A_366 = tpu.vector_load %arg10[%get3A_364, %get3A_365] {strides = array<i32>} : memref<64x256xf32, #tpu.memory_space<vmem>>, vector<16xf32>,
        %mul3A_367 = arith.constant 16 : i32
        %mul3A_368 = arith.muli %scan3A_59, %mul3A_367 : i32
        %get3A_369 = arith.constant 9 : i32
        %get3A_370 = arith.index_cast %get3A_369 : i32 to index
        %get3A_371 = arith.index_cast %mul3A_368 : i32 to index
        %get3A_372 = tpu.vector_load %arg11[%get3A_370, %get3A_371] {strides = array<i32>} : memref<64x256xi32, #tpu.memory_space<vmem>>, vector<16xi32>,
        %eq3A_373 = arith.cmpi eq, %get3A_372, %get3A_64 : vector<16xi32>
        %sub3A_374 = arith.constant 2.000000e-01 : f32
        %sub3A_375 = vector.broadcast %sub3A_374 : f32 to vector<16xf32>
        %sub3A_376 = arith.subf %sub3A_375, %get3A_366 : vector<16xf32>
        %add3A_377 = arith.constant 2.000000e-01 : f32
        %add3A_378 = vector.broadcast %add3A_377 : f32 to vector<16xf32>
        %add3A_379 = arith.addf %add3A_378, %get3A_366 : vector<16xf32>
        %select_n3A_380 = arith.select %eq3A_373, %sub3A_376, %add3A_379 : vector<16xi1>, vector<16xf32>
        %max3A_381 = arith.constant 0.000000e+00 : f32
        %max3A_382 = vector.broadcast %max3A_381 : f32 to vector<16xf32>
        %max3A_383 = arith.maximumf %select_n3A_380, %max3A_382 : vector<16xf32>
        %gt3A_384 = arith.constant 0 : i32
        %gt3A_385 = vector.broadcast %gt3A_384 : i32 to vector<16xi32>
        %gt3A_386 = arith.cmpi sgt, %get3A_372, %gt3A_385 : vector<16xi32>
        %select_n3A_387 = arith.select %gt3A_386, %max3A_383, %broadcast_in_dim3A_1 : vector<16xi1>, vector<16xf32>
        %add3A_388 = arith.addf %add3A_355, %select_n3A_387 : vector<16xf32>
        %all_reduce_population_count3A_389 = tpu.all_reduce %gt3A_386 {dim = 0 : i64, kind = #tpu.reduction_kind<sum>} : vector<16xi1> -> vector<16xi32>
        %add3A_390 = arith.addi %add3A_357, %all_reduce_population_count3A_389 : vector<16xi32>
        %gt3A_391 = arith.cmpf ogt, %get3A_366, %max3A_359 : vector<16xf32>
        %max3A_392 = arith.maximumf %max3A_359, %get3A_366 : vector<16xf32>
        %select_n3A_393 = arith.select %gt3A_391, %get3A_372, %select_n3A_360 : vector<16xi1>, vector<16xi32>
        %mul3A_394 = arith.constant 16 : i32
        %mul3A_395 = arith.muli %scan3A_59, %mul3A_394 : i32
        %get3A_396 = arith.constant 10 : i32
        %get3A_397 = arith.index_cast %get3A_396 : i32 to index
        %get3A_398 = arith.index_cast %mul3A_395 : i32 to index
        %get3A_399 = tpu.vector_load %arg10[%get3A_397, %get3A_398] {strides = array<i32>} : memref<64x256xf32, #tpu.memory_space<vmem>>, vector<16xf32>,
        %mul3A_400 = arith.constant 16 : i32
        %mul3A_401 = arith.muli %scan3A_59, %mul3A_400 : i32
        %get3A_402 = arith.constant 10 : i32
        %get3A_403 = arith.index_cast %get3A_402 : i32 to index
        %get3A_404 = arith.index_cast %mul3A_401 : i32 to index
        %get3A_405 = tpu.vector_load %arg11[%get3A_403, %get3A_404] {strides = array<i32>} : memref<64x256xi32, #tpu.memory_space<vmem>>, vector<16xi32>,
        %eq3A_406 = arith.cmpi eq, %get3A_405, %get3A_64 : vector<16xi32>
        %sub3A_407 = arith.constant 2.000000e-01 : f32
        %sub3A_408 = vector.broadcast %sub3A_407 : f32 to vector<16xf32>
        %sub3A_409 = arith.subf %sub3A_408, %get3A_399 : vector<16xf32>
        %add3A_410 = arith.constant 2.000000e-01 : f32
        %add3A_411 = vector.broadcast %add3A_410 : f32 to vector<16xf32>
        %add3A_412 = arith.addf %add3A_411, %get3A_399 : vector<16xf32>
        %select_n3A_413 = arith.select %eq3A_406, %sub3A_409, %add3A_412 : vector<16xi1>, vector<16xf32>
        %max3A_414 = arith.constant 0.000000e+00 : f32
        %max3A_415 = vector.broadcast %max3A_414 : f32 to vector<16xf32>
        %max3A_416 = arith.maximumf %select_n3A_413, %max3A_415 : vector<16xf32>
        %gt3A_417 = arith.constant 0 : i32
        %gt3A_418 = vector.broadcast %gt3A_417 : i32 to vector<16xi32>
        %gt3A_419 = arith.cmpi sgt, %get3A_405, %gt3A_418 : vector<16xi32>
        %select_n3A_420 = arith.select %gt3A_419, %max3A_416, %broadcast_in_dim3A_1 : vector<16xi1>, vector<16xf32>
        %add3A_421 = arith.addf %add3A_388, %select_n3A_420 : vector<16xf32>
        %all_reduce_population_count3A_422 = tpu.all_reduce %gt3A_419 {dim = 0 : i64, kind = #tpu.reduction_kind<sum>} : vector<16xi1> -> vector<16xi32>
        %add3A_423 = arith.addi %add3A_390, %all_reduce_population_count3A_422 : vector<16xi32>
        %gt3A_424 = arith.cmpf ogt, %get3A_399, %max3A_392 : vector<16xf32>
        %max3A_425 = arith.maximumf %max3A_392, %get3A_399 : vector<16xf32>
        %select_n3A_426 = arith.select %gt3A_424, %get3A_405, %select_n3A_393 : vector<16xi1>, vector<16xi32>
        %mul3A_427 = arith.constant 16 : i32
        %mul3A_428 = arith.muli %scan3A_59, %mul3A_427 : i32
        %get3A_429 = arith.constant 11 : i32
        %get3A_430 = arith.index_cast %get3A_429 : i32 to index
        %get3A_431 = arith.index_cast %mul3A_428 : i32 to index
        %get3A_432 = tpu.vector_load %arg10[%get3A_430, %get3A_431] {strides = array<i32>} : memref<64x256xf32, #tpu.memory_space<vmem>>, vector<16xf32>,
        %mul3A_433 = arith.constant 16 : i32
        %mul3A_434 = arith.muli %scan3A_59, %mul3A_433 : i32
        %get3A_435 = arith.constant 11 : i32
        %get3A_436 = arith.index_cast %get3A_435 : i32 to index
        %get3A_437 = arith.index_cast %mul3A_434 : i32 to index
        %get3A_438 = tpu.vector_load %arg11[%get3A_436, %get3A_437] {strides = array<i32>} : memref<64x256xi32, #tpu.memory_space<vmem>>, vector<16xi32>,
        %eq3A_439 = arith.cmpi eq, %get3A_438, %get3A_64 : vector<16xi32>
        %sub3A_440 = arith.constant 2.000000e-01 : f32
        %sub3A_441 = vector.broadcast %sub3A_440 : f32 to vector<16xf32>
        %sub3A_442 = arith.subf %sub3A_441, %get3A_432 : vector<16xf32>
        %add3A_443 = arith.constant 2.000000e-01 : f32
        %add3A_444 = vector.broadcast %add3A_443 : f32 to vector<16xf32>
        %add3A_445 = arith.addf %add3A_444, %get3A_432 : vector<16xf32>
        %select_n3A_446 = arith.select %eq3A_439, %sub3A_442, %add3A_445 : vector<16xi1>, vector<16xf32>
        %max3A_447 = arith.constant 0.000000e+00 : f32
        %max3A_448 = vector.broadcast %max3A_447 : f32 to vector<16xf32>
        %max3A_449 = arith.maximumf %select_n3A_446, %max3A_448 : vector<16xf32>
        %gt3A_450 = arith.constant 0 : i32
        %gt3A_451 = vector.broadcast %gt3A_450 : i32 to vector<16xi32>
        %gt3A_452 = arith.cmpi sgt, %get3A_438, %gt3A_451 : vector<16xi32>
        %select_n3A_453 = arith.select %gt3A_452, %max3A_449, %broadcast_in_dim3A_1 : vector<16xi1>, vector<16xf32>
        %add3A_454 = arith.addf %add3A_421, %select_n3A_453 : vector<16xf32>
        %all_reduce_population_count3A_455 = tpu.all_reduce %gt3A_452 {dim = 0 : i64, kind = #tpu.reduction_kind<sum>} : vector<16xi1> -> vector<16xi32>
        %add3A_456 = arith.addi %add3A_423, %all_reduce_population_count3A_455 : vector<16xi32>
        %gt3A_457 = arith.cmpf ogt, %get3A_432, %max3A_425 : vector<16xf32>
        %max3A_458 = arith.maximumf %max3A_425, %get3A_432 : vector<16xf32>
        %select_n3A_459 = arith.select %gt3A_457, %get3A_438, %select_n3A_426 : vector<16xi1>, vector<16xi32>
        %mul3A_460 = arith.constant 16 : i32
        %mul3A_461 = arith.muli %scan3A_59, %mul3A_460 : i32
        %get3A_462 = arith.constant 12 : i32
        %get3A_463 = arith.index_cast %get3A_462 : i32 to index
        %get3A_464 = arith.index_cast %mul3A_461 : i32 to index
        %get3A_465 = tpu.vector_load %arg10[%get3A_463, %get3A_464] {strides = array<i32>} : memref<64x256xf32, #tpu.memory_space<vmem>>, vector<16xf32>,
        %mul3A_466 = arith.constant 16 : i32
        %mul3A_467 = arith.muli %scan3A_59, %mul3A_466 : i32
        %get3A_468 = arith.constant 12 : i32
        %get3A_469 = arith.index_cast %get3A_468 : i32 to index
        %get3A_470 = arith.index_cast %mul3A_467 : i32 to index
        %get3A_471 = tpu.vector_load %arg11[%get3A_469, %get3A_470] {strides = array<i32>} : memref<64x256xi32, #tpu.memory_space<vmem>>, vector<16xi32>,
        %eq3A_472 = arith.cmpi eq, %get3A_471, %get3A_64 : vector<16xi32>
        %sub3A_473 = arith.constant 2.000000e-01 : f32
        %sub3A_474 = vector.broadcast %sub3A_473 : f32 to vector<16xf32>
        %sub3A_475 = arith.subf %sub3A_474, %get3A_465 : vector<16xf32>
        %add3A_476 = arith.constant 2.000000e-01 : f32
        %add3A_477 = vector.broadcast %add3A_476 : f32 to vector<16xf32>
        %add3A_478 = arith.addf %add3A_477, %get3A_465 : vector<16xf32>
        %select_n3A_479 = arith.select %eq3A_472, %sub3A_475, %add3A_478 : vector<16xi1>, vector<16xf32>
        %max3A_480 = arith.constant 0.000000e+00 : f32
        %max3A_481 = vector.broadcast %max3A_480 : f32 to vector<16xf32>
        %max3A_482 = arith.maximumf %select_n3A_479, %max3A_481 : vector<16xf32>
        %gt3A_483 = arith.constant 0 : i32
        %gt3A_484 = vector.broadcast %gt3A_483 : i32 to vector<16xi32>
        %gt3A_485 = arith.cmpi sgt, %get3A_471, %gt3A_484 : vector<16xi32>
        %select_n3A_486 = arith.select %gt3A_485, %max3A_482, %broadcast_in_dim3A_1 : vector<16xi1>, vector<16xf32>
        %add3A_487 = arith.addf %add3A_454, %select_n3A_486 : vector<16xf32>
        %all_reduce_population_count3A_488 = tpu.all_reduce %gt3A_485 {dim = 0 : i64, kind = #tpu.reduction_kind<sum>} : vector<16xi1> -> vector<16xi32>
        %add3A_489 = arith.addi %add3A_456, %all_reduce_population_count3A_488 : vector<16xi32>
        %gt3A_490 = arith.cmpf ogt, %get3A_465, %max3A_458 : vector<16xf32>
        %max3A_491 = arith.maximumf %max3A_458, %get3A_465 : vector<16xf32>
        %select_n3A_492 = arith.select %gt3A_490, %get3A_471, %select_n3A_459 : vector<16xi1>, vector<16xi32>
        %mul3A_493 = arith.constant 16 : i32
        %mul3A_494 = arith.muli %scan3A_59, %mul3A_493 : i32
        %get3A_495 = arith.constant 13 : i32
        %get3A_496 = arith.index_cast %get3A_495 : i32 to index
        %get3A_497 = arith.index_cast %mul3A_494 : i32 to index
        %get3A_498 = tpu.vector_load %arg10[%get3A_496, %get3A_497] {strides = array<i32>} : memref<64x256xf32, #tpu.memory_space<vmem>>, vector<16xf32>,
        %mul3A_499 = arith.constant 16 : i32
        %mul3A_500 = arith.muli %scan3A_59, %mul3A_499 : i32
        %get3A_501 = arith.constant 13 : i32
        %get3A_502 = arith.index_cast %get3A_501 : i32 to index
        %get3A_503 = arith.index_cast %mul3A_500 : i32 to index
        %get3A_504 = tpu.vector_load %arg11[%get3A_502, %get3A_503] {strides = array<i32>} : memref<64x256xi32, #tpu.memory_space<vmem>>, vector<16xi32>,
        %eq3A_505 = arith.cmpi eq, %get3A_504, %get3A_64 : vector<16xi32>
        %sub3A_506 = arith.constant 2.000000e-01 : f32
        %sub3A_507 = vector.broadcast %sub3A_506 : f32 to vector<16xf32>
        %sub3A_508 = arith.subf %sub3A_507, %get3A_498 : vector<16xf32>
        %add3A_509 = arith.constant 2.000000e-01 : f32
        %add3A_510 = vector.broadcast %add3A_509 : f32 to vector<16xf32>
        %add3A_511 = arith.addf %add3A_510, %get3A_498 : vector<16xf32>
        %select_n3A_512 = arith.select %eq3A_505, %sub3A_508, %add3A_511 : vector<16xi1>, vector<16xf32>
        %max3A_513 = arith.constant 0.000000e+00 : f32
        %max3A_514 = vector.broadcast %max3A_513 : f32 to vector<16xf32>
        %max3A_515 = arith.maximumf %select_n3A_512, %max3A_514 : vector<16xf32>
        %gt3A_516 = arith.constant 0 : i32
        %gt3A_517 = vector.broadcast %gt3A_516 : i32 to vector<16xi32>
        %gt3A_518 = arith.cmpi sgt, %get3A_504, %gt3A_517 : vector<16xi32>
        %select_n3A_519 = arith.select %gt3A_518, %max3A_515, %broadcast_in_dim3A_1 : vector<16xi1>, vector<16xf32>
        %add3A_520 = arith.addf %add3A_487, %select_n3A_519 : vector<16xf32>
        %all_reduce_population_count3A_521 = tpu.all_reduce %gt3A_518 {dim = 0 : i64, kind = #tpu.reduction_kind<sum>} : vector<16xi1> -> vector<16xi32>
        %add3A_522 = arith.addi %add3A_489, %all_reduce_population_count3A_521 : vector<16xi32>
        %gt3A_523 = arith.cmpf ogt, %get3A_498, %max3A_491 : vector<16xf32>
        %max3A_524 = arith.maximumf %max3A_491, %get3A_498 : vector<16xf32>
        %select_n3A_525 = arith.select %gt3A_523, %get3A_504, %select_n3A_492 : vector<16xi1>, vector<16xi32>
        %mul3A_526 = arith.constant 16 : i32
        %mul3A_527 = arith.muli %scan3A_59, %mul3A_526 : i32
        %get3A_528 = arith.constant 14 : i32
        %get3A_529 = arith.index_cast %get3A_528 : i32 to index
        %get3A_530 = arith.index_cast %mul3A_527 : i32 to index
        %get3A_531 = tpu.vector_load %arg10[%get3A_529, %get3A_530] {strides = array<i32>} : memref<64x256xf32, #tpu.memory_space<vmem>>, vector<16xf32>,
        %mul3A_532 = arith.constant 16 : i32
        %mul3A_533 = arith.muli %scan3A_59, %mul3A_532 : i32
        %get3A_534 = arith.constant 14 : i32
        %get3A_535 = arith.index_cast %get3A_534 : i32 to index
        %get3A_536 = arith.index_cast %mul3A_533 : i32 to index
        %get3A_537 = tpu.vector_load %arg11[%get3A_535, %get3A_536] {strides = array<i32>} : memref<64x256xi32, #tpu.memory_space<vmem>>, vector<16xi32>,
        %eq3A_538 = arith.cmpi eq, %get3A_537, %get3A_64 : vector<16xi32>
        %sub3A_539 = arith.constant 2.000000e-01 : f32
        %sub3A_540 = vector.broadcast %sub3A_539 : f32 to vector<16xf32>
        %sub3A_541 = arith.subf %sub3A_540, %get3A_531 : vector<16xf32>
        %add3A_542 = arith.constant 2.000000e-01 : f32
        %add3A_543 = vector.broadcast %add3A_542 : f32 to vector<16xf32>
        %add3A_544 = arith.addf %add3A_543, %get3A_531 : vector<16xf32>
        %select_n3A_545 = arith.select %eq3A_538, %sub3A_541, %add3A_544 : vector<16xi1>, vector<16xf32>
        %max3A_546 = arith.constant 0.000000e+00 : f32
        %max3A_547 = vector.broadcast %max3A_546 : f32 to vector<16xf32>
        %max3A_548 = arith.maximumf %select_n3A_545, %max3A_547 : vector<16xf32>
        %gt3A_549 = arith.constant 0 : i32
        %gt3A_550 = vector.broadcast %gt3A_549 : i32 to vector<16xi32>
        %gt3A_551 = arith.cmpi sgt, %get3A_537, %gt3A_550 : vector<16xi32>
        %select_n3A_552 = arith.select %gt3A_551, %max3A_548, %broadcast_in_dim3A_1 : vector<16xi1>, vector<16xf32>
        %add3A_553 = arith.addf %add3A_520, %select_n3A_552 : vector<16xf32>
        %all_reduce_population_count3A_554 = tpu.all_reduce %gt3A_551 {dim = 0 : i64, kind = #tpu.reduction_kind<sum>} : vector<16xi1> -> vector<16xi32>
        %add3A_555 = arith.addi %add3A_522, %all_reduce_population_count3A_554 : vector<16xi32>
        %gt3A_556 = arith.cmpf ogt, %get3A_531, %max3A_524 : vector<16xf32>
        %max3A_557 = arith.maximumf %max3A_524, %get3A_531 : vector<16xf32>
        %select_n3A_558 = arith.select %gt3A_556, %get3A_537, %select_n3A_525 : vector<16xi1>, vector<16xi32>
        %mul3A_559 = arith.constant 16 : i32
        %mul3A_560 = arith.muli %scan3A_59, %mul3A_559 : i32
        %get3A_561 = arith.constant 15 : i32
        %get3A_562 = arith.index_cast %get3A_561 : i32 to index
        %get3A_563 = arith.index_cast %mul3A_560 : i32 to index
        %get3A_564 = tpu.vector_load %arg10[%get3A_562, %get3A_563] {strides = array<i32>} : memref<64x256xf32, #tpu.memory_space<vmem>>, vector<16xf32>,
        %mul3A_565 = arith.constant 16 : i32
        %mul3A_566 = arith.muli %scan3A_59, %mul3A_565 : i32
        %get3A_567 = arith.constant 15 : i32
        %get3A_568 = arith.index_cast %get3A_567 : i32 to index
        %get3A_569 = arith.index_cast %mul3A_566 : i32 to index
        %get3A_570 = tpu.vector_load %arg11[%get3A_568, %get3A_569] {strides = array<i32>} : memref<64x256xi32, #tpu.memory_space<vmem>>, vector<16xi32>,
        %eq3A_571 = arith.cmpi eq, %get3A_570, %get3A_64 : vector<16xi32>
        %sub3A_572 = arith.constant 2.000000e-01 : f32
        %sub3A_573 = vector.broadcast %sub3A_572 : f32 to vector<16xf32>
        %sub3A_574 = arith.subf %sub3A_573, %get3A_564 : vector<16xf32>
        %add3A_575 = arith.constant 2.000000e-01 : f32
        %add3A_576 = vector.broadcast %add3A_575 : f32 to vector<16xf32>
        %add3A_577 = arith.addf %add3A_576, %get3A_564 : vector<16xf32>
        %select_n3A_578 = arith.select %eq3A_571, %sub3A_574, %add3A_577 : vector<16xi1>, vector<16xf32>
        %max3A_579 = arith.constant 0.000000e+00 : f32
        %max3A_580 = vector.broadcast %max3A_579 : f32 to vector<16xf32>
        %max3A_581 = arith.maximumf %select_n3A_578, %max3A_580 : vector<16xf32>
        %gt3A_582 = arith.constant 0 : i32
        %gt3A_583 = vector.broadcast %gt3A_582 : i32 to vector<16xi32>
        %gt3A_584 = arith.cmpi sgt, %get3A_570, %gt3A_583 : vector<16xi32>
        %select_n3A_585 = arith.select %gt3A_584, %max3A_581, %broadcast_in_dim3A_1 : vector<16xi1>, vector<16xf32>
        %add3A_586 = arith.addf %add3A_553, %select_n3A_585 : vector<16xf32>
        %all_reduce_population_count3A_587 = tpu.all_reduce %gt3A_584 {dim = 0 : i64, kind = #tpu.reduction_kind<sum>} : vector<16xi1> -> vector<16xi32>
        %add3A_588 = arith.addi %add3A_555, %all_reduce_population_count3A_587 : vector<16xi32>
        %gt3A_589 = arith.cmpf ogt, %get3A_564, %max3A_557 : vector<16xf32>
        %max3A_590 = arith.maximumf %max3A_557, %get3A_564 : vector<16xf32>
        %select_n3A_591 = arith.select %gt3A_589, %get3A_570, %select_n3A_558 : vector<16xi1>, vector<16xi32>
        %mul3A_592 = arith.constant 16 : i32
        %mul3A_593 = arith.muli %scan3A_59, %mul3A_592 : i32
        %get3A_594 = arith.constant 16 : i32
        %get3A_595 = arith.index_cast %get3A_594 : i32 to index
        %get3A_596 = arith.index_cast %mul3A_593 : i32 to index
        %get3A_597 = tpu.vector_load %arg10[%get3A_595, %get3A_596] {strides = array<i32>} : memref<64x256xf32, #tpu.memory_space<vmem>>, vector<16xf32>,
        %mul3A_598 = arith.constant 16 : i32
        %mul3A_599 = arith.muli %scan3A_59, %mul3A_598 : i32
        %get3A_600 = arith.constant 16 : i32
        %get3A_601 = arith.index_cast %get3A_600 : i32 to index
        %get3A_602 = arith.index_cast %mul3A_599 : i32 to index
        %get3A_603 = tpu.vector_load %arg11[%get3A_601, %get3A_602] {strides = array<i32>} : memref<64x256xi32, #tpu.memory_space<vmem>>, vector<16xi32>,
        %eq3A_604 = arith.cmpi eq, %get3A_603, %get3A_64 : vector<16xi32>
        %sub3A_605 = arith.constant 2.000000e-01 : f32
        %sub3A_606 = vector.broadcast %sub3A_605 : f32 to vector<16xf32>
        %sub3A_607 = arith.subf %sub3A_606, %get3A_597 : vector<16xf32>
        %add3A_608 = arith.constant 2.000000e-01 : f32
        %add3A_609 = vector.broadcast %add3A_608 : f32 to vector<16xf32>
        %add3A_610 = arith.addf %add3A_609, %get3A_597 : vector<16xf32>
        %select_n3A_611 = arith.select %eq3A_604, %sub3A_607, %add3A_610 : vector<16xi1>, vector<16xf32>
        %max3A_612 = arith.constant 0.000000e+00 : f32
        %max3A_613 = vector.broadcast %max3A_612 : f32 to vector<16xf32>
        %max3A_614 = arith.maximumf %select_n3A_611, %max3A_613 : vector<16xf32>
        %gt3A_615 = arith.constant 0 : i32
        %gt3A_616 = vector.broadcast %gt3A_615 : i32 to vector<16xi32>
        %gt3A_617 = arith.cmpi sgt, %get3A_603, %gt3A_616 : vector<16xi32>
        %select_n3A_618 = arith.select %gt3A_617, %max3A_614, %broadcast_in_dim3A_1 : vector<16xi1>, vector<16xf32>
        %add3A_619 = arith.addf %add3A_586, %select_n3A_618 : vector<16xf32>
        %all_reduce_population_count3A_620 = tpu.all_reduce %gt3A_617 {dim = 0 : i64, kind = #tpu.reduction_kind<sum>} : vector<16xi1> -> vector<16xi32>
        %add3A_621 = arith.addi %add3A_588, %all_reduce_population_count3A_620 : vector<16xi32>
        %gt3A_622 = arith.cmpf ogt, %get3A_597, %max3A_590 : vector<16xf32>
        %max3A_623 = arith.maximumf %max3A_590, %get3A_597 : vector<16xf32>
        %select_n3A_624 = arith.select %gt3A_622, %get3A_603, %select_n3A_591 : vector<16xi1>, vector<16xi32>
        %mul3A_625 = arith.constant 16 : i32
        %mul3A_626 = arith.muli %scan3A_59, %mul3A_625 : i32
        %get3A_627 = arith.constant 17 : i32
        %get3A_628 = arith.index_cast %get3A_627 : i32 to index
        %get3A_629 = arith.index_cast %mul3A_626 : i32 to index
        %get3A_630 = tpu.vector_load %arg10[%get3A_628, %get3A_629] {strides = array<i32>} : memref<64x256xf32, #tpu.memory_space<vmem>>, vector<16xf32>,
        %mul3A_631 = arith.constant 16 : i32
        %mul3A_632 = arith.muli %scan3A_59, %mul3A_631 : i32
        %get3A_633 = arith.constant 17 : i32
        %get3A_634 = arith.index_cast %get3A_633 : i32 to index
        %get3A_635 = arith.index_cast %mul3A_632 : i32 to index
        %get3A_636 = tpu.vector_load %arg11[%get3A_634, %get3A_635] {strides = array<i32>} : memref<64x256xi32, #tpu.memory_space<vmem>>, vector<16xi32>,
        %eq3A_637 = arith.cmpi eq, %get3A_636, %get3A_64 : vector<16xi32>
        %sub3A_638 = arith.constant 2.000000e-01 : f32
        %sub3A_639 = vector.broadcast %sub3A_638 : f32 to vector<16xf32>
        %sub3A_640 = arith.subf %sub3A_639, %get3A_630 : vector<16xf32>
        %add3A_641 = arith.constant 2.000000e-01 : f32
        %add3A_642 = vector.broadcast %add3A_641 : f32 to vector<16xf32>
        %add3A_643 = arith.addf %add3A_642, %get3A_630 : vector<16xf32>
        %select_n3A_644 = arith.select %eq3A_637, %sub3A_640, %add3A_643 : vector<16xi1>, vector<16xf32>
        %max3A_645 = arith.constant 0.000000e+00 : f32
        %max3A_646 = vector.broadcast %max3A_645 : f32 to vector<16xf32>
        %max3A_647 = arith.maximumf %select_n3A_644, %max3A_646 : vector<16xf32>
        %gt3A_648 = arith.constant 0 : i32
        %gt3A_649 = vector.broadcast %gt3A_648 : i32 to vector<16xi32>
        %gt3A_650 = arith.cmpi sgt, %get3A_636, %gt3A_649 : vector<16xi32>
        %select_n3A_651 = arith.select %gt3A_650, %max3A_647, %broadcast_in_dim3A_1 : vector<16xi1>, vector<16xf32>
        %add3A_652 = arith.addf %add3A_619, %select_n3A_651 : vector<16xf32>
        %all_reduce_population_count3A_653 = tpu.all_reduce %gt3A_650 {dim = 0 : i64, kind = #tpu.reduction_kind<sum>} : vector<16xi1> -> vector<16xi32>
        %add3A_654 = arith.addi %add3A_621, %all_reduce_population_count3A_653 : vector<16xi32>
        %gt3A_655 = arith.cmpf ogt, %get3A_630, %max3A_623 : vector<16xf32>
        %max3A_656 = arith.maximumf %max3A_623, %get3A_630 : vector<16xf32>
        %select_n3A_657 = arith.select %gt3A_655, %get3A_636, %select_n3A_624 : vector<16xi1>, vector<16xi32>
        %mul3A_658 = arith.constant 16 : i32
        %mul3A_659 = arith.muli %scan3A_59, %mul3A_658 : i32
        %get3A_660 = arith.constant 18 : i32
        %get3A_661 = arith.index_cast %get3A_660 : i32 to index
        %get3A_662 = arith.index_cast %mul3A_659 : i32 to index
        %get3A_663 = tpu.vector_load %arg10[%get3A_661, %get3A_662] {strides = array<i32>} : memref<64x256xf32, #tpu.memory_space<vmem>>, vector<16xf32>,
        %mul3A_664 = arith.constant 16 : i32
        %mul3A_665 = arith.muli %scan3A_59, %mul3A_664 : i32
        %get3A_666 = arith.constant 18 : i32
        %get3A_667 = arith.index_cast %get3A_666 : i32 to index
        %get3A_668 = arith.index_cast %mul3A_665 : i32 to index
        %get3A_669 = tpu.vector_load %arg11[%get3A_667, %get3A_668] {strides = array<i32>} : memref<64x256xi32, #tpu.memory_space<vmem>>, vector<16xi32>,
        %eq3A_670 = arith.cmpi eq, %get3A_669, %get3A_64 : vector<16xi32>
        %sub3A_671 = arith.constant 2.000000e-01 : f32
        %sub3A_672 = vector.broadcast %sub3A_671 : f32 to vector<16xf32>
        %sub3A_673 = arith.subf %sub3A_672, %get3A_663 : vector<16xf32>
        %add3A_674 = arith.constant 2.000000e-01 : f32
        %add3A_675 = vector.broadcast %add3A_674 : f32 to vector<16xf32>
        %add3A_676 = arith.addf %add3A_675, %get3A_663 : vector<16xf32>
        %select_n3A_677 = arith.select %eq3A_670, %sub3A_673, %add3A_676 : vector<16xi1>, vector<16xf32>
        %max3A_678 = arith.constant 0.000000e+00 : f32
        %max3A_679 = vector.broadcast %max3A_678 : f32 to vector<16xf32>
        %max3A_680 = arith.maximumf %select_n3A_677, %max3A_679 : vector<16xf32>
        %gt3A_681 = arith.constant 0 : i32
        %gt3A_682 = vector.broadcast %gt3A_681 : i32 to vector<16xi32>
        %gt3A_683 = arith.cmpi sgt, %get3A_669, %gt3A_682 : vector<16xi32>
        %select_n3A_684 = arith.select %gt3A_683, %max3A_680, %broadcast_in_dim3A_1 : vector<16xi1>, vector<16xf32>
        %add3A_685 = arith.addf %add3A_652, %select_n3A_684 : vector<16xf32>
        %all_reduce_population_count3A_686 = tpu.all_reduce %gt3A_683 {dim = 0 : i64, kind = #tpu.reduction_kind<sum>} : vector<16xi1> -> vector<16xi32>
        %add3A_687 = arith.addi %add3A_654, %all_reduce_population_count3A_686 : vector<16xi32>
        %gt3A_688 = arith.cmpf ogt, %get3A_663, %max3A_656 : vector<16xf32>
        %max3A_689 = arith.maximumf %max3A_656, %get3A_663 : vector<16xf32>
        %select_n3A_690 = arith.select %gt3A_688, %get3A_669, %select_n3A_657 : vector<16xi1>, vector<16xi32>
        %mul3A_691 = arith.constant 16 : i32
        %mul3A_692 = arith.muli %scan3A_59, %mul3A_691 : i32
        %get3A_693 = arith.constant 19 : i32
        %get3A_694 = arith.index_cast %get3A_693 : i32 to index
        %get3A_695 = arith.index_cast %mul3A_692 : i32 to index
        %get3A_696 = tpu.vector_load %arg10[%get3A_694, %get3A_695] {strides = array<i32>} : memref<64x256xf32, #tpu.memory_space<vmem>>, vector<16xf32>,
        %mul3A_697 = arith.constant 16 : i32
        %mul3A_698 = arith.muli %scan3A_59, %mul3A_697 : i32
        %get3A_699 = arith.constant 19 : i32
        %get3A_700 = arith.index_cast %get3A_699 : i32 to index
        %get3A_701 = arith.index_cast %mul3A_698 : i32 to index
        %get3A_702 = tpu.vector_load %arg11[%get3A_700, %get3A_701] {strides = array<i32>} : memref<64x256xi32, #tpu.memory_space<vmem>>, vector<16xi32>,
        %eq3A_703 = arith.cmpi eq, %get3A_702, %get3A_64 : vector<16xi32>
        %sub3A_704 = arith.constant 2.000000e-01 : f32
        %sub3A_705 = vector.broadcast %sub3A_704 : f32 to vector<16xf32>
        %sub3A_706 = arith.subf %sub3A_705, %get3A_696 : vector<16xf32>
        %add3A_707 = arith.constant 2.000000e-01 : f32
        %add3A_708 = vector.broadcast %add3A_707 : f32 to vector<16xf32>
        %add3A_709 = arith.addf %add3A_708, %get3A_696 : vector<16xf32>
        %select_n3A_710 = arith.select %eq3A_703, %sub3A_706, %add3A_709 : vector<16xi1>, vector<16xf32>
        %max3A_711 = arith.constant 0.000000e+00 : f32
        %max3A_712 = vector.broadcast %max3A_711 : f32 to vector<16xf32>
        %max3A_713 = arith.maximumf %select_n3A_710, %max3A_712 : vector<16xf32>
        %gt3A_714 = arith.constant 0 : i32
        %gt3A_715 = vector.broadcast %gt3A_714 : i32 to vector<16xi32>
        %gt3A_716 = arith.cmpi sgt, %get3A_702, %gt3A_715 : vector<16xi32>
        %select_n3A_717 = arith.select %gt3A_716, %max3A_713, %broadcast_in_dim3A_1 : vector<16xi1>, vector<16xf32>
        %add3A_718 = arith.addf %add3A_685, %select_n3A_717 : vector<16xf32>
        %all_reduce_population_count3A_719 = tpu.all_reduce %gt3A_716 {dim = 0 : i64, kind = #tpu.reduction_kind<sum>} : vector<16xi1> -> vector<16xi32>
        %add3A_720 = arith.addi %add3A_687, %all_reduce_population_count3A_719 : vector<16xi32>
        %gt3A_721 = arith.cmpf ogt, %get3A_696, %max3A_689 : vector<16xf32>
        %max3A_722 = arith.maximumf %max3A_689, %get3A_696 : vector<16xf32>
        %select_n3A_723 = arith.select %gt3A_721, %get3A_702, %select_n3A_690 : vector<16xi1>, vector<16xi32>
        %mul3A_724 = arith.constant 16 : i32
        %mul3A_725 = arith.muli %scan3A_59, %mul3A_724 : i32
        %get3A_726 = arith.constant 20 : i32
        %get3A_727 = arith.index_cast %get3A_726 : i32 to index
        %get3A_728 = arith.index_cast %mul3A_725 : i32 to index
        %get3A_729 = tpu.vector_load %arg10[%get3A_727, %get3A_728] {strides = array<i32>} : memref<64x256xf32, #tpu.memory_space<vmem>>, vector<16xf32>,
        %mul3A_730 = arith.constant 16 : i32
        %mul3A_731 = arith.muli %scan3A_59, %mul3A_730 : i32
        %get3A_732 = arith.constant 20 : i32
        %get3A_733 = arith.index_cast %get3A_732 : i32 to index
        %get3A_734 = arith.index_cast %mul3A_731 : i32 to index
        %get3A_735 = tpu.vector_load %arg11[%get3A_733, %get3A_734] {strides = array<i32>} : memref<64x256xi32, #tpu.memory_space<vmem>>, vector<16xi32>,
        %eq3A_736 = arith.cmpi eq, %get3A_735, %get3A_64 : vector<16xi32>
        %sub3A_737 = arith.constant 2.000000e-01 : f32
        %sub3A_738 = vector.broadcast %sub3A_737 : f32 to vector<16xf32>
        %sub3A_739 = arith.subf %sub3A_738, %get3A_729 : vector<16xf32>
        %add3A_740 = arith.constant 2.000000e-01 : f32
        %add3A_741 = vector.broadcast %add3A_740 : f32 to vector<16xf32>
        %add3A_742 = arith.addf %add3A_741, %get3A_729 : vector<16xf32>
        %select_n3A_743 = arith.select %eq3A_736, %sub3A_739, %add3A_742 : vector<16xi1>, vector<16xf32>
        %max3A_744 = arith.constant 0.000000e+00 : f32
        %max3A_745 = vector.broadcast %max3A_744 : f32 to vector<16xf32>
        %max3A_746 = arith.maximumf %select_n3A_743, %max3A_745 : vector<16xf32>
        %gt3A_747 = arith.constant 0 : i32
        %gt3A_748 = vector.broadcast %gt3A_747 : i32 to vector<16xi32>
        %gt3A_749 = arith.cmpi sgt, %get3A_735, %gt3A_748 : vector<16xi32>
        %select_n3A_750 = arith.select %gt3A_749, %max3A_746, %broadcast_in_dim3A_1 : vector<16xi1>, vector<16xf32>
        %add3A_751 = arith.addf %add3A_718, %select_n3A_750 : vector<16xf32>
        %all_reduce_population_count3A_752 = tpu.all_reduce %gt3A_749 {dim = 0 : i64, kind = #tpu.reduction_kind<sum>} : vector<16xi1> -> vector<16xi32>
        %add3A_753 = arith.addi %add3A_720, %all_reduce_population_count3A_752 : vector<16xi32>
        %gt3A_754 = arith.cmpf ogt, %get3A_729, %max3A_722 : vector<16xf32>
        %max3A_755 = arith.maximumf %max3A_722, %get3A_729 : vector<16xf32>
        %select_n3A_756 = arith.select %gt3A_754, %get3A_735, %select_n3A_723 : vector<16xi1>, vector<16xi32>
        %mul3A_757 = arith.constant 16 : i32
        %mul3A_758 = arith.muli %scan3A_59, %mul3A_757 : i32
        %get3A_759 = arith.constant 21 : i32
        %get3A_760 = arith.index_cast %get3A_759 : i32 to index
        %get3A_761 = arith.index_cast %mul3A_758 : i32 to index
        %get3A_762 = tpu.vector_load %arg10[%get3A_760, %get3A_761] {strides = array<i32>} : memref<64x256xf32, #tpu.memory_space<vmem>>, vector<16xf32>,
        %mul3A_763 = arith.constant 16 : i32
        %mul3A_764 = arith.muli %scan3A_59, %mul3A_763 : i32
        %get3A_765 = arith.constant 21 : i32
        %get3A_766 = arith.index_cast %get3A_765 : i32 to index
        %get3A_767 = arith.index_cast %mul3A_764 : i32 to index
        %get3A_768 = tpu.vector_load %arg11[%get3A_766, %get3A_767] {strides = array<i32>} : memref<64x256xi32, #tpu.memory_space<vmem>>, vector<16xi32>,
        %eq3A_769 = arith.cmpi eq, %get3A_768, %get3A_64 : vector<16xi32>
        %sub3A_770 = arith.constant 2.000000e-01 : f32
        %sub3A_771 = vector.broadcast %sub3A_770 : f32 to vector<16xf32>
        %sub3A_772 = arith.subf %sub3A_771, %get3A_762 : vector<16xf32>
        %add3A_773 = arith.constant 2.000000e-01 : f32
        %add3A_774 = vector.broadcast %add3A_773 : f32 to vector<16xf32>
        %add3A_775 = arith.addf %add3A_774, %get3A_762 : vector<16xf32>
        %select_n3A_776 = arith.select %eq3A_769, %sub3A_772, %add3A_775 : vector<16xi1>, vector<16xf32>
        %max3A_777 = arith.constant 0.000000e+00 : f32
        %max3A_778 = vector.broadcast %max3A_777 : f32 to vector<16xf32>
        %max3A_779 = arith.maximumf %select_n3A_776, %max3A_778 : vector<16xf32>
        %gt3A_780 = arith.constant 0 : i32
        %gt3A_781 = vector.broadcast %gt3A_780 : i32 to vector<16xi32>
        %gt3A_782 = arith.cmpi sgt, %get3A_768, %gt3A_781 : vector<16xi32>
        %select_n3A_783 = arith.select %gt3A_782, %max3A_779, %broadcast_in_dim3A_1 : vector<16xi1>, vector<16xf32>
        %add3A_784 = arith.addf %add3A_751, %select_n3A_783 : vector<16xf32>
        %all_reduce_population_count3A_785 = tpu.all_reduce %gt3A_782 {dim = 0 : i64, kind = #tpu.reduction_kind<sum>} : vector<16xi1> -> vector<16xi32>
        %add3A_786 = arith.addi %add3A_753, %all_reduce_population_count3A_785 : vector<16xi32>
        %gt3A_787 = arith.cmpf ogt, %get3A_762, %max3A_755 : vector<16xf32>
        %max3A_788 = arith.maximumf %max3A_755, %get3A_762 : vector<16xf32>
        %select_n3A_789 = arith.select %gt3A_787, %get3A_768, %select_n3A_756 : vector<16xi1>, vector<16xi32>
        %mul3A_790 = arith.constant 16 : i32
        %mul3A_791 = arith.muli %scan3A_59, %mul3A_790 : i32
        %get3A_792 = arith.constant 22 : i32
        %get3A_793 = arith.index_cast %get3A_792 : i32 to index
        %get3A_794 = arith.index_cast %mul3A_791 : i32 to index
        %get3A_795 = tpu.vector_load %arg10[%get3A_793, %get3A_794] {strides = array<i32>} : memref<64x256xf32, #tpu.memory_space<vmem>>, vector<16xf32>,
        %mul3A_796 = arith.constant 16 : i32
        %mul3A_797 = arith.muli %scan3A_59, %mul3A_796 : i32
        %get3A_798 = arith.constant 22 : i32
        %get3A_799 = arith.index_cast %get3A_798 : i32 to index
        %get3A_800 = arith.index_cast %mul3A_797 : i32 to index
        %get3A_801 = tpu.vector_load %arg11[%get3A_799, %get3A_800] {strides = array<i32>} : memref<64x256xi32, #tpu.memory_space<vmem>>, vector<16xi32>,
        %eq3A_802 = arith.cmpi eq, %get3A_801, %get3A_64 : vector<16xi32>
        %sub3A_803 = arith.constant 2.000000e-01 : f32
        %sub3A_804 = vector.broadcast %sub3A_803 : f32 to vector<16xf32>
        %sub3A_805 = arith.subf %sub3A_804, %get3A_795 : vector<16xf32>
        %add3A_806 = arith.constant 2.000000e-01 : f32
        %add3A_807 = vector.broadcast %add3A_806 : f32 to vector<16xf32>
        %add3A_808 = arith.addf %add3A_807, %get3A_795 : vector<16xf32>
        %select_n3A_809 = arith.select %eq3A_802, %sub3A_805, %add3A_808 : vector<16xi1>, vector<16xf32>
        %max3A_810 = arith.constant 0.000000e+00 : f32
        %max3A_811 = vector.broadcast %max3A_810 : f32 to vector<16xf32>
        %max3A_812 = arith.maximumf %select_n3A_809, %max3A_811 : vector<16xf32>
        %gt3A_813 = arith.constant 0 : i32
        %gt3A_814 = vector.broadcast %gt3A_813 : i32 to vector<16xi32>
        %gt3A_815 = arith.cmpi sgt, %get3A_801, %gt3A_814 : vector<16xi32>
        %select_n3A_816 = arith.select %gt3A_815, %max3A_812, %broadcast_in_dim3A_1 : vector<16xi1>, vector<16xf32>
        %add3A_817 = arith.addf %add3A_784, %select_n3A_816 : vector<16xf32>
        %all_reduce_population_count3A_818 = tpu.all_reduce %gt3A_815 {dim = 0 : i64, kind = #tpu.reduction_kind<sum>} : vector<16xi1> -> vector<16xi32>
        %add3A_819 = arith.addi %add3A_786, %all_reduce_population_count3A_818 : vector<16xi32>
        %gt3A_820 = arith.cmpf ogt, %get3A_795, %max3A_788 : vector<16xf32>
        %max3A_821 = arith.maximumf %max3A_788, %get3A_795 : vector<16xf32>
        %select_n3A_822 = arith.select %gt3A_820, %get3A_801, %select_n3A_789 : vector<16xi1>, vector<16xi32>
        %mul3A_823 = arith.constant 16 : i32
        %mul3A_824 = arith.muli %scan3A_59, %mul3A_823 : i32
        %get3A_825 = arith.constant 23 : i32
        %get3A_826 = arith.index_cast %get3A_825 : i32 to index
        %get3A_827 = arith.index_cast %mul3A_824 : i32 to index
        %get3A_828 = tpu.vector_load %arg10[%get3A_826, %get3A_827] {strides = array<i32>} : memref<64x256xf32, #tpu.memory_space<vmem>>, vector<16xf32>,
        %mul3A_829 = arith.constant 16 : i32
        %mul3A_830 = arith.muli %scan3A_59, %mul3A_829 : i32
        %get3A_831 = arith.constant 23 : i32
        %get3A_832 = arith.index_cast %get3A_831 : i32 to index
        %get3A_833 = arith.index_cast %mul3A_830 : i32 to index
        %get3A_834 = tpu.vector_load %arg11[%get3A_832, %get3A_833] {strides = array<i32>} : memref<64x256xi32, #tpu.memory_space<vmem>>, vector<16xi32>,
        %eq3A_835 = arith.cmpi eq, %get3A_834, %get3A_64 : vector<16xi32>
        %sub3A_836 = arith.constant 2.000000e-01 : f32
        %sub3A_837 = vector.broadcast %sub3A_836 : f32 to vector<16xf32>
        %sub3A_838 = arith.subf %sub3A_837, %get3A_828 : vector<16xf32>
        %add3A_839 = arith.constant 2.000000e-01 : f32
        %add3A_840 = vector.broadcast %add3A_839 : f32 to vector<16xf32>
        %add3A_841 = arith.addf %add3A_840, %get3A_828 : vector<16xf32>
        %select_n3A_842 = arith.select %eq3A_835, %sub3A_838, %add3A_841 : vector<16xi1>, vector<16xf32>
        %max3A_843 = arith.constant 0.000000e+00 : f32
        %max3A_844 = vector.broadcast %max3A_843 : f32 to vector<16xf32>
        %max3A_845 = arith.maximumf %select_n3A_842, %max3A_844 : vector<16xf32>
        %gt3A_846 = arith.constant 0 : i32
        %gt3A_847 = vector.broadcast %gt3A_846 : i32 to vector<16xi32>
        %gt3A_848 = arith.cmpi sgt, %get3A_834, %gt3A_847 : vector<16xi32>
        %select_n3A_849 = arith.select %gt3A_848, %max3A_845, %broadcast_in_dim3A_1 : vector<16xi1>, vector<16xf32>
        %add3A_850 = arith.addf %add3A_817, %select_n3A_849 : vector<16xf32>
        %all_reduce_population_count3A_851 = tpu.all_reduce %gt3A_848 {dim = 0 : i64, kind = #tpu.reduction_kind<sum>} : vector<16xi1> -> vector<16xi32>
        %add3A_852 = arith.addi %add3A_819, %all_reduce_population_count3A_851 : vector<16xi32>
        %gt3A_853 = arith.cmpf ogt, %get3A_828, %max3A_821 : vector<16xf32>
        %max3A_854 = arith.maximumf %max3A_821, %get3A_828 : vector<16xf32>
        %select_n3A_855 = arith.select %gt3A_853, %get3A_834, %select_n3A_822 : vector<16xi1>, vector<16xi32>
        %mul3A_856 = arith.constant 16 : i32
        %mul3A_857 = arith.muli %scan3A_59, %mul3A_856 : i32
        %get3A_858 = arith.constant 24 : i32
        %get3A_859 = arith.index_cast %get3A_858 : i32 to index
        %get3A_860 = arith.index_cast %mul3A_857 : i32 to index
        %get3A_861 = tpu.vector_load %arg10[%get3A_859, %get3A_860] {strides = array<i32>} : memref<64x256xf32, #tpu.memory_space<vmem>>, vector<16xf32>,
        %mul3A_862 = arith.constant 16 : i32
        %mul3A_863 = arith.muli %scan3A_59, %mul3A_862 : i32
        %get3A_864 = arith.constant 24 : i32
        %get3A_865 = arith.index_cast %get3A_864 : i32 to index
        %get3A_866 = arith.index_cast %mul3A_863 : i32 to index
        %get3A_867 = tpu.vector_load %arg11[%get3A_865, %get3A_866] {strides = array<i32>} : memref<64x256xi32, #tpu.memory_space<vmem>>, vector<16xi32>,
        %eq3A_868 = arith.cmpi eq, %get3A_867, %get3A_64 : vector<16xi32>
        %sub3A_869 = arith.constant 2.000000e-01 : f32
        %sub3A_870 = vector.broadcast %sub3A_869 : f32 to vector<16xf32>
        %sub3A_871 = arith.subf %sub3A_870, %get3A_861 : vector<16xf32>
        %add3A_872 = arith.constant 2.000000e-01 : f32
        %add3A_873 = vector.broadcast %add3A_872 : f32 to vector<16xf32>
        %add3A_874 = arith.addf %add3A_873, %get3A_861 : vector<16xf32>
        %select_n3A_875 = arith.select %eq3A_868, %sub3A_871, %add3A_874 : vector<16xi1>, vector<16xf32>
        %max3A_876 = arith.constant 0.000000e+00 : f32
        %max3A_877 = vector.broadcast %max3A_876 : f32 to vector<16xf32>
        %max3A_878 = arith.maximumf %select_n3A_875, %max3A_877 : vector<16xf32>
        %gt3A_879 = arith.constant 0 : i32
        %gt3A_880 = vector.broadcast %gt3A_879 : i32 to vector<16xi32>
        %gt3A_881 = arith.cmpi sgt, %get3A_867, %gt3A_880 : vector<16xi32>
        %select_n3A_882 = arith.select %gt3A_881, %max3A_878, %broadcast_in_dim3A_1 : vector<16xi1>, vector<16xf32>
        %add3A_883 = arith.addf %add3A_850, %select_n3A_882 : vector<16xf32>
        %all_reduce_population_count3A_884 = tpu.all_reduce %gt3A_881 {dim = 0 : i64, kind = #tpu.reduction_kind<sum>} : vector<16xi1> -> vector<16xi32>
        %add3A_885 = arith.addi %add3A_852, %all_reduce_population_count3A_884 : vector<16xi32>
        %gt3A_886 = arith.cmpf ogt, %get3A_861, %max3A_854 : vector<16xf32>
        %max3A_887 = arith.maximumf %max3A_854, %get3A_861 : vector<16xf32>
        %select_n3A_888 = arith.select %gt3A_886, %get3A_867, %select_n3A_855 : vector<16xi1>, vector<16xi32>
        %mul3A_889 = arith.constant 16 : i32
        %mul3A_890 = arith.muli %scan3A_59, %mul3A_889 : i32
        %get3A_891 = arith.constant 25 : i32
        %get3A_892 = arith.index_cast %get3A_891 : i32 to index
        %get3A_893 = arith.index_cast %mul3A_890 : i32 to index
        %get3A_894 = tpu.vector_load %arg10[%get3A_892, %get3A_893] {strides = array<i32>} : memref<64x256xf32, #tpu.memory_space<vmem>>, vector<16xf32>,
        %mul3A_895 = arith.constant 16 : i32
        %mul3A_896 = arith.muli %scan3A_59, %mul3A_895 : i32
        %get3A_897 = arith.constant 25 : i32
        %get3A_898 = arith.index_cast %get3A_897 : i32 to index
        %get3A_899 = arith.index_cast %mul3A_896 : i32 to index
        %get3A_900 = tpu.vector_load %arg11[%get3A_898, %get3A_899] {strides = array<i32>} : memref<64x256xi32, #tpu.memory_space<vmem>>, vector<16xi32>,
        %eq3A_901 = arith.cmpi eq, %get3A_900, %get3A_64 : vector<16xi32>
        %sub3A_902 = arith.constant 2.000000e-01 : f32
        %sub3A_903 = vector.broadcast %sub3A_902 : f32 to vector<16xf32>
        %sub3A_904 = arith.subf %sub3A_903, %get3A_894 : vector<16xf32>
        %add3A_905 = arith.constant 2.000000e-01 : f32
        %add3A_906 = vector.broadcast %add3A_905 : f32 to vector<16xf32>
        %add3A_907 = arith.addf %add3A_906, %get3A_894 : vector<16xf32>
        %select_n3A_908 = arith.select %eq3A_901, %sub3A_904, %add3A_907 : vector<16xi1>, vector<16xf32>
        %max3A_909 = arith.constant 0.000000e+00 : f32
        %max3A_910 = vector.broadcast %max3A_909 : f32 to vector<16xf32>
        %max3A_911 = arith.maximumf %select_n3A_908, %max3A_910 : vector<16xf32>
        %gt3A_912 = arith.constant 0 : i32
        %gt3A_913 = vector.broadcast %gt3A_912 : i32 to vector<16xi32>
        %gt3A_914 = arith.cmpi sgt, %get3A_900, %gt3A_913 : vector<16xi32>
        %select_n3A_915 = arith.select %gt3A_914, %max3A_911, %broadcast_in_dim3A_1 : vector<16xi1>, vector<16xf32>
        %add3A_916 = arith.addf %add3A_883, %select_n3A_915 : vector<16xf32>
        %all_reduce_population_count3A_917 = tpu.all_reduce %gt3A_914 {dim = 0 : i64, kind = #tpu.reduction_kind<sum>} : vector<16xi1> -> vector<16xi32>
        %add3A_918 = arith.addi %add3A_885, %all_reduce_population_count3A_917 : vector<16xi32>
        %gt3A_919 = arith.cmpf ogt, %get3A_894, %max3A_887 : vector<16xf32>
        %max3A_920 = arith.maximumf %max3A_887, %get3A_894 : vector<16xf32>
        %select_n3A_921 = arith.select %gt3A_919, %get3A_900, %select_n3A_888 : vector<16xi1>, vector<16xi32>
        %mul3A_922 = arith.constant 16 : i32
        %mul3A_923 = arith.muli %scan3A_59, %mul3A_922 : i32
        %get3A_924 = arith.constant 26 : i32
        %get3A_925 = arith.index_cast %get3A_924 : i32 to index
        %get3A_926 = arith.index_cast %mul3A_923 : i32 to index
        %get3A_927 = tpu.vector_load %arg10[%get3A_925, %get3A_926] {strides = array<i32>} : memref<64x256xf32, #tpu.memory_space<vmem>>, vector<16xf32>,
        %mul3A_928 = arith.constant 16 : i32
        %mul3A_929 = arith.muli %scan3A_59, %mul3A_928 : i32
        %get3A_930 = arith.constant 26 : i32
        %get3A_931 = arith.index_cast %get3A_930 : i32 to index
        %get3A_932 = arith.index_cast %mul3A_929 : i32 to index
        %get3A_933 = tpu.vector_load %arg11[%get3A_931, %get3A_932] {strides = array<i32>} : memref<64x256xi32, #tpu.memory_space<vmem>>, vector<16xi32>,
        %eq3A_934 = arith.cmpi eq, %get3A_933, %get3A_64 : vector<16xi32>
        %sub3A_935 = arith.constant 2.000000e-01 : f32
        %sub3A_936 = vector.broadcast %sub3A_935 : f32 to vector<16xf32>
        %sub3A_937 = arith.subf %sub3A_936, %get3A_927 : vector<16xf32>
        %add3A_938 = arith.constant 2.000000e-01 : f32
        %add3A_939 = vector.broadcast %add3A_938 : f32 to vector<16xf32>
        %add3A_940 = arith.addf %add3A_939, %get3A_927 : vector<16xf32>
        %select_n3A_941 = arith.select %eq3A_934, %sub3A_937, %add3A_940 : vector<16xi1>, vector<16xf32>
        %max3A_942 = arith.constant 0.000000e+00 : f32
        %max3A_943 = vector.broadcast %max3A_942 : f32 to vector<16xf32>
        %max3A_944 = arith.maximumf %select_n3A_941, %max3A_943 : vector<16xf32>
        %gt3A_945 = arith.constant 0 : i32
        %gt3A_946 = vector.broadcast %gt3A_945 : i32 to vector<16xi32>
        %gt3A_947 = arith.cmpi sgt, %get3A_933, %gt3A_946 : vector<16xi32>
        %select_n3A_948 = arith.select %gt3A_947, %max3A_944, %broadcast_in_dim3A_1 : vector<16xi1>, vector<16xf32>
        %add3A_949 = arith.addf %add3A_916, %select_n3A_948 : vector<16xf32>
        %all_reduce_population_count3A_950 = tpu.all_reduce %gt3A_947 {dim = 0 : i64, kind = #tpu.reduction_kind<sum>} : vector<16xi1> -> vector<16xi32>
        %add3A_951 = arith.addi %add3A_918, %all_reduce_population_count3A_950 : vector<16xi32>
        %gt3A_952 = arith.cmpf ogt, %get3A_927, %max3A_920 : vector<16xf32>
        %max3A_953 = arith.maximumf %max3A_920, %get3A_927 : vector<16xf32>
        %select_n3A_954 = arith.select %gt3A_952, %get3A_933, %select_n3A_921 : vector<16xi1>, vector<16xi32>
        %mul3A_955 = arith.constant 16 : i32
        %mul3A_956 = arith.muli %scan3A_59, %mul3A_955 : i32
        %get3A_957 = arith.constant 27 : i32
        %get3A_958 = arith.index_cast %get3A_957 : i32 to index
        %get3A_959 = arith.index_cast %mul3A_956 : i32 to index
        %get3A_960 = tpu.vector_load %arg10[%get3A_958, %get3A_959] {strides = array<i32>} : memref<64x256xf32, #tpu.memory_space<vmem>>, vector<16xf32>,
        %mul3A_961 = arith.constant 16 : i32
        %mul3A_962 = arith.muli %scan3A_59, %mul3A_961 : i32
        %get3A_963 = arith.constant 27 : i32
        %get3A_964 = arith.index_cast %get3A_963 : i32 to index
        %get3A_965 = arith.index_cast %mul3A_962 : i32 to index
        %get3A_966 = tpu.vector_load %arg11[%get3A_964, %get3A_965] {strides = array<i32>} : memref<64x256xi32, #tpu.memory_space<vmem>>, vector<16xi32>,
        %eq3A_967 = arith.cmpi eq, %get3A_966, %get3A_64 : vector<16xi32>
        %sub3A_968 = arith.constant 2.000000e-01 : f32
        %sub3A_969 = vector.broadcast %sub3A_968 : f32 to vector<16xf32>
        %sub3A_970 = arith.subf %sub3A_969, %get3A_960 : vector<16xf32>
        %add3A_971 = arith.constant 2.000000e-01 : f32
        %add3A_972 = vector.broadcast %add3A_971 : f32 to vector<16xf32>
        %add3A_973 = arith.addf %add3A_972, %get3A_960 : vector<16xf32>
        %select_n3A_974 = arith.select %eq3A_967, %sub3A_970, %add3A_973 : vector<16xi1>, vector<16xf32>
        %max3A_975 = arith.constant 0.000000e+00 : f32
        %max3A_976 = vector.broadcast %max3A_975 : f32 to vector<16xf32>
        %max3A_977 = arith.maximumf %select_n3A_974, %max3A_976 : vector<16xf32>
        %gt3A_978 = arith.constant 0 : i32
        %gt3A_979 = vector.broadcast %gt3A_978 : i32 to vector<16xi32>
        %gt3A_980 = arith.cmpi sgt, %get3A_966, %gt3A_979 : vector<16xi32>
        %select_n3A_981 = arith.select %gt3A_980, %max3A_977, %broadcast_in_dim3A_1 : vector<16xi1>, vector<16xf32>
        %add3A_982 = arith.addf %add3A_949, %select_n3A_981 : vector<16xf32>
        %all_reduce_population_count3A_983 = tpu.all_reduce %gt3A_980 {dim = 0 : i64, kind = #tpu.reduction_kind<sum>} : vector<16xi1> -> vector<16xi32>
        %add3A_984 = arith.addi %add3A_951, %all_reduce_population_count3A_983 : vector<16xi32>
        %gt3A_985 = arith.cmpf ogt, %get3A_960, %max3A_953 : vector<16xf32>
        %max3A_986 = arith.maximumf %max3A_953, %get3A_960 : vector<16xf32>
        %select_n3A_987 = arith.select %gt3A_985, %get3A_966, %select_n3A_954 : vector<16xi1>, vector<16xi32>
        %mul3A_988 = arith.constant 16 : i32
        %mul3A_989 = arith.muli %scan3A_59, %mul3A_988 : i32
        %get3A_990 = arith.constant 28 : i32
        %get3A_991 = arith.index_cast %get3A_990 : i32 to index
        %get3A_992 = arith.index_cast %mul3A_989 : i32 to index
        %get3A_993 = tpu.vector_load %arg10[%get3A_991, %get3A_992] {strides = array<i32>} : memref<64x256xf32, #tpu.memory_space<vmem>>, vector<16xf32>,
        %mul3A_994 = arith.constant 16 : i32
        %mul3A_995 = arith.muli %scan3A_59, %mul3A_994 : i32
        %get3A_996 = arith.constant 28 : i32
        %get3A_997 = arith.index_cast %get3A_996 : i32 to index
        %get3A_998 = arith.index_cast %mul3A_995 : i32 to index
        %get3A_999 = tpu.vector_load %arg11[%get3A_997, %get3A_998] {strides = array<i32>} : memref<64x256xi32, #tpu.memory_space<vmem>>, vector<16xi32>,
        %eq3A_1000 = arith.cmpi eq, %get3A_999, %get3A_64 : vector<16xi32>
        %sub3A_1001 = arith.constant 2.000000e-01 : f32
        %sub3A_1002 = vector.broadcast %sub3A_1001 : f32 to vector<16xf32>
        %sub3A_1003 = arith.subf %sub3A_1002, %get3A_993 : vector<16xf32>
        %add3A_1004 = arith.constant 2.000000e-01 : f32
        %add3A_1005 = vector.broadcast %add3A_1004 : f32 to vector<16xf32>
        %add3A_1006 = arith.addf %add3A_1005, %get3A_993 : vector<16xf32>
        %select_n3A_1007 = arith.select %eq3A_1000, %sub3A_1003, %add3A_1006 : vector<16xi1>, vector<16xf32>
        %max3A_1008 = arith.constant 0.000000e+00 : f32
        %max3A_1009 = vector.broadcast %max3A_1008 : f32 to vector<16xf32>
        %max3A_1010 = arith.maximumf %select_n3A_1007, %max3A_1009 : vector<16xf32>
        %gt3A_1011 = arith.constant 0 : i32
        %gt3A_1012 = vector.broadcast %gt3A_1011 : i32 to vector<16xi32>
        %gt3A_1013 = arith.cmpi sgt, %get3A_999, %gt3A_1012 : vector<16xi32>
        %select_n3A_1014 = arith.select %gt3A_1013, %max3A_1010, %broadcast_in_dim3A_1 : vector<16xi1>, vector<16xf32>
        %add3A_1015 = arith.addf %add3A_982, %select_n3A_1014 : vector<16xf32>
        %all_reduce_population_count3A_1016 = tpu.all_reduce %gt3A_1013 {dim = 0 : i64, kind = #tpu.reduction_kind<sum>} : vector<16xi1> -> vector<16xi32>
        %add3A_1017 = arith.addi %add3A_984, %all_reduce_population_count3A_1016 : vector<16xi32>
        %gt3A_1018 = arith.cmpf ogt, %get3A_993, %max3A_986 : vector<16xf32>
        %max3A_1019 = arith.maximumf %max3A_986, %get3A_993 : vector<16xf32>
        %select_n3A_1020 = arith.select %gt3A_1018, %get3A_999, %select_n3A_987 : vector<16xi1>, vector<16xi32>
        %mul3A_1021 = arith.constant 16 : i32
        %mul3A_1022 = arith.muli %scan3A_59, %mul3A_1021 : i32
        %get3A_1023 = arith.constant 29 : i32
        %get3A_1024 = arith.index_cast %get3A_1023 : i32 to index
        %get3A_1025 = arith.index_cast %mul3A_1022 : i32 to index
        %get3A_1026 = tpu.vector_load %arg10[%get3A_1024, %get3A_1025] {strides = array<i32>} : memref<64x256xf32, #tpu.memory_space<vmem>>, vector<16xf32>,
        %mul3A_1027 = arith.constant 16 : i32
        %mul3A_1028 = arith.muli %scan3A_59, %mul3A_1027 : i32
        %get3A_1029 = arith.constant 29 : i32
        %get3A_1030 = arith.index_cast %get3A_1029 : i32 to index
        %get3A_1031 = arith.index_cast %mul3A_1028 : i32 to index
        %get3A_1032 = tpu.vector_load %arg11[%get3A_1030, %get3A_1031] {strides = array<i32>} : memref<64x256xi32, #tpu.memory_space<vmem>>, vector<16xi32>,
        %eq3A_1033 = arith.cmpi eq, %get3A_1032, %get3A_64 : vector<16xi32>
        %sub3A_1034 = arith.constant 2.000000e-01 : f32
        %sub3A_1035 = vector.broadcast %sub3A_1034 : f32 to vector<16xf32>
        %sub3A_1036 = arith.subf %sub3A_1035, %get3A_1026 : vector<16xf32>
        %add3A_1037 = arith.constant 2.000000e-01 : f32
        %add3A_1038 = vector.broadcast %add3A_1037 : f32 to vector<16xf32>
        %add3A_1039 = arith.addf %add3A_1038, %get3A_1026 : vector<16xf32>
        %select_n3A_1040 = arith.select %eq3A_1033, %sub3A_1036, %add3A_1039 : vector<16xi1>, vector<16xf32>
        %max3A_1041 = arith.constant 0.000000e+00 : f32
        %max3A_1042 = vector.broadcast %max3A_1041 : f32 to vector<16xf32>
        %max3A_1043 = arith.maximumf %select_n3A_1040, %max3A_1042 : vector<16xf32>
        %gt3A_1044 = arith.constant 0 : i32
        %gt3A_1045 = vector.broadcast %gt3A_1044 : i32 to vector<16xi32>
        %gt3A_1046 = arith.cmpi sgt, %get3A_1032, %gt3A_1045 : vector<16xi32>
        %select_n3A_1047 = arith.select %gt3A_1046, %max3A_1043, %broadcast_in_dim3A_1 : vector<16xi1>, vector<16xf32>
        %add3A_1048 = arith.addf %add3A_1015, %select_n3A_1047 : vector<16xf32>
        %all_reduce_population_count3A_1049 = tpu.all_reduce %gt3A_1046 {dim = 0 : i64, kind = #tpu.reduction_kind<sum>} : vector<16xi1> -> vector<16xi32>
        %add3A_1050 = arith.addi %add3A_1017, %all_reduce_population_count3A_1049 : vector<16xi32>
        %gt3A_1051 = arith.cmpf ogt, %get3A_1026, %max3A_1019 : vector<16xf32>
        %max3A_1052 = arith.maximumf %max3A_1019, %get3A_1026 : vector<16xf32>
        %select_n3A_1053 = arith.select %gt3A_1051, %get3A_1032, %select_n3A_1020 : vector<16xi1>, vector<16xi32>
        %mul3A_1054 = arith.constant 16 : i32
        %mul3A_1055 = arith.muli %scan3A_59, %mul3A_1054 : i32
        %get3A_1056 = arith.constant 30 : i32
        %get3A_1057 = arith.index_cast %get3A_1056 : i32 to index
        %get3A_1058 = arith.index_cast %mul3A_1055 : i32 to index
        %get3A_1059 = tpu.vector_load %arg10[%get3A_1057, %get3A_1058] {strides = array<i32>} : memref<64x256xf32, #tpu.memory_space<vmem>>, vector<16xf32>,
        %mul3A_1060 = arith.constant 16 : i32
        %mul3A_1061 = arith.muli %scan3A_59, %mul3A_1060 : i32
        %get3A_1062 = arith.constant 30 : i32
        %get3A_1063 = arith.index_cast %get3A_1062 : i32 to index
        %get3A_1064 = arith.index_cast %mul3A_1061 : i32 to index
        %get3A_1065 = tpu.vector_load %arg11[%get3A_1063, %get3A_1064] {strides = array<i32>} : memref<64x256xi32, #tpu.memory_space<vmem>>, vector<16xi32>,
        %eq3A_1066 = arith.cmpi eq, %get3A_1065, %get3A_64 : vector<16xi32>
        %sub3A_1067 = arith.constant 2.000000e-01 : f32
        %sub3A_1068 = vector.broadcast %sub3A_1067 : f32 to vector<16xf32>
        %sub3A_1069 = arith.subf %sub3A_1068, %get3A_1059 : vector<16xf32>
        %add3A_1070 = arith.constant 2.000000e-01 : f32
        %add3A_1071 = vector.broadcast %add3A_1070 : f32 to vector<16xf32>
        %add3A_1072 = arith.addf %add3A_1071, %get3A_1059 : vector<16xf32>
        %select_n3A_1073 = arith.select %eq3A_1066, %sub3A_1069, %add3A_1072 : vector<16xi1>, vector<16xf32>
        %max3A_1074 = arith.constant 0.000000e+00 : f32
        %max3A_1075 = vector.broadcast %max3A_1074 : f32 to vector<16xf32>
        %max3A_1076 = arith.maximumf %select_n3A_1073, %max3A_1075 : vector<16xf32>
        %gt3A_1077 = arith.constant 0 : i32
        %gt3A_1078 = vector.broadcast %gt3A_1077 : i32 to vector<16xi32>
        %gt3A_1079 = arith.cmpi sgt, %get3A_1065, %gt3A_1078 : vector<16xi32>
        %select_n3A_1080 = arith.select %gt3A_1079, %max3A_1076, %broadcast_in_dim3A_1 : vector<16xi1>, vector<16xf32>
        %add3A_1081 = arith.addf %add3A_1048, %select_n3A_1080 : vector<16xf32>
        %all_reduce_population_count3A_1082 = tpu.all_reduce %gt3A_1079 {dim = 0 : i64, kind = #tpu.reduction_kind<sum>} : vector<16xi1> -> vector<16xi32>
        %add3A_1083 = arith.addi %add3A_1050, %all_reduce_population_count3A_1082 : vector<16xi32>
        %gt3A_1084 = arith.cmpf ogt, %get3A_1059, %max3A_1052 : vector<16xf32>
        %max3A_1085 = arith.maximumf %max3A_1052, %get3A_1059 : vector<16xf32>
        %select_n3A_1086 = arith.select %gt3A_1084, %get3A_1065, %select_n3A_1053 : vector<16xi1>, vector<16xi32>
        %mul3A_1087 = arith.constant 16 : i32
        %mul3A_1088 = arith.muli %scan3A_59, %mul3A_1087 : i32
        %get3A_1089 = arith.constant 31 : i32
        %get3A_1090 = arith.index_cast %get3A_1089 : i32 to index
        %get3A_1091 = arith.index_cast %mul3A_1088 : i32 to index
        %get3A_1092 = tpu.vector_load %arg10[%get3A_1090, %get3A_1091] {strides = array<i32>} : memref<64x256xf32, #tpu.memory_space<vmem>>, vector<16xf32>,
        %mul3A_1093 = arith.constant 16 : i32
        %mul3A_1094 = arith.muli %scan3A_59, %mul3A_1093 : i32
        %get3A_1095 = arith.constant 31 : i32
        %get3A_1096 = arith.index_cast %get3A_1095 : i32 to index
        %get3A_1097 = arith.index_cast %mul3A_1094 : i32 to index
        %get3A_1098 = tpu.vector_load %arg11[%get3A_1096, %get3A_1097] {strides = array<i32>} : memref<64x256xi32, #tpu.memory_space<vmem>>, vector<16xi32>,
        %eq3A_1099 = arith.cmpi eq, %get3A_1098, %get3A_64 : vector<16xi32>
        %sub3A_1100 = arith.constant 2.000000e-01 : f32
        %sub3A_1101 = vector.broadcast %sub3A_1100 : f32 to vector<16xf32>
        %sub3A_1102 = arith.subf %sub3A_1101, %get3A_1092 : vector<16xf32>
        %add3A_1103 = arith.constant 2.000000e-01 : f32
        %add3A_1104 = vector.broadcast %add3A_1103 : f32 to vector<16xf32>
        %add3A_1105 = arith.addf %add3A_1104, %get3A_1092 : vector<16xf32>
        %select_n3A_1106 = arith.select %eq3A_1099, %sub3A_1102, %add3A_1105 : vector<16xi1>, vector<16xf32>
        %max3A_1107 = arith.constant 0.000000e+00 : f32
        %max3A_1108 = vector.broadcast %max3A_1107 : f32 to vector<16xf32>
        %max3A_1109 = arith.maximumf %select_n3A_1106, %max3A_1108 : vector<16xf32>
        %gt3A_1110 = arith.constant 0 : i32
        %gt3A_1111 = vector.broadcast %gt3A_1110 : i32 to vector<16xi32>
        %gt3A_1112 = arith.cmpi sgt, %get3A_1098, %gt3A_1111 : vector<16xi32>
        %select_n3A_1113 = arith.select %gt3A_1112, %max3A_1109, %broadcast_in_dim3A_1 : vector<16xi1>, vector<16xf32>
        %add3A_1114 = arith.addf %add3A_1081, %select_n3A_1113 : vector<16xf32>
        %all_reduce_population_count3A_1115 = tpu.all_reduce %gt3A_1112 {dim = 0 : i64, kind = #tpu.reduction_kind<sum>} : vector<16xi1> -> vector<16xi32>
        %add3A_1116 = arith.addi %add3A_1083, %all_reduce_population_count3A_1115 : vector<16xi32>
        %gt3A_1117 = arith.cmpf ogt, %get3A_1092, %max3A_1085 : vector<16xf32>
        %max3A_1118 = arith.maximumf %max3A_1085, %get3A_1092 : vector<16xf32>
        %select_n3A_1119 = arith.select %gt3A_1117, %get3A_1098, %select_n3A_1086 : vector<16xi1>, vector<16xi32>
        %mul3A_1120 = arith.constant 16 : i32
        %mul3A_1121 = arith.muli %scan3A_59, %mul3A_1120 : i32
        %get3A_1122 = arith.constant 32 : i32
        %get3A_1123 = arith.index_cast %get3A_1122 : i32 to index
        %get3A_1124 = arith.index_cast %mul3A_1121 : i32 to index
        %get3A_1125 = tpu.vector_load %arg10[%get3A_1123, %get3A_1124] {strides = array<i32>} : memref<64x256xf32, #tpu.memory_space<vmem>>, vector<16xf32>,
        %mul3A_1126 = arith.constant 16 : i32
        %mul3A_1127 = arith.muli %scan3A_59, %mul3A_1126 : i32
        %get3A_1128 = arith.constant 32 : i32
        %get3A_1129 = arith.index_cast %get3A_1128 : i32 to index
        %get3A_1130 = arith.index_cast %mul3A_1127 : i32 to index
        %get3A_1131 = tpu.vector_load %arg11[%get3A_1129, %get3A_1130] {strides = array<i32>} : memref<64x256xi32, #tpu.memory_space<vmem>>, vector<16xi32>,
        %eq3A_1132 = arith.cmpi eq, %get3A_1131, %get3A_64 : vector<16xi32>
        %sub3A_1133 = arith.constant 2.000000e-01 : f32
        %sub3A_1134 = vector.broadcast %sub3A_1133 : f32 to vector<16xf32>
        %sub3A_1135 = arith.subf %sub3A_1134, %get3A_1125 : vector<16xf32>
        %add3A_1136 = arith.constant 2.000000e-01 : f32
        %add3A_1137 = vector.broadcast %add3A_1136 : f32 to vector<16xf32>
        %add3A_1138 = arith.addf %add3A_1137, %get3A_1125 : vector<16xf32>
        %select_n3A_1139 = arith.select %eq3A_1132, %sub3A_1135, %add3A_1138 : vector<16xi1>, vector<16xf32>
        %max3A_1140 = arith.constant 0.000000e+00 : f32
        %max3A_1141 = vector.broadcast %max3A_1140 : f32 to vector<16xf32>
        %max3A_1142 = arith.maximumf %select_n3A_1139, %max3A_1141 : vector<16xf32>
        %gt3A_1143 = arith.constant 0 : i32
        %gt3A_1144 = vector.broadcast %gt3A_1143 : i32 to vector<16xi32>
        %gt3A_1145 = arith.cmpi sgt, %get3A_1131, %gt3A_1144 : vector<16xi32>
        %select_n3A_1146 = arith.select %gt3A_1145, %max3A_1142, %broadcast_in_dim3A_1 : vector<16xi1>, vector<16xf32>
        %add3A_1147 = arith.addf %add3A_1114, %select_n3A_1146 : vector<16xf32>
        %all_reduce_population_count3A_1148 = tpu.all_reduce %gt3A_1145 {dim = 0 : i64, kind = #tpu.reduction_kind<sum>} : vector<16xi1> -> vector<16xi32>
        %add3A_1149 = arith.addi %add3A_1116, %all_reduce_population_count3A_1148 : vector<16xi32>
        %gt3A_1150 = arith.cmpf ogt, %get3A_1125, %max3A_1118 : vector<16xf32>
        %max3A_1151 = arith.maximumf %max3A_1118, %get3A_1125 : vector<16xf32>
        %select_n3A_1152 = arith.select %gt3A_1150, %get3A_1131, %select_n3A_1119 : vector<16xi1>, vector<16xi32>
        %mul3A_1153 = arith.constant 16 : i32
        %mul3A_1154 = arith.muli %scan3A_59, %mul3A_1153 : i32
        %get3A_1155 = arith.constant 33 : i32
        %get3A_1156 = arith.index_cast %get3A_1155 : i32 to index
        %get3A_1157 = arith.index_cast %mul3A_1154 : i32 to index
        %get3A_1158 = tpu.vector_load %arg10[%get3A_1156, %get3A_1157] {strides = array<i32>} : memref<64x256xf32, #tpu.memory_space<vmem>>, vector<16xf32>,
        %mul3A_1159 = arith.constant 16 : i32
        %mul3A_1160 = arith.muli %scan3A_59, %mul3A_1159 : i32
        %get3A_1161 = arith.constant 33 : i32
        %get3A_1162 = arith.index_cast %get3A_1161 : i32 to index
        %get3A_1163 = arith.index_cast %mul3A_1160 : i32 to index
        %get3A_1164 = tpu.vector_load %arg11[%get3A_1162, %get3A_1163] {strides = array<i32>} : memref<64x256xi32, #tpu.memory_space<vmem>>, vector<16xi32>,
        %eq3A_1165 = arith.cmpi eq, %get3A_1164, %get3A_64 : vector<16xi32>
        %sub3A_1166 = arith.constant 2.000000e-01 : f32
        %sub3A_1167 = vector.broadcast %sub3A_1166 : f32 to vector<16xf32>
        %sub3A_1168 = arith.subf %sub3A_1167, %get3A_1158 : vector<16xf32>
        %add3A_1169 = arith.constant 2.000000e-01 : f32
        %add3A_1170 = vector.broadcast %add3A_1169 : f32 to vector<16xf32>
        %add3A_1171 = arith.addf %add3A_1170, %get3A_1158 : vector<16xf32>
        %select_n3A_1172 = arith.select %eq3A_1165, %sub3A_1168, %add3A_1171 : vector<16xi1>, vector<16xf32>
        %max3A_1173 = arith.constant 0.000000e+00 : f32
        %max3A_1174 = vector.broadcast %max3A_1173 : f32 to vector<16xf32>
        %max3A_1175 = arith.maximumf %select_n3A_1172, %max3A_1174 : vector<16xf32>
        %gt3A_1176 = arith.constant 0 : i32
        %gt3A_1177 = vector.broadcast %gt3A_1176 : i32 to vector<16xi32>
        %gt3A_1178 = arith.cmpi sgt, %get3A_1164, %gt3A_1177 : vector<16xi32>
        %select_n3A_1179 = arith.select %gt3A_1178, %max3A_1175, %broadcast_in_dim3A_1 : vector<16xi1>, vector<16xf32>
        %add3A_1180 = arith.addf %add3A_1147, %select_n3A_1179 : vector<16xf32>
        %all_reduce_population_count3A_1181 = tpu.all_reduce %gt3A_1178 {dim = 0 : i64, kind = #tpu.reduction_kind<sum>} : vector<16xi1> -> vector<16xi32>
        %add3A_1182 = arith.addi %add3A_1149, %all_reduce_population_count3A_1181 : vector<16xi32>
        %gt3A_1183 = arith.cmpf ogt, %get3A_1158, %max3A_1151 : vector<16xf32>
        %max3A_1184 = arith.maximumf %max3A_1151, %get3A_1158 : vector<16xf32>
        %select_n3A_1185 = arith.select %gt3A_1183, %get3A_1164, %select_n3A_1152 : vector<16xi1>, vector<16xi32>
        %mul3A_1186 = arith.constant 16 : i32
        %mul3A_1187 = arith.muli %scan3A_59, %mul3A_1186 : i32
        %get3A_1188 = arith.constant 34 : i32
        %get3A_1189 = arith.index_cast %get3A_1188 : i32 to index
        %get3A_1190 = arith.index_cast %mul3A_1187 : i32 to index
        %get3A_1191 = tpu.vector_load %arg10[%get3A_1189, %get3A_1190] {strides = array<i32>} : memref<64x256xf32, #tpu.memory_space<vmem>>, vector<16xf32>,
        %mul3A_1192 = arith.constant 16 : i32
        %mul3A_1193 = arith.muli %scan3A_59, %mul3A_1192 : i32
        %get3A_1194 = arith.constant 34 : i32
        %get3A_1195 = arith.index_cast %get3A_1194 : i32 to index
        %get3A_1196 = arith.index_cast %mul3A_1193 : i32 to index
        %get3A_1197 = tpu.vector_load %arg11[%get3A_1195, %get3A_1196] {strides = array<i32>} : memref<64x256xi32, #tpu.memory_space<vmem>>, vector<16xi32>,
        %eq3A_1198 = arith.cmpi eq, %get3A_1197, %get3A_64 : vector<16xi32>
        %sub3A_1199 = arith.constant 2.000000e-01 : f32
        %sub3A_1200 = vector.broadcast %sub3A_1199 : f32 to vector<16xf32>
        %sub3A_1201 = arith.subf %sub3A_1200, %get3A_1191 : vector<16xf32>
        %add3A_1202 = arith.constant 2.000000e-01 : f32
        %add3A_1203 = vector.broadcast %add3A_1202 : f32 to vector<16xf32>
        %add3A_1204 = arith.addf %add3A_1203, %get3A_1191 : vector<16xf32>
        %select_n3A_1205 = arith.select %eq3A_1198, %sub3A_1201, %add3A_1204 : vector<16xi1>, vector<16xf32>
        %max3A_1206 = arith.constant 0.000000e+00 : f32
        %max3A_1207 = vector.broadcast %max3A_1206 : f32 to vector<16xf32>
        %max3A_1208 = arith.maximumf %select_n3A_1205, %max3A_1207 : vector<16xf32>
        %gt3A_1209 = arith.constant 0 : i32
        %gt3A_1210 = vector.broadcast %gt3A_1209 : i32 to vector<16xi32>
        %gt3A_1211 = arith.cmpi sgt, %get3A_1197, %gt3A_1210 : vector<16xi32>
        %select_n3A_1212 = arith.select %gt3A_1211, %max3A_1208, %broadcast_in_dim3A_1 : vector<16xi1>, vector<16xf32>
        %add3A_1213 = arith.addf %add3A_1180, %select_n3A_1212 : vector<16xf32>
        %all_reduce_population_count3A_1214 = tpu.all_reduce %gt3A_1211 {dim = 0 : i64, kind = #tpu.reduction_kind<sum>} : vector<16xi1> -> vector<16xi32>
        %add3A_1215 = arith.addi %add3A_1182, %all_reduce_population_count3A_1214 : vector<16xi32>
        %gt3A_1216 = arith.cmpf ogt, %get3A_1191, %max3A_1184 : vector<16xf32>
        %max3A_1217 = arith.maximumf %max3A_1184, %get3A_1191 : vector<16xf32>
        %select_n3A_1218 = arith.select %gt3A_1216, %get3A_1197, %select_n3A_1185 : vector<16xi1>, vector<16xi32>
        %mul3A_1219 = arith.constant 16 : i32
        %mul3A_1220 = arith.muli %scan3A_59, %mul3A_1219 : i32
        %get3A_1221 = arith.constant 35 : i32
        %get3A_1222 = arith.index_cast %get3A_1221 : i32 to index
        %get3A_1223 = arith.index_cast %mul3A_1220 : i32 to index
        %get3A_1224 = tpu.vector_load %arg10[%get3A_1222, %get3A_1223] {strides = array<i32>} : memref<64x256xf32, #tpu.memory_space<vmem>>, vector<16xf32>,
        %mul3A_1225 = arith.constant 16 : i32
        %mul3A_1226 = arith.muli %scan3A_59, %mul3A_1225 : i32
        %get3A_1227 = arith.constant 35 : i32
        %get3A_1228 = arith.index_cast %get3A_1227 : i32 to index
        %get3A_1229 = arith.index_cast %mul3A_1226 : i32 to index
        %get3A_1230 = tpu.vector_load %arg11[%get3A_1228, %get3A_1229] {strides = array<i32>} : memref<64x256xi32, #tpu.memory_space<vmem>>, vector<16xi32>,
        %eq3A_1231 = arith.cmpi eq, %get3A_1230, %get3A_64 : vector<16xi32>
        %sub3A_1232 = arith.constant 2.000000e-01 : f32
        %sub3A_1233 = vector.broadcast %sub3A_1232 : f32 to vector<16xf32>
        %sub3A_1234 = arith.subf %sub3A_1233, %get3A_1224 : vector<16xf32>
        %add3A_1235 = arith.constant 2.000000e-01 : f32
        %add3A_1236 = vector.broadcast %add3A_1235 : f32 to vector<16xf32>
        %add3A_1237 = arith.addf %add3A_1236, %get3A_1224 : vector<16xf32>
        %select_n3A_1238 = arith.select %eq3A_1231, %sub3A_1234, %add3A_1237 : vector<16xi1>, vector<16xf32>
        %max3A_1239 = arith.constant 0.000000e+00 : f32
        %max3A_1240 = vector.broadcast %max3A_1239 : f32 to vector<16xf32>
        %max3A_1241 = arith.maximumf %select_n3A_1238, %max3A_1240 : vector<16xf32>
        %gt3A_1242 = arith.constant 0 : i32
        %gt3A_1243 = vector.broadcast %gt3A_1242 : i32 to vector<16xi32>
        %gt3A_1244 = arith.cmpi sgt, %get3A_1230, %gt3A_1243 : vector<16xi32>
        %select_n3A_1245 = arith.select %gt3A_1244, %max3A_1241, %broadcast_in_dim3A_1 : vector<16xi1>, vector<16xf32>
        %add3A_1246 = arith.addf %add3A_1213, %select_n3A_1245 : vector<16xf32>
        %all_reduce_population_count3A_1247 = tpu.all_reduce %gt3A_1244 {dim = 0 : i64, kind = #tpu.reduction_kind<sum>} : vector<16xi1> -> vector<16xi32>
        %add3A_1248 = arith.addi %add3A_1215, %all_reduce_population_count3A_1247 : vector<16xi32>
        %gt3A_1249 = arith.cmpf ogt, %get3A_1224, %max3A_1217 : vector<16xf32>
        %max3A_1250 = arith.maximumf %max3A_1217, %get3A_1224 : vector<16xf32>
        %select_n3A_1251 = arith.select %gt3A_1249, %get3A_1230, %select_n3A_1218 : vector<16xi1>, vector<16xi32>
        %mul3A_1252 = arith.constant 16 : i32
        %mul3A_1253 = arith.muli %scan3A_59, %mul3A_1252 : i32
        %get3A_1254 = arith.constant 36 : i32
        %get3A_1255 = arith.index_cast %get3A_1254 : i32 to index
        %get3A_1256 = arith.index_cast %mul3A_1253 : i32 to index
        %get3A_1257 = tpu.vector_load %arg10[%get3A_1255, %get3A_1256] {strides = array<i32>} : memref<64x256xf32, #tpu.memory_space<vmem>>, vector<16xf32>,
        %mul3A_1258 = arith.constant 16 : i32
        %mul3A_1259 = arith.muli %scan3A_59, %mul3A_1258 : i32
        %get3A_1260 = arith.constant 36 : i32
        %get3A_1261 = arith.index_cast %get3A_1260 : i32 to index
        %get3A_1262 = arith.index_cast %mul3A_1259 : i32 to index
        %get3A_1263 = tpu.vector_load %arg11[%get3A_1261, %get3A_1262] {strides = array<i32>} : memref<64x256xi32, #tpu.memory_space<vmem>>, vector<16xi32>,
        %eq3A_1264 = arith.cmpi eq, %get3A_1263, %get3A_64 : vector<16xi32>
        %sub3A_1265 = arith.constant 2.000000e-01 : f32
        %sub3A_1266 = vector.broadcast %sub3A_1265 : f32 to vector<16xf32>
        %sub3A_1267 = arith.subf %sub3A_1266, %get3A_1257 : vector<16xf32>
        %add3A_1268 = arith.constant 2.000000e-01 : f32
        %add3A_1269 = vector.broadcast %add3A_1268 : f32 to vector<16xf32>
        %add3A_1270 = arith.addf %add3A_1269, %get3A_1257 : vector<16xf32>
        %select_n3A_1271 = arith.select %eq3A_1264, %sub3A_1267, %add3A_1270 : vector<16xi1>, vector<16xf32>
        %max3A_1272 = arith.constant 0.000000e+00 : f32
        %max3A_1273 = vector.broadcast %max3A_1272 : f32 to vector<16xf32>
        %max3A_1274 = arith.maximumf %select_n3A_1271, %max3A_1273 : vector<16xf32>
        %gt3A_1275 = arith.constant 0 : i32
        %gt3A_1276 = vector.broadcast %gt3A_1275 : i32 to vector<16xi32>
        %gt3A_1277 = arith.cmpi sgt, %get3A_1263, %gt3A_1276 : vector<16xi32>
        %select_n3A_1278 = arith.select %gt3A_1277, %max3A_1274, %broadcast_in_dim3A_1 : vector<16xi1>, vector<16xf32>
        %add3A_1279 = arith.addf %add3A_1246, %select_n3A_1278 : vector<16xf32>
        %all_reduce_population_count3A_1280 = tpu.all_reduce %gt3A_1277 {dim = 0 : i64, kind = #tpu.reduction_kind<sum>} : vector<16xi1> -> vector<16xi32>
        %add3A_1281 = arith.addi %add3A_1248, %all_reduce_population_count3A_1280 : vector<16xi32>
        %gt3A_1282 = arith.cmpf ogt, %get3A_1257, %max3A_1250 : vector<16xf32>
        %max3A_1283 = arith.maximumf %max3A_1250, %get3A_1257 : vector<16xf32>
        %select_n3A_1284 = arith.select %gt3A_1282, %get3A_1263, %select_n3A_1251 : vector<16xi1>, vector<16xi32>
        %mul3A_1285 = arith.constant 16 : i32
        %mul3A_1286 = arith.muli %scan3A_59, %mul3A_1285 : i32
        %get3A_1287 = arith.constant 37 : i32
        %get3A_1288 = arith.index_cast %get3A_1287 : i32 to index
        %get3A_1289 = arith.index_cast %mul3A_1286 : i32 to index
        %get3A_1290 = tpu.vector_load %arg10[%get3A_1288, %get3A_1289] {strides = array<i32>} : memref<64x256xf32, #tpu.memory_space<vmem>>, vector<16xf32>,
        %mul3A_1291 = arith.constant 16 : i32
        %mul3A_1292 = arith.muli %scan3A_59, %mul3A_1291 : i32
        %get3A_1293 = arith.constant 37 : i32
        %get3A_1294 = arith.index_cast %get3A_1293 : i32 to index
        %get3A_1295 = arith.index_cast %mul3A_1292 : i32 to index
        %get3A_1296 = tpu.vector_load %arg11[%get3A_1294, %get3A_1295] {strides = array<i32>} : memref<64x256xi32, #tpu.memory_space<vmem>>, vector<16xi32>,
        %eq3A_1297 = arith.cmpi eq, %get3A_1296, %get3A_64 : vector<16xi32>
        %sub3A_1298 = arith.constant 2.000000e-01 : f32
        %sub3A_1299 = vector.broadcast %sub3A_1298 : f32 to vector<16xf32>
        %sub3A_1300 = arith.subf %sub3A_1299, %get3A_1290 : vector<16xf32>
        %add3A_1301 = arith.constant 2.000000e-01 : f32
        %add3A_1302 = vector.broadcast %add3A_1301 : f32 to vector<16xf32>
        %add3A_1303 = arith.addf %add3A_1302, %get3A_1290 : vector<16xf32>
        %select_n3A_1304 = arith.select %eq3A_1297, %sub3A_1300, %add3A_1303 : vector<16xi1>, vector<16xf32>
        %max3A_1305 = arith.constant 0.000000e+00 : f32
        %max3A_1306 = vector.broadcast %max3A_1305 : f32 to vector<16xf32>
        %max3A_1307 = arith.maximumf %select_n3A_1304, %max3A_1306 : vector<16xf32>
        %gt3A_1308 = arith.constant 0 : i32
        %gt3A_1309 = vector.broadcast %gt3A_1308 : i32 to vector<16xi32>
        %gt3A_1310 = arith.cmpi sgt, %get3A_1296, %gt3A_1309 : vector<16xi32>
        %select_n3A_1311 = arith.select %gt3A_1310, %max3A_1307, %broadcast_in_dim3A_1 : vector<16xi1>, vector<16xf32>
        %add3A_1312 = arith.addf %add3A_1279, %select_n3A_1311 : vector<16xf32>
        %all_reduce_population_count3A_1313 = tpu.all_reduce %gt3A_1310 {dim = 0 : i64, kind = #tpu.reduction_kind<sum>} : vector<16xi1> -> vector<16xi32>
        %add3A_1314 = arith.addi %add3A_1281, %all_reduce_population_count3A_1313 : vector<16xi32>
        %gt3A_1315 = arith.cmpf ogt, %get3A_1290, %max3A_1283 : vector<16xf32>
        %max3A_1316 = arith.maximumf %max3A_1283, %get3A_1290 : vector<16xf32>
        %select_n3A_1317 = arith.select %gt3A_1315, %get3A_1296, %select_n3A_1284 : vector<16xi1>, vector<16xi32>
        %mul3A_1318 = arith.constant 16 : i32
        %mul3A_1319 = arith.muli %scan3A_59, %mul3A_1318 : i32
        %get3A_1320 = arith.constant 38 : i32
        %get3A_1321 = arith.index_cast %get3A_1320 : i32 to index
        %get3A_1322 = arith.index_cast %mul3A_1319 : i32 to index
        %get3A_1323 = tpu.vector_load %arg10[%get3A_1321, %get3A_1322] {strides = array<i32>} : memref<64x256xf32, #tpu.memory_space<vmem>>, vector<16xf32>,
        %mul3A_1324 = arith.constant 16 : i32
        %mul3A_1325 = arith.muli %scan3A_59, %mul3A_1324 : i32
        %get3A_1326 = arith.constant 38 : i32
        %get3A_1327 = arith.index_cast %get3A_1326 : i32 to index
        %get3A_1328 = arith.index_cast %mul3A_1325 : i32 to index
        %get3A_1329 = tpu.vector_load %arg11[%get3A_1327, %get3A_1328] {strides = array<i32>} : memref<64x256xi32, #tpu.memory_space<vmem>>, vector<16xi32>,
        %eq3A_1330 = arith.cmpi eq, %get3A_1329, %get3A_64 : vector<16xi32>
        %sub3A_1331 = arith.constant 2.000000e-01 : f32
        %sub3A_1332 = vector.broadcast %sub3A_1331 : f32 to vector<16xf32>
        %sub3A_1333 = arith.subf %sub3A_1332, %get3A_1323 : vector<16xf32>
        %add3A_1334 = arith.constant 2.000000e-01 : f32
        %add3A_1335 = vector.broadcast %add3A_1334 : f32 to vector<16xf32>
        %add3A_1336 = arith.addf %add3A_1335, %get3A_1323 : vector<16xf32>
        %select_n3A_1337 = arith.select %eq3A_1330, %sub3A_1333, %add3A_1336 : vector<16xi1>, vector<16xf32>
        %max3A_1338 = arith.constant 0.000000e+00 : f32
        %max3A_1339 = vector.broadcast %max3A_1338 : f32 to vector<16xf32>
        %max3A_1340 = arith.maximumf %select_n3A_1337, %max3A_1339 : vector<16xf32>
        %gt3A_1341 = arith.constant 0 : i32
        %gt3A_1342 = vector.broadcast %gt3A_1341 : i32 to vector<16xi32>
        %gt3A_1343 = arith.cmpi sgt, %get3A_1329, %gt3A_1342 : vector<16xi32>
        %select_n3A_1344 = arith.select %gt3A_1343, %max3A_1340, %broadcast_in_dim3A_1 : vector<16xi1>, vector<16xf32>
        %add3A_1345 = arith.addf %add3A_1312, %select_n3A_1344 : vector<16xf32>
        %all_reduce_population_count3A_1346 = tpu.all_reduce %gt3A_1343 {dim = 0 : i64, kind = #tpu.reduction_kind<sum>} : vector<16xi1> -> vector<16xi32>
        %add3A_1347 = arith.addi %add3A_1314, %all_reduce_population_count3A_1346 : vector<16xi32>
        %gt3A_1348 = arith.cmpf ogt, %get3A_1323, %max3A_1316 : vector<16xf32>
        %max3A_1349 = arith.maximumf %max3A_1316, %get3A_1323 : vector<16xf32>
        %select_n3A_1350 = arith.select %gt3A_1348, %get3A_1329, %select_n3A_1317 : vector<16xi1>, vector<16xi32>
        %mul3A_1351 = arith.constant 16 : i32
        %mul3A_1352 = arith.muli %scan3A_59, %mul3A_1351 : i32
        %get3A_1353 = arith.constant 39 : i32
        %get3A_1354 = arith.index_cast %get3A_1353 : i32 to index
        %get3A_1355 = arith.index_cast %mul3A_1352 : i32 to index
        %get3A_1356 = tpu.vector_load %arg10[%get3A_1354, %get3A_1355] {strides = array<i32>} : memref<64x256xf32, #tpu.memory_space<vmem>>, vector<16xf32>,
        %mul3A_1357 = arith.constant 16 : i32
        %mul3A_1358 = arith.muli %scan3A_59, %mul3A_1357 : i32
        %get3A_1359 = arith.constant 39 : i32
        %get3A_1360 = arith.index_cast %get3A_1359 : i32 to index
        %get3A_1361 = arith.index_cast %mul3A_1358 : i32 to index
        %get3A_1362 = tpu.vector_load %arg11[%get3A_1360, %get3A_1361] {strides = array<i32>} : memref<64x256xi32, #tpu.memory_space<vmem>>, vector<16xi32>,
        %eq3A_1363 = arith.cmpi eq, %get3A_1362, %get3A_64 : vector<16xi32>
        %sub3A_1364 = arith.constant 2.000000e-01 : f32
        %sub3A_1365 = vector.broadcast %sub3A_1364 : f32 to vector<16xf32>
        %sub3A_1366 = arith.subf %sub3A_1365, %get3A_1356 : vector<16xf32>
        %add3A_1367 = arith.constant 2.000000e-01 : f32
        %add3A_1368 = vector.broadcast %add3A_1367 : f32 to vector<16xf32>
        %add3A_1369 = arith.addf %add3A_1368, %get3A_1356 : vector<16xf32>
        %select_n3A_1370 = arith.select %eq3A_1363, %sub3A_1366, %add3A_1369 : vector<16xi1>, vector<16xf32>
        %max3A_1371 = arith.constant 0.000000e+00 : f32
        %max3A_1372 = vector.broadcast %max3A_1371 : f32 to vector<16xf32>
        %max3A_1373 = arith.maximumf %select_n3A_1370, %max3A_1372 : vector<16xf32>
        %gt3A_1374 = arith.constant 0 : i32
        %gt3A_1375 = vector.broadcast %gt3A_1374 : i32 to vector<16xi32>
        %gt3A_1376 = arith.cmpi sgt, %get3A_1362, %gt3A_1375 : vector<16xi32>
        %select_n3A_1377 = arith.select %gt3A_1376, %max3A_1373, %broadcast_in_dim3A_1 : vector<16xi1>, vector<16xf32>
        %add3A_1378 = arith.addf %add3A_1345, %select_n3A_1377 : vector<16xf32>
        %all_reduce_population_count3A_1379 = tpu.all_reduce %gt3A_1376 {dim = 0 : i64, kind = #tpu.reduction_kind<sum>} : vector<16xi1> -> vector<16xi32>
        %add3A_1380 = arith.addi %add3A_1347, %all_reduce_population_count3A_1379 : vector<16xi32>
        %gt3A_1381 = arith.cmpf ogt, %get3A_1356, %max3A_1349 : vector<16xf32>
        %max3A_1382 = arith.maximumf %max3A_1349, %get3A_1356 : vector<16xf32>
        %select_n3A_1383 = arith.select %gt3A_1381, %get3A_1362, %select_n3A_1350 : vector<16xi1>, vector<16xi32>
        %mul3A_1384 = arith.constant 16 : i32
        %mul3A_1385 = arith.muli %scan3A_59, %mul3A_1384 : i32
        %get3A_1386 = arith.constant 40 : i32
        %get3A_1387 = arith.index_cast %get3A_1386 : i32 to index
        %get3A_1388 = arith.index_cast %mul3A_1385 : i32 to index
        %get3A_1389 = tpu.vector_load %arg10[%get3A_1387, %get3A_1388] {strides = array<i32>} : memref<64x256xf32, #tpu.memory_space<vmem>>, vector<16xf32>,
        %mul3A_1390 = arith.constant 16 : i32
        %mul3A_1391 = arith.muli %scan3A_59, %mul3A_1390 : i32
        %get3A_1392 = arith.constant 40 : i32
        %get3A_1393 = arith.index_cast %get3A_1392 : i32 to index
        %get3A_1394 = arith.index_cast %mul3A_1391 : i32 to index
        %get3A_1395 = tpu.vector_load %arg11[%get3A_1393, %get3A_1394] {strides = array<i32>} : memref<64x256xi32, #tpu.memory_space<vmem>>, vector<16xi32>,
        %eq3A_1396 = arith.cmpi eq, %get3A_1395, %get3A_64 : vector<16xi32>
        %sub3A_1397 = arith.constant 2.000000e-01 : f32
        %sub3A_1398 = vector.broadcast %sub3A_1397 : f32 to vector<16xf32>
        %sub3A_1399 = arith.subf %sub3A_1398, %get3A_1389 : vector<16xf32>
        %add3A_1400 = arith.constant 2.000000e-01 : f32
        %add3A_1401 = vector.broadcast %add3A_1400 : f32 to vector<16xf32>
        %add3A_1402 = arith.addf %add3A_1401, %get3A_1389 : vector<16xf32>
        %select_n3A_1403 = arith.select %eq3A_1396, %sub3A_1399, %add3A_1402 : vector<16xi1>, vector<16xf32>
        %max3A_1404 = arith.constant 0.000000e+00 : f32
        %max3A_1405 = vector.broadcast %max3A_1404 : f32 to vector<16xf32>
        %max3A_1406 = arith.maximumf %select_n3A_1403, %max3A_1405 : vector<16xf32>
        %gt3A_1407 = arith.constant 0 : i32
        %gt3A_1408 = vector.broadcast %gt3A_1407 : i32 to vector<16xi32>
        %gt3A_1409 = arith.cmpi sgt, %get3A_1395, %gt3A_1408 : vector<16xi32>
        %select_n3A_1410 = arith.select %gt3A_1409, %max3A_1406, %broadcast_in_dim3A_1 : vector<16xi1>, vector<16xf32>
        %add3A_1411 = arith.addf %add3A_1378, %select_n3A_1410 : vector<16xf32>
        %all_reduce_population_count3A_1412 = tpu.all_reduce %gt3A_1409 {dim = 0 : i64, kind = #tpu.reduction_kind<sum>} : vector<16xi1> -> vector<16xi32>
        %add3A_1413 = arith.addi %add3A_1380, %all_reduce_population_count3A_1412 : vector<16xi32>
        %gt3A_1414 = arith.cmpf ogt, %get3A_1389, %max3A_1382 : vector<16xf32>
        %max3A_1415 = arith.maximumf %max3A_1382, %get3A_1389 : vector<16xf32>
        %select_n3A_1416 = arith.select %gt3A_1414, %get3A_1395, %select_n3A_1383 : vector<16xi1>, vector<16xi32>
        %mul3A_1417 = arith.constant 16 : i32
        %mul3A_1418 = arith.muli %scan3A_59, %mul3A_1417 : i32
        %get3A_1419 = arith.constant 41 : i32
        %get3A_1420 = arith.index_cast %get3A_1419 : i32 to index
        %get3A_1421 = arith.index_cast %mul3A_1418 : i32 to index
        %get3A_1422 = tpu.vector_load %arg10[%get3A_1420, %get3A_1421] {strides = array<i32>} : memref<64x256xf32, #tpu.memory_space<vmem>>, vector<16xf32>,
        %mul3A_1423 = arith.constant 16 : i32
        %mul3A_1424 = arith.muli %scan3A_59, %mul3A_1423 : i32
        %get3A_1425 = arith.constant 41 : i32
        %get3A_1426 = arith.index_cast %get3A_1425 : i32 to index
        %get3A_1427 = arith.index_cast %mul3A_1424 : i32 to index
        %get3A_1428 = tpu.vector_load %arg11[%get3A_1426, %get3A_1427] {strides = array<i32>} : memref<64x256xi32, #tpu.memory_space<vmem>>, vector<16xi32>,
        %eq3A_1429 = arith.cmpi eq, %get3A_1428, %get3A_64 : vector<16xi32>
        %sub3A_1430 = arith.constant 2.000000e-01 : f32
        %sub3A_1431 = vector.broadcast %sub3A_1430 : f32 to vector<16xf32>
        %sub3A_1432 = arith.subf %sub3A_1431, %get3A_1422 : vector<16xf32>
        %add3A_1433 = arith.constant 2.000000e-01 : f32
        %add3A_1434 = vector.broadcast %add3A_1433 : f32 to vector<16xf32>
        %add3A_1435 = arith.addf %add3A_1434, %get3A_1422 : vector<16xf32>
        %select_n3A_1436 = arith.select %eq3A_1429, %sub3A_1432, %add3A_1435 : vector<16xi1>, vector<16xf32>
        %max3A_1437 = arith.constant 0.000000e+00 : f32
        %max3A_1438 = vector.broadcast %max3A_1437 : f32 to vector<16xf32>
        %max3A_1439 = arith.maximumf %select_n3A_1436, %max3A_1438 : vector<16xf32>
        %gt3A_1440 = arith.constant 0 : i32
        %gt3A_1441 = vector.broadcast %gt3A_1440 : i32 to vector<16xi32>
        %gt3A_1442 = arith.cmpi sgt, %get3A_1428, %gt3A_1441 : vector<16xi32>
        %select_n3A_1443 = arith.select %gt3A_1442, %max3A_1439, %broadcast_in_dim3A_1 : vector<16xi1>, vector<16xf32>
        %add3A_1444 = arith.addf %add3A_1411, %select_n3A_1443 : vector<16xf32>
        %all_reduce_population_count3A_1445 = tpu.all_reduce %gt3A_1442 {dim = 0 : i64, kind = #tpu.reduction_kind<sum>} : vector<16xi1> -> vector<16xi32>
        %add3A_1446 = arith.addi %add3A_1413, %all_reduce_population_count3A_1445 : vector<16xi32>
        %gt3A_1447 = arith.cmpf ogt, %get3A_1422, %max3A_1415 : vector<16xf32>
        %max3A_1448 = arith.maximumf %max3A_1415, %get3A_1422 : vector<16xf32>
        %select_n3A_1449 = arith.select %gt3A_1447, %get3A_1428, %select_n3A_1416 : vector<16xi1>, vector<16xi32>
        %mul3A_1450 = arith.constant 16 : i32
        %mul3A_1451 = arith.muli %scan3A_59, %mul3A_1450 : i32
        %get3A_1452 = arith.constant 42 : i32
        %get3A_1453 = arith.index_cast %get3A_1452 : i32 to index
        %get3A_1454 = arith.index_cast %mul3A_1451 : i32 to index
        %get3A_1455 = tpu.vector_load %arg10[%get3A_1453, %get3A_1454] {strides = array<i32>} : memref<64x256xf32, #tpu.memory_space<vmem>>, vector<16xf32>,
        %mul3A_1456 = arith.constant 16 : i32
        %mul3A_1457 = arith.muli %scan3A_59, %mul3A_1456 : i32
        %get3A_1458 = arith.constant 42 : i32
        %get3A_1459 = arith.index_cast %get3A_1458 : i32 to index
        %get3A_1460 = arith.index_cast %mul3A_1457 : i32 to index
        %get3A_1461 = tpu.vector_load %arg11[%get3A_1459, %get3A_1460] {strides = array<i32>} : memref<64x256xi32, #tpu.memory_space<vmem>>, vector<16xi32>,
        %eq3A_1462 = arith.cmpi eq, %get3A_1461, %get3A_64 : vector<16xi32>
        %sub3A_1463 = arith.constant 2.000000e-01 : f32
        %sub3A_1464 = vector.broadcast %sub3A_1463 : f32 to vector<16xf32>
        %sub3A_1465 = arith.subf %sub3A_1464, %get3A_1455 : vector<16xf32>
        %add3A_1466 = arith.constant 2.000000e-01 : f32
        %add3A_1467 = vector.broadcast %add3A_1466 : f32 to vector<16xf32>
        %add3A_1468 = arith.addf %add3A_1467, %get3A_1455 : vector<16xf32>
        %select_n3A_1469 = arith.select %eq3A_1462, %sub3A_1465, %add3A_1468 : vector<16xi1>, vector<16xf32>
        %max3A_1470 = arith.constant 0.000000e+00 : f32
        %max3A_1471 = vector.broadcast %max3A_1470 : f32 to vector<16xf32>
        %max3A_1472 = arith.maximumf %select_n3A_1469, %max3A_1471 : vector<16xf32>
        %gt3A_1473 = arith.constant 0 : i32
        %gt3A_1474 = vector.broadcast %gt3A_1473 : i32 to vector<16xi32>
        %gt3A_1475 = arith.cmpi sgt, %get3A_1461, %gt3A_1474 : vector<16xi32>
        %select_n3A_1476 = arith.select %gt3A_1475, %max3A_1472, %broadcast_in_dim3A_1 : vector<16xi1>, vector<16xf32>
        %add3A_1477 = arith.addf %add3A_1444, %select_n3A_1476 : vector<16xf32>
        %all_reduce_population_count3A_1478 = tpu.all_reduce %gt3A_1475 {dim = 0 : i64, kind = #tpu.reduction_kind<sum>} : vector<16xi1> -> vector<16xi32>
        %add3A_1479 = arith.addi %add3A_1446, %all_reduce_population_count3A_1478 : vector<16xi32>
        %gt3A_1480 = arith.cmpf ogt, %get3A_1455, %max3A_1448 : vector<16xf32>
        %max3A_1481 = arith.maximumf %max3A_1448, %get3A_1455 : vector<16xf32>
        %select_n3A_1482 = arith.select %gt3A_1480, %get3A_1461, %select_n3A_1449 : vector<16xi1>, vector<16xi32>
        %mul3A_1483 = arith.constant 16 : i32
        %mul3A_1484 = arith.muli %scan3A_59, %mul3A_1483 : i32
        %get3A_1485 = arith.constant 43 : i32
        %get3A_1486 = arith.index_cast %get3A_1485 : i32 to index
        %get3A_1487 = arith.index_cast %mul3A_1484 : i32 to index
        %get3A_1488 = tpu.vector_load %arg10[%get3A_1486, %get3A_1487] {strides = array<i32>} : memref<64x256xf32, #tpu.memory_space<vmem>>, vector<16xf32>,
        %mul3A_1489 = arith.constant 16 : i32
        %mul3A_1490 = arith.muli %scan3A_59, %mul3A_1489 : i32
        %get3A_1491 = arith.constant 43 : i32
        %get3A_1492 = arith.index_cast %get3A_1491 : i32 to index
        %get3A_1493 = arith.index_cast %mul3A_1490 : i32 to index
        %get3A_1494 = tpu.vector_load %arg11[%get3A_1492, %get3A_1493] {strides = array<i32>} : memref<64x256xi32, #tpu.memory_space<vmem>>, vector<16xi32>,
        %eq3A_1495 = arith.cmpi eq, %get3A_1494, %get3A_64 : vector<16xi32>
        %sub3A_1496 = arith.constant 2.000000e-01 : f32
        %sub3A_1497 = vector.broadcast %sub3A_1496 : f32 to vector<16xf32>
        %sub3A_1498 = arith.subf %sub3A_1497, %get3A_1488 : vector<16xf32>
        %add3A_1499 = arith.constant 2.000000e-01 : f32
        %add3A_1500 = vector.broadcast %add3A_1499 : f32 to vector<16xf32>
        %add3A_1501 = arith.addf %add3A_1500, %get3A_1488 : vector<16xf32>
        %select_n3A_1502 = arith.select %eq3A_1495, %sub3A_1498, %add3A_1501 : vector<16xi1>, vector<16xf32>
        %max3A_1503 = arith.constant 0.000000e+00 : f32
        %max3A_1504 = vector.broadcast %max3A_1503 : f32 to vector<16xf32>
        %max3A_1505 = arith.maximumf %select_n3A_1502, %max3A_1504 : vector<16xf32>
        %gt3A_1506 = arith.constant 0 : i32
        %gt3A_1507 = vector.broadcast %gt3A_1506 : i32 to vector<16xi32>
        %gt3A_1508 = arith.cmpi sgt, %get3A_1494, %gt3A_1507 : vector<16xi32>
        %select_n3A_1509 = arith.select %gt3A_1508, %max3A_1505, %broadcast_in_dim3A_1 : vector<16xi1>, vector<16xf32>
        %add3A_1510 = arith.addf %add3A_1477, %select_n3A_1509 : vector<16xf32>
        %all_reduce_population_count3A_1511 = tpu.all_reduce %gt3A_1508 {dim = 0 : i64, kind = #tpu.reduction_kind<sum>} : vector<16xi1> -> vector<16xi32>
        %add3A_1512 = arith.addi %add3A_1479, %all_reduce_population_count3A_1511 : vector<16xi32>
        %gt3A_1513 = arith.cmpf ogt, %get3A_1488, %max3A_1481 : vector<16xf32>
        %max3A_1514 = arith.maximumf %max3A_1481, %get3A_1488 : vector<16xf32>
        %select_n3A_1515 = arith.select %gt3A_1513, %get3A_1494, %select_n3A_1482 : vector<16xi1>, vector<16xi32>
        %mul3A_1516 = arith.constant 16 : i32
        %mul3A_1517 = arith.muli %scan3A_59, %mul3A_1516 : i32
        %get3A_1518 = arith.constant 44 : i32
        %get3A_1519 = arith.index_cast %get3A_1518 : i32 to index
        %get3A_1520 = arith.index_cast %mul3A_1517 : i32 to index
        %get3A_1521 = tpu.vector_load %arg10[%get3A_1519, %get3A_1520] {strides = array<i32>} : memref<64x256xf32, #tpu.memory_space<vmem>>, vector<16xf32>,
        %mul3A_1522 = arith.constant 16 : i32
        %mul3A_1523 = arith.muli %scan3A_59, %mul3A_1522 : i32
        %get3A_1524 = arith.constant 44 : i32
        %get3A_1525 = arith.index_cast %get3A_1524 : i32 to index
        %get3A_1526 = arith.index_cast %mul3A_1523 : i32 to index
        %get3A_1527 = tpu.vector_load %arg11[%get3A_1525, %get3A_1526] {strides = array<i32>} : memref<64x256xi32, #tpu.memory_space<vmem>>, vector<16xi32>,
        %eq3A_1528 = arith.cmpi eq, %get3A_1527, %get3A_64 : vector<16xi32>
        %sub3A_1529 = arith.constant 2.000000e-01 : f32
        %sub3A_1530 = vector.broadcast %sub3A_1529 : f32 to vector<16xf32>
        %sub3A_1531 = arith.subf %sub3A_1530, %get3A_1521 : vector<16xf32>
        %add3A_1532 = arith.constant 2.000000e-01 : f32
        %add3A_1533 = vector.broadcast %add3A_1532 : f32 to vector<16xf32>
        %add3A_1534 = arith.addf %add3A_1533, %get3A_1521 : vector<16xf32>
        %select_n3A_1535 = arith.select %eq3A_1528, %sub3A_1531, %add3A_1534 : vector<16xi1>, vector<16xf32>
        %max3A_1536 = arith.constant 0.000000e+00 : f32
        %max3A_1537 = vector.broadcast %max3A_1536 : f32 to vector<16xf32>
        %max3A_1538 = arith.maximumf %select_n3A_1535, %max3A_1537 : vector<16xf32>
        %gt3A_1539 = arith.constant 0 : i32
        %gt3A_1540 = vector.broadcast %gt3A_1539 : i32 to vector<16xi32>
        %gt3A_1541 = arith.cmpi sgt, %get3A_1527, %gt3A_1540 : vector<16xi32>
        %select_n3A_1542 = arith.select %gt3A_1541, %max3A_1538, %broadcast_in_dim3A_1 : vector<16xi1>, vector<16xf32>
        %add3A_1543 = arith.addf %add3A_1510, %select_n3A_1542 : vector<16xf32>
        %all_reduce_population_count3A_1544 = tpu.all_reduce %gt3A_1541 {dim = 0 : i64, kind = #tpu.reduction_kind<sum>} : vector<16xi1> -> vector<16xi32>
        %add3A_1545 = arith.addi %add3A_1512, %all_reduce_population_count3A_1544 : vector<16xi32>
        %gt3A_1546 = arith.cmpf ogt, %get3A_1521, %max3A_1514 : vector<16xf32>
        %max3A_1547 = arith.maximumf %max3A_1514, %get3A_1521 : vector<16xf32>
        %select_n3A_1548 = arith.select %gt3A_1546, %get3A_1527, %select_n3A_1515 : vector<16xi1>, vector<16xi32>
        %mul3A_1549 = arith.constant 16 : i32
        %mul3A_1550 = arith.muli %scan3A_59, %mul3A_1549 : i32
        %get3A_1551 = arith.constant 45 : i32
        %get3A_1552 = arith.index_cast %get3A_1551 : i32 to index
        %get3A_1553 = arith.index_cast %mul3A_1550 : i32 to index
        %get3A_1554 = tpu.vector_load %arg10[%get3A_1552, %get3A_1553] {strides = array<i32>} : memref<64x256xf32, #tpu.memory_space<vmem>>, vector<16xf32>,
        %mul3A_1555 = arith.constant 16 : i32
        %mul3A_1556 = arith.muli %scan3A_59, %mul3A_1555 : i32
        %get3A_1557 = arith.constant 45 : i32
        %get3A_1558 = arith.index_cast %get3A_1557 : i32 to index
        %get3A_1559 = arith.index_cast %mul3A_1556 : i32 to index
        %get3A_1560 = tpu.vector_load %arg11[%get3A_1558, %get3A_1559] {strides = array<i32>} : memref<64x256xi32, #tpu.memory_space<vmem>>, vector<16xi32>,
        %eq3A_1561 = arith.cmpi eq, %get3A_1560, %get3A_64 : vector<16xi32>
        %sub3A_1562 = arith.constant 2.000000e-01 : f32
        %sub3A_1563 = vector.broadcast %sub3A_1562 : f32 to vector<16xf32>
        %sub3A_1564 = arith.subf %sub3A_1563, %get3A_1554 : vector<16xf32>
        %add3A_1565 = arith.constant 2.000000e-01 : f32
        %add3A_1566 = vector.broadcast %add3A_1565 : f32 to vector<16xf32>
        %add3A_1567 = arith.addf %add3A_1566, %get3A_1554 : vector<16xf32>
        %select_n3A_1568 = arith.select %eq3A_1561, %sub3A_1564, %add3A_1567 : vector<16xi1>, vector<16xf32>
        %max3A_1569 = arith.constant 0.000000e+00 : f32
        %max3A_1570 = vector.broadcast %max3A_1569 : f32 to vector<16xf32>
        %max3A_1571 = arith.maximumf %select_n3A_1568, %max3A_1570 : vector<16xf32>
        %gt3A_1572 = arith.constant 0 : i32
        %gt3A_1573 = vector.broadcast %gt3A_1572 : i32 to vector<16xi32>
        %gt3A_1574 = arith.cmpi sgt, %get3A_1560, %gt3A_1573 : vector<16xi32>
        %select_n3A_1575 = arith.select %gt3A_1574, %max3A_1571, %broadcast_in_dim3A_1 : vector<16xi1>, vector<16xf32>
        %add3A_1576 = arith.addf %add3A_1543, %select_n3A_1575 : vector<16xf32>
        %all_reduce_population_count3A_1577 = tpu.all_reduce %gt3A_1574 {dim = 0 : i64, kind = #tpu.reduction_kind<sum>} : vector<16xi1> -> vector<16xi32>
        %add3A_1578 = arith.addi %add3A_1545, %all_reduce_population_count3A_1577 : vector<16xi32>
        %gt3A_1579 = arith.cmpf ogt, %get3A_1554, %max3A_1547 : vector<16xf32>
        %max3A_1580 = arith.maximumf %max3A_1547, %get3A_1554 : vector<16xf32>
        %select_n3A_1581 = arith.select %gt3A_1579, %get3A_1560, %select_n3A_1548 : vector<16xi1>, vector<16xi32>
        %mul3A_1582 = arith.constant 16 : i32
        %mul3A_1583 = arith.muli %scan3A_59, %mul3A_1582 : i32
        %get3A_1584 = arith.constant 46 : i32
        %get3A_1585 = arith.index_cast %get3A_1584 : i32 to index
        %get3A_1586 = arith.index_cast %mul3A_1583 : i32 to index
        %get3A_1587 = tpu.vector_load %arg10[%get3A_1585, %get3A_1586] {strides = array<i32>} : memref<64x256xf32, #tpu.memory_space<vmem>>, vector<16xf32>,
        %mul3A_1588 = arith.constant 16 : i32
        %mul3A_1589 = arith.muli %scan3A_59, %mul3A_1588 : i32
        %get3A_1590 = arith.constant 46 : i32
        %get3A_1591 = arith.index_cast %get3A_1590 : i32 to index
        %get3A_1592 = arith.index_cast %mul3A_1589 : i32 to index
        %get3A_1593 = tpu.vector_load %arg11[%get3A_1591, %get3A_1592] {strides = array<i32>} : memref<64x256xi32, #tpu.memory_space<vmem>>, vector<16xi32>,
        %eq3A_1594 = arith.cmpi eq, %get3A_1593, %get3A_64 : vector<16xi32>
        %sub3A_1595 = arith.constant 2.000000e-01 : f32
        %sub3A_1596 = vector.broadcast %sub3A_1595 : f32 to vector<16xf32>
        %sub3A_1597 = arith.subf %sub3A_1596, %get3A_1587 : vector<16xf32>
        %add3A_1598 = arith.constant 2.000000e-01 : f32
        %add3A_1599 = vector.broadcast %add3A_1598 : f32 to vector<16xf32>
        %add3A_1600 = arith.addf %add3A_1599, %get3A_1587 : vector<16xf32>
        %select_n3A_1601 = arith.select %eq3A_1594, %sub3A_1597, %add3A_1600 : vector<16xi1>, vector<16xf32>
        %max3A_1602 = arith.constant 0.000000e+00 : f32
        %max3A_1603 = vector.broadcast %max3A_1602 : f32 to vector<16xf32>
        %max3A_1604 = arith.maximumf %select_n3A_1601, %max3A_1603 : vector<16xf32>
        %gt3A_1605 = arith.constant 0 : i32
        %gt3A_1606 = vector.broadcast %gt3A_1605 : i32 to vector<16xi32>
        %gt3A_1607 = arith.cmpi sgt, %get3A_1593, %gt3A_1606 : vector<16xi32>
        %select_n3A_1608 = arith.select %gt3A_1607, %max3A_1604, %broadcast_in_dim3A_1 : vector<16xi1>, vector<16xf32>
        %add3A_1609 = arith.addf %add3A_1576, %select_n3A_1608 : vector<16xf32>
        %all_reduce_population_count3A_1610 = tpu.all_reduce %gt3A_1607 {dim = 0 : i64, kind = #tpu.reduction_kind<sum>} : vector<16xi1> -> vector<16xi32>
        %add3A_1611 = arith.addi %add3A_1578, %all_reduce_population_count3A_1610 : vector<16xi32>
        %gt3A_1612 = arith.cmpf ogt, %get3A_1587, %max3A_1580 : vector<16xf32>
        %max3A_1613 = arith.maximumf %max3A_1580, %get3A_1587 : vector<16xf32>
        %select_n3A_1614 = arith.select %gt3A_1612, %get3A_1593, %select_n3A_1581 : vector<16xi1>, vector<16xi32>
        %mul3A_1615 = arith.constant 16 : i32
        %mul3A_1616 = arith.muli %scan3A_59, %mul3A_1615 : i32
        %get3A_1617 = arith.constant 47 : i32
        %get3A_1618 = arith.index_cast %get3A_1617 : i32 to index
        %get3A_1619 = arith.index_cast %mul3A_1616 : i32 to index
        %get3A_1620 = tpu.vector_load %arg10[%get3A_1618, %get3A_1619] {strides = array<i32>} : memref<64x256xf32, #tpu.memory_space<vmem>>, vector<16xf32>,
        %mul3A_1621 = arith.constant 16 : i32
        %mul3A_1622 = arith.muli %scan3A_59, %mul3A_1621 : i32
        %get3A_1623 = arith.constant 47 : i32
        %get3A_1624 = arith.index_cast %get3A_1623 : i32 to index
        %get3A_1625 = arith.index_cast %mul3A_1622 : i32 to index
        %get3A_1626 = tpu.vector_load %arg11[%get3A_1624, %get3A_1625] {strides = array<i32>} : memref<64x256xi32, #tpu.memory_space<vmem>>, vector<16xi32>,
        %eq3A_1627 = arith.cmpi eq, %get3A_1626, %get3A_64 : vector<16xi32>
        %sub3A_1628 = arith.constant 2.000000e-01 : f32
        %sub3A_1629 = vector.broadcast %sub3A_1628 : f32 to vector<16xf32>
        %sub3A_1630 = arith.subf %sub3A_1629, %get3A_1620 : vector<16xf32>
        %add3A_1631 = arith.constant 2.000000e-01 : f32
        %add3A_1632 = vector.broadcast %add3A_1631 : f32 to vector<16xf32>
        %add3A_1633 = arith.addf %add3A_1632, %get3A_1620 : vector<16xf32>
        %select_n3A_1634 = arith.select %eq3A_1627, %sub3A_1630, %add3A_1633 : vector<16xi1>, vector<16xf32>
        %max3A_1635 = arith.constant 0.000000e+00 : f32
        %max3A_1636 = vector.broadcast %max3A_1635 : f32 to vector<16xf32>
        %max3A_1637 = arith.maximumf %select_n3A_1634, %max3A_1636 : vector<16xf32>
        %gt3A_1638 = arith.constant 0 : i32
        %gt3A_1639 = vector.broadcast %gt3A_1638 : i32 to vector<16xi32>
        %gt3A_1640 = arith.cmpi sgt, %get3A_1626, %gt3A_1639 : vector<16xi32>
        %select_n3A_1641 = arith.select %gt3A_1640, %max3A_1637, %broadcast_in_dim3A_1 : vector<16xi1>, vector<16xf32>
        %add3A_1642 = arith.addf %add3A_1609, %select_n3A_1641 : vector<16xf32>
        %all_reduce_population_count3A_1643 = tpu.all_reduce %gt3A_1640 {dim = 0 : i64, kind = #tpu.reduction_kind<sum>} : vector<16xi1> -> vector<16xi32>
        %add3A_1644 = arith.addi %add3A_1611, %all_reduce_population_count3A_1643 : vector<16xi32>
        %gt3A_1645 = arith.cmpf ogt, %get3A_1620, %max3A_1613 : vector<16xf32>
        %max3A_1646 = arith.maximumf %max3A_1613, %get3A_1620 : vector<16xf32>
        %select_n3A_1647 = arith.select %gt3A_1645, %get3A_1626, %select_n3A_1614 : vector<16xi1>, vector<16xi32>
        %mul3A_1648 = arith.constant 16 : i32
        %mul3A_1649 = arith.muli %scan3A_59, %mul3A_1648 : i32
        %get3A_1650 = arith.constant 48 : i32
        %get3A_1651 = arith.index_cast %get3A_1650 : i32 to index
        %get3A_1652 = arith.index_cast %mul3A_1649 : i32 to index
        %get3A_1653 = tpu.vector_load %arg10[%get3A_1651, %get3A_1652] {strides = array<i32>} : memref<64x256xf32, #tpu.memory_space<vmem>>, vector<16xf32>,
        %mul3A_1654 = arith.constant 16 : i32
        %mul3A_1655 = arith.muli %scan3A_59, %mul3A_1654 : i32
        %get3A_1656 = arith.constant 48 : i32
        %get3A_1657 = arith.index_cast %get3A_1656 : i32 to index
        %get3A_1658 = arith.index_cast %mul3A_1655 : i32 to index
        %get3A_1659 = tpu.vector_load %arg11[%get3A_1657, %get3A_1658] {strides = array<i32>} : memref<64x256xi32, #tpu.memory_space<vmem>>, vector<16xi32>,
        %eq3A_1660 = arith.cmpi eq, %get3A_1659, %get3A_64 : vector<16xi32>
        %sub3A_1661 = arith.constant 2.000000e-01 : f32
        %sub3A_1662 = vector.broadcast %sub3A_1661 : f32 to vector<16xf32>
        %sub3A_1663 = arith.subf %sub3A_1662, %get3A_1653 : vector<16xf32>
        %add3A_1664 = arith.constant 2.000000e-01 : f32
        %add3A_1665 = vector.broadcast %add3A_1664 : f32 to vector<16xf32>
        %add3A_1666 = arith.addf %add3A_1665, %get3A_1653 : vector<16xf32>
        %select_n3A_1667 = arith.select %eq3A_1660, %sub3A_1663, %add3A_1666 : vector<16xi1>, vector<16xf32>
        %max3A_1668 = arith.constant 0.000000e+00 : f32
        %max3A_1669 = vector.broadcast %max3A_1668 : f32 to vector<16xf32>
        %max3A_1670 = arith.maximumf %select_n3A_1667, %max3A_1669 : vector<16xf32>
        %gt3A_1671 = arith.constant 0 : i32
        %gt3A_1672 = vector.broadcast %gt3A_1671 : i32 to vector<16xi32>
        %gt3A_1673 = arith.cmpi sgt, %get3A_1659, %gt3A_1672 : vector<16xi32>
        %select_n3A_1674 = arith.select %gt3A_1673, %max3A_1670, %broadcast_in_dim3A_1 : vector<16xi1>, vector<16xf32>
        %add3A_1675 = arith.addf %add3A_1642, %select_n3A_1674 : vector<16xf32>
        %all_reduce_population_count3A_1676 = tpu.all_reduce %gt3A_1673 {dim = 0 : i64, kind = #tpu.reduction_kind<sum>} : vector<16xi1> -> vector<16xi32>
        %add3A_1677 = arith.addi %add3A_1644, %all_reduce_population_count3A_1676 : vector<16xi32>
        %gt3A_1678 = arith.cmpf ogt, %get3A_1653, %max3A_1646 : vector<16xf32>
        %max3A_1679 = arith.maximumf %max3A_1646, %get3A_1653 : vector<16xf32>
        %select_n3A_1680 = arith.select %gt3A_1678, %get3A_1659, %select_n3A_1647 : vector<16xi1>, vector<16xi32>
        %mul3A_1681 = arith.constant 16 : i32
        %mul3A_1682 = arith.muli %scan3A_59, %mul3A_1681 : i32
        %get3A_1683 = arith.constant 49 : i32
        %get3A_1684 = arith.index_cast %get3A_1683 : i32 to index
        %get3A_1685 = arith.index_cast %mul3A_1682 : i32 to index
        %get3A_1686 = tpu.vector_load %arg10[%get3A_1684, %get3A_1685] {strides = array<i32>} : memref<64x256xf32, #tpu.memory_space<vmem>>, vector<16xf32>,
        %mul3A_1687 = arith.constant 16 : i32
        %mul3A_1688 = arith.muli %scan3A_59, %mul3A_1687 : i32
        %get3A_1689 = arith.constant 49 : i32
        %get3A_1690 = arith.index_cast %get3A_1689 : i32 to index
        %get3A_1691 = arith.index_cast %mul3A_1688 : i32 to index
        %get3A_1692 = tpu.vector_load %arg11[%get3A_1690, %get3A_1691] {strides = array<i32>} : memref<64x256xi32, #tpu.memory_space<vmem>>, vector<16xi32>,
        %eq3A_1693 = arith.cmpi eq, %get3A_1692, %get3A_64 : vector<16xi32>
        %sub3A_1694 = arith.constant 2.000000e-01 : f32
        %sub3A_1695 = vector.broadcast %sub3A_1694 : f32 to vector<16xf32>
        %sub3A_1696 = arith.subf %sub3A_1695, %get3A_1686 : vector<16xf32>
        %add3A_1697 = arith.constant 2.000000e-01 : f32
        %add3A_1698 = vector.broadcast %add3A_1697 : f32 to vector<16xf32>
        %add3A_1699 = arith.addf %add3A_1698, %get3A_1686 : vector<16xf32>
        %select_n3A_1700 = arith.select %eq3A_1693, %sub3A_1696, %add3A_1699 : vector<16xi1>, vector<16xf32>
        %max3A_1701 = arith.constant 0.000000e+00 : f32
        %max3A_1702 = vector.broadcast %max3A_1701 : f32 to vector<16xf32>
        %max3A_1703 = arith.maximumf %select_n3A_1700, %max3A_1702 : vector<16xf32>
        %gt3A_1704 = arith.constant 0 : i32
        %gt3A_1705 = vector.broadcast %gt3A_1704 : i32 to vector<16xi32>
        %gt3A_1706 = arith.cmpi sgt, %get3A_1692, %gt3A_1705 : vector<16xi32>
        %select_n3A_1707 = arith.select %gt3A_1706, %max3A_1703, %broadcast_in_dim3A_1 : vector<16xi1>, vector<16xf32>
        %add3A_1708 = arith.addf %add3A_1675, %select_n3A_1707 : vector<16xf32>
        %all_reduce_population_count3A_1709 = tpu.all_reduce %gt3A_1706 {dim = 0 : i64, kind = #tpu.reduction_kind<sum>} : vector<16xi1> -> vector<16xi32>
        %add3A_1710 = arith.addi %add3A_1677, %all_reduce_population_count3A_1709 : vector<16xi32>
        %gt3A_1711 = arith.cmpf ogt, %get3A_1686, %max3A_1679 : vector<16xf32>
        %max3A_1712 = arith.maximumf %max3A_1679, %get3A_1686 : vector<16xf32>
        %select_n3A_1713 = arith.select %gt3A_1711, %get3A_1692, %select_n3A_1680 : vector<16xi1>, vector<16xi32>
        %mul3A_1714 = arith.constant 16 : i32
        %mul3A_1715 = arith.muli %scan3A_59, %mul3A_1714 : i32
        %get3A_1716 = arith.constant 50 : i32
        %get3A_1717 = arith.index_cast %get3A_1716 : i32 to index
        %get3A_1718 = arith.index_cast %mul3A_1715 : i32 to index
        %get3A_1719 = tpu.vector_load %arg10[%get3A_1717, %get3A_1718] {strides = array<i32>} : memref<64x256xf32, #tpu.memory_space<vmem>>, vector<16xf32>,
        %mul3A_1720 = arith.constant 16 : i32
        %mul3A_1721 = arith.muli %scan3A_59, %mul3A_1720 : i32
        %get3A_1722 = arith.constant 50 : i32
        %get3A_1723 = arith.index_cast %get3A_1722 : i32 to index
        %get3A_1724 = arith.index_cast %mul3A_1721 : i32 to index
        %get3A_1725 = tpu.vector_load %arg11[%get3A_1723, %get3A_1724] {strides = array<i32>} : memref<64x256xi32, #tpu.memory_space<vmem>>, vector<16xi32>,
        %eq3A_1726 = arith.cmpi eq, %get3A_1725, %get3A_64 : vector<16xi32>
        %sub3A_1727 = arith.constant 2.000000e-01 : f32
        %sub3A_1728 = vector.broadcast %sub3A_1727 : f32 to vector<16xf32>
        %sub3A_1729 = arith.subf %sub3A_1728, %get3A_1719 : vector<16xf32>
        %add3A_1730 = arith.constant 2.000000e-01 : f32
        %add3A_1731 = vector.broadcast %add3A_1730 : f32 to vector<16xf32>
        %add3A_1732 = arith.addf %add3A_1731, %get3A_1719 : vector<16xf32>
        %select_n3A_1733 = arith.select %eq3A_1726, %sub3A_1729, %add3A_1732 : vector<16xi1>, vector<16xf32>
        %max3A_1734 = arith.constant 0.000000e+00 : f32
        %max3A_1735 = vector.broadcast %max3A_1734 : f32 to vector<16xf32>
        %max3A_1736 = arith.maximumf %select_n3A_1733, %max3A_1735 : vector<16xf32>
        %gt3A_1737 = arith.constant 0 : i32
        %gt3A_1738 = vector.broadcast %gt3A_1737 : i32 to vector<16xi32>
        %gt3A_1739 = arith.cmpi sgt, %get3A_1725, %gt3A_1738 : vector<16xi32>
        %select_n3A_1740 = arith.select %gt3A_1739, %max3A_1736, %broadcast_in_dim3A_1 : vector<16xi1>, vector<16xf32>
        %add3A_1741 = arith.addf %add3A_1708, %select_n3A_1740 : vector<16xf32>
        %all_reduce_population_count3A_1742 = tpu.all_reduce %gt3A_1739 {dim = 0 : i64, kind = #tpu.reduction_kind<sum>} : vector<16xi1> -> vector<16xi32>
        %add3A_1743 = arith.addi %add3A_1710, %all_reduce_population_count3A_1742 : vector<16xi32>
        %gt3A_1744 = arith.cmpf ogt, %get3A_1719, %max3A_1712 : vector<16xf32>
        %max3A_1745 = arith.maximumf %max3A_1712, %get3A_1719 : vector<16xf32>
        %select_n3A_1746 = arith.select %gt3A_1744, %get3A_1725, %select_n3A_1713 : vector<16xi1>, vector<16xi32>
        %mul3A_1747 = arith.constant 16 : i32
        %mul3A_1748 = arith.muli %scan3A_59, %mul3A_1747 : i32
        %get3A_1749 = arith.constant 51 : i32
        %get3A_1750 = arith.index_cast %get3A_1749 : i32 to index
        %get3A_1751 = arith.index_cast %mul3A_1748 : i32 to index
        %get3A_1752 = tpu.vector_load %arg10[%get3A_1750, %get3A_1751] {strides = array<i32>} : memref<64x256xf32, #tpu.memory_space<vmem>>, vector<16xf32>,
        %mul3A_1753 = arith.constant 16 : i32
        %mul3A_1754 = arith.muli %scan3A_59, %mul3A_1753 : i32
        %get3A_1755 = arith.constant 51 : i32
        %get3A_1756 = arith.index_cast %get3A_1755 : i32 to index
        %get3A_1757 = arith.index_cast %mul3A_1754 : i32 to index
        %get3A_1758 = tpu.vector_load %arg11[%get3A_1756, %get3A_1757] {strides = array<i32>} : memref<64x256xi32, #tpu.memory_space<vmem>>, vector<16xi32>,
        %eq3A_1759 = arith.cmpi eq, %get3A_1758, %get3A_64 : vector<16xi32>
        %sub3A_1760 = arith.constant 2.000000e-01 : f32
        %sub3A_1761 = vector.broadcast %sub3A_1760 : f32 to vector<16xf32>
        %sub3A_1762 = arith.subf %sub3A_1761, %get3A_1752 : vector<16xf32>
        %add3A_1763 = arith.constant 2.000000e-01 : f32
        %add3A_1764 = vector.broadcast %add3A_1763 : f32 to vector<16xf32>
        %add3A_1765 = arith.addf %add3A_1764, %get3A_1752 : vector<16xf32>
        %select_n3A_1766 = arith.select %eq3A_1759, %sub3A_1762, %add3A_1765 : vector<16xi1>, vector<16xf32>
        %max3A_1767 = arith.constant 0.000000e+00 : f32
        %max3A_1768 = vector.broadcast %max3A_1767 : f32 to vector<16xf32>
        %max3A_1769 = arith.maximumf %select_n3A_1766, %max3A_1768 : vector<16xf32>
        %gt3A_1770 = arith.constant 0 : i32
        %gt3A_1771 = vector.broadcast %gt3A_1770 : i32 to vector<16xi32>
        %gt3A_1772 = arith.cmpi sgt, %get3A_1758, %gt3A_1771 : vector<16xi32>
        %select_n3A_1773 = arith.select %gt3A_1772, %max3A_1769, %broadcast_in_dim3A_1 : vector<16xi1>, vector<16xf32>
        %add3A_1774 = arith.addf %add3A_1741, %select_n3A_1773 : vector<16xf32>
        %all_reduce_population_count3A_1775 = tpu.all_reduce %gt3A_1772 {dim = 0 : i64, kind = #tpu.reduction_kind<sum>} : vector<16xi1> -> vector<16xi32>
        %add3A_1776 = arith.addi %add3A_1743, %all_reduce_population_count3A_1775 : vector<16xi32>
        %gt3A_1777 = arith.cmpf ogt, %get3A_1752, %max3A_1745 : vector<16xf32>
        %max3A_1778 = arith.maximumf %max3A_1745, %get3A_1752 : vector<16xf32>
        %select_n3A_1779 = arith.select %gt3A_1777, %get3A_1758, %select_n3A_1746 : vector<16xi1>, vector<16xi32>
        %mul3A_1780 = arith.constant 16 : i32
        %mul3A_1781 = arith.muli %scan3A_59, %mul3A_1780 : i32
        %get3A_1782 = arith.constant 52 : i32
        %get3A_1783 = arith.index_cast %get3A_1782 : i32 to index
        %get3A_1784 = arith.index_cast %mul3A_1781 : i32 to index
        %get3A_1785 = tpu.vector_load %arg10[%get3A_1783, %get3A_1784] {strides = array<i32>} : memref<64x256xf32, #tpu.memory_space<vmem>>, vector<16xf32>,
        %mul3A_1786 = arith.constant 16 : i32
        %mul3A_1787 = arith.muli %scan3A_59, %mul3A_1786 : i32
        %get3A_1788 = arith.constant 52 : i32
        %get3A_1789 = arith.index_cast %get3A_1788 : i32 to index
        %get3A_1790 = arith.index_cast %mul3A_1787 : i32 to index
        %get3A_1791 = tpu.vector_load %arg11[%get3A_1789, %get3A_1790] {strides = array<i32>} : memref<64x256xi32, #tpu.memory_space<vmem>>, vector<16xi32>,
        %eq3A_1792 = arith.cmpi eq, %get3A_1791, %get3A_64 : vector<16xi32>
        %sub3A_1793 = arith.constant 2.000000e-01 : f32
        %sub3A_1794 = vector.broadcast %sub3A_1793 : f32 to vector<16xf32>
        %sub3A_1795 = arith.subf %sub3A_1794, %get3A_1785 : vector<16xf32>
        %add3A_1796 = arith.constant 2.000000e-01 : f32
        %add3A_1797 = vector.broadcast %add3A_1796 : f32 to vector<16xf32>
        %add3A_1798 = arith.addf %add3A_1797, %get3A_1785 : vector<16xf32>
        %select_n3A_1799 = arith.select %eq3A_1792, %sub3A_1795, %add3A_1798 : vector<16xi1>, vector<16xf32>
        %max3A_1800 = arith.constant 0.000000e+00 : f32
        %max3A_1801 = vector.broadcast %max3A_1800 : f32 to vector<16xf32>
        %max3A_1802 = arith.maximumf %select_n3A_1799, %max3A_1801 : vector<16xf32>
        %gt3A_1803 = arith.constant 0 : i32
        %gt3A_1804 = vector.broadcast %gt3A_1803 : i32 to vector<16xi32>
        %gt3A_1805 = arith.cmpi sgt, %get3A_1791, %gt3A_1804 : vector<16xi32>
        %select_n3A_1806 = arith.select %gt3A_1805, %max3A_1802, %broadcast_in_dim3A_1 : vector<16xi1>, vector<16xf32>
        %add3A_1807 = arith.addf %add3A_1774, %select_n3A_1806 : vector<16xf32>
        %all_reduce_population_count3A_1808 = tpu.all_reduce %gt3A_1805 {dim = 0 : i64, kind = #tpu.reduction_kind<sum>} : vector<16xi1> -> vector<16xi32>
        %add3A_1809 = arith.addi %add3A_1776, %all_reduce_population_count3A_1808 : vector<16xi32>
        %gt3A_1810 = arith.cmpf ogt, %get3A_1785, %max3A_1778 : vector<16xf32>
        %max3A_1811 = arith.maximumf %max3A_1778, %get3A_1785 : vector<16xf32>
        %select_n3A_1812 = arith.select %gt3A_1810, %get3A_1791, %select_n3A_1779 : vector<16xi1>, vector<16xi32>
        %mul3A_1813 = arith.constant 16 : i32
        %mul3A_1814 = arith.muli %scan3A_59, %mul3A_1813 : i32
        %get3A_1815 = arith.constant 53 : i32
        %get3A_1816 = arith.index_cast %get3A_1815 : i32 to index
        %get3A_1817 = arith.index_cast %mul3A_1814 : i32 to index
        %get3A_1818 = tpu.vector_load %arg10[%get3A_1816, %get3A_1817] {strides = array<i32>} : memref<64x256xf32, #tpu.memory_space<vmem>>, vector<16xf32>,
        %mul3A_1819 = arith.constant 16 : i32
        %mul3A_1820 = arith.muli %scan3A_59, %mul3A_1819 : i32
        %get3A_1821 = arith.constant 53 : i32
        %get3A_1822 = arith.index_cast %get3A_1821 : i32 to index
        %get3A_1823 = arith.index_cast %mul3A_1820 : i32 to index
        %get3A_1824 = tpu.vector_load %arg11[%get3A_1822, %get3A_1823] {strides = array<i32>} : memref<64x256xi32, #tpu.memory_space<vmem>>, vector<16xi32>,
        %eq3A_1825 = arith.cmpi eq, %get3A_1824, %get3A_64 : vector<16xi32>
        %sub3A_1826 = arith.constant 2.000000e-01 : f32
        %sub3A_1827 = vector.broadcast %sub3A_1826 : f32 to vector<16xf32>
        %sub3A_1828 = arith.subf %sub3A_1827, %get3A_1818 : vector<16xf32>
        %add3A_1829 = arith.constant 2.000000e-01 : f32
        %add3A_1830 = vector.broadcast %add3A_1829 : f32 to vector<16xf32>
        %add3A_1831 = arith.addf %add3A_1830, %get3A_1818 : vector<16xf32>
        %select_n3A_1832 = arith.select %eq3A_1825, %sub3A_1828, %add3A_1831 : vector<16xi1>, vector<16xf32>
        %max3A_1833 = arith.constant 0.000000e+00 : f32
        %max3A_1834 = vector.broadcast %max3A_1833 : f32 to vector<16xf32>
        %max3A_1835 = arith.maximumf %select_n3A_1832, %max3A_1834 : vector<16xf32>
        %gt3A_1836 = arith.constant 0 : i32
        %gt3A_1837 = vector.broadcast %gt3A_1836 : i32 to vector<16xi32>
        %gt3A_1838 = arith.cmpi sgt, %get3A_1824, %gt3A_1837 : vector<16xi32>
        %select_n3A_1839 = arith.select %gt3A_1838, %max3A_1835, %broadcast_in_dim3A_1 : vector<16xi1>, vector<16xf32>
        %add3A_1840 = arith.addf %add3A_1807, %select_n3A_1839 : vector<16xf32>
        %all_reduce_population_count3A_1841 = tpu.all_reduce %gt3A_1838 {dim = 0 : i64, kind = #tpu.reduction_kind<sum>} : vector<16xi1> -> vector<16xi32>
        %add3A_1842 = arith.addi %add3A_1809, %all_reduce_population_count3A_1841 : vector<16xi32>
        %gt3A_1843 = arith.cmpf ogt, %get3A_1818, %max3A_1811 : vector<16xf32>
        %max3A_1844 = arith.maximumf %max3A_1811, %get3A_1818 : vector<16xf32>
        %select_n3A_1845 = arith.select %gt3A_1843, %get3A_1824, %select_n3A_1812 : vector<16xi1>, vector<16xi32>
        %mul3A_1846 = arith.constant 16 : i32
        %mul3A_1847 = arith.muli %scan3A_59, %mul3A_1846 : i32
        %get3A_1848 = arith.constant 54 : i32
        %get3A_1849 = arith.index_cast %get3A_1848 : i32 to index
        %get3A_1850 = arith.index_cast %mul3A_1847 : i32 to index
        %get3A_1851 = tpu.vector_load %arg10[%get3A_1849, %get3A_1850] {strides = array<i32>} : memref<64x256xf32, #tpu.memory_space<vmem>>, vector<16xf32>,
        %mul3A_1852 = arith.constant 16 : i32
        %mul3A_1853 = arith.muli %scan3A_59, %mul3A_1852 : i32
        %get3A_1854 = arith.constant 54 : i32
        %get3A_1855 = arith.index_cast %get3A_1854 : i32 to index
        %get3A_1856 = arith.index_cast %mul3A_1853 : i32 to index
        %get3A_1857 = tpu.vector_load %arg11[%get3A_1855, %get3A_1856] {strides = array<i32>} : memref<64x256xi32, #tpu.memory_space<vmem>>, vector<16xi32>,
        %eq3A_1858 = arith.cmpi eq, %get3A_1857, %get3A_64 : vector<16xi32>
        %sub3A_1859 = arith.constant 2.000000e-01 : f32
        %sub3A_1860 = vector.broadcast %sub3A_1859 : f32 to vector<16xf32>
        %sub3A_1861 = arith.subf %sub3A_1860, %get3A_1851 : vector<16xf32>
        %add3A_1862 = arith.constant 2.000000e-01 : f32
        %add3A_1863 = vector.broadcast %add3A_1862 : f32 to vector<16xf32>
        %add3A_1864 = arith.addf %add3A_1863, %get3A_1851 : vector<16xf32>
        %select_n3A_1865 = arith.select %eq3A_1858, %sub3A_1861, %add3A_1864 : vector<16xi1>, vector<16xf32>
        %max3A_1866 = arith.constant 0.000000e+00 : f32
        %max3A_1867 = vector.broadcast %max3A_1866 : f32 to vector<16xf32>
        %max3A_1868 = arith.maximumf %select_n3A_1865, %max3A_1867 : vector<16xf32>
        %gt3A_1869 = arith.constant 0 : i32
        %gt3A_1870 = vector.broadcast %gt3A_1869 : i32 to vector<16xi32>
        %gt3A_1871 = arith.cmpi sgt, %get3A_1857, %gt3A_1870 : vector<16xi32>
        %select_n3A_1872 = arith.select %gt3A_1871, %max3A_1868, %broadcast_in_dim3A_1 : vector<16xi1>, vector<16xf32>
        %add3A_1873 = arith.addf %add3A_1840, %select_n3A_1872 : vector<16xf32>
        %all_reduce_population_count3A_1874 = tpu.all_reduce %gt3A_1871 {dim = 0 : i64, kind = #tpu.reduction_kind<sum>} : vector<16xi1> -> vector<16xi32>
        %add3A_1875 = arith.addi %add3A_1842, %all_reduce_population_count3A_1874 : vector<16xi32>
        %gt3A_1876 = arith.cmpf ogt, %get3A_1851, %max3A_1844 : vector<16xf32>
        %max3A_1877 = arith.maximumf %max3A_1844, %get3A_1851 : vector<16xf32>
        %select_n3A_1878 = arith.select %gt3A_1876, %get3A_1857, %select_n3A_1845 : vector<16xi1>, vector<16xi32>
        %mul3A_1879 = arith.constant 16 : i32
        %mul3A_1880 = arith.muli %scan3A_59, %mul3A_1879 : i32
        %get3A_1881 = arith.constant 55 : i32
        %get3A_1882 = arith.index_cast %get3A_1881 : i32 to index
        %get3A_1883 = arith.index_cast %mul3A_1880 : i32 to index
        %get3A_1884 = tpu.vector_load %arg10[%get3A_1882, %get3A_1883] {strides = array<i32>} : memref<64x256xf32, #tpu.memory_space<vmem>>, vector<16xf32>,
        %mul3A_1885 = arith.constant 16 : i32
        %mul3A_1886 = arith.muli %scan3A_59, %mul3A_1885 : i32
        %get3A_1887 = arith.constant 55 : i32
        %get3A_1888 = arith.index_cast %get3A_1887 : i32 to index
        %get3A_1889 = arith.index_cast %mul3A_1886 : i32 to index
        %get3A_1890 = tpu.vector_load %arg11[%get3A_1888, %get3A_1889] {strides = array<i32>} : memref<64x256xi32, #tpu.memory_space<vmem>>, vector<16xi32>,
        %eq3A_1891 = arith.cmpi eq, %get3A_1890, %get3A_64 : vector<16xi32>
        %sub3A_1892 = arith.constant 2.000000e-01 : f32
        %sub3A_1893 = vector.broadcast %sub3A_1892 : f32 to vector<16xf32>
        %sub3A_1894 = arith.subf %sub3A_1893, %get3A_1884 : vector<16xf32>
        %add3A_1895 = arith.constant 2.000000e-01 : f32
        %add3A_1896 = vector.broadcast %add3A_1895 : f32 to vector<16xf32>
        %add3A_1897 = arith.addf %add3A_1896, %get3A_1884 : vector<16xf32>
        %select_n3A_1898 = arith.select %eq3A_1891, %sub3A_1894, %add3A_1897 : vector<16xi1>, vector<16xf32>
        %max3A_1899 = arith.constant 0.000000e+00 : f32
        %max3A_1900 = vector.broadcast %max3A_1899 : f32 to vector<16xf32>
        %max3A_1901 = arith.maximumf %select_n3A_1898, %max3A_1900 : vector<16xf32>
        %gt3A_1902 = arith.constant 0 : i32
        %gt3A_1903 = vector.broadcast %gt3A_1902 : i32 to vector<16xi32>
        %gt3A_1904 = arith.cmpi sgt, %get3A_1890, %gt3A_1903 : vector<16xi32>
        %select_n3A_1905 = arith.select %gt3A_1904, %max3A_1901, %broadcast_in_dim3A_1 : vector<16xi1>, vector<16xf32>
        %add3A_1906 = arith.addf %add3A_1873, %select_n3A_1905 : vector<16xf32>
        %all_reduce_population_count3A_1907 = tpu.all_reduce %gt3A_1904 {dim = 0 : i64, kind = #tpu.reduction_kind<sum>} : vector<16xi1> -> vector<16xi32>
        %add3A_1908 = arith.addi %add3A_1875, %all_reduce_population_count3A_1907 : vector<16xi32>
        %gt3A_1909 = arith.cmpf ogt, %get3A_1884, %max3A_1877 : vector<16xf32>
        %max3A_1910 = arith.maximumf %max3A_1877, %get3A_1884 : vector<16xf32>
        %select_n3A_1911 = arith.select %gt3A_1909, %get3A_1890, %select_n3A_1878 : vector<16xi1>, vector<16xi32>
        %mul3A_1912 = arith.constant 16 : i32
        %mul3A_1913 = arith.muli %scan3A_59, %mul3A_1912 : i32
        %get3A_1914 = arith.constant 56 : i32
        %get3A_1915 = arith.index_cast %get3A_1914 : i32 to index
        %get3A_1916 = arith.index_cast %mul3A_1913 : i32 to index
        %get3A_1917 = tpu.vector_load %arg10[%get3A_1915, %get3A_1916] {strides = array<i32>} : memref<64x256xf32, #tpu.memory_space<vmem>>, vector<16xf32>,
        %mul3A_1918 = arith.constant 16 : i32
        %mul3A_1919 = arith.muli %scan3A_59, %mul3A_1918 : i32
        %get3A_1920 = arith.constant 56 : i32
        %get3A_1921 = arith.index_cast %get3A_1920 : i32 to index
        %get3A_1922 = arith.index_cast %mul3A_1919 : i32 to index
        %get3A_1923 = tpu.vector_load %arg11[%get3A_1921, %get3A_1922] {strides = array<i32>} : memref<64x256xi32, #tpu.memory_space<vmem>>, vector<16xi32>,
        %eq3A_1924 = arith.cmpi eq, %get3A_1923, %get3A_64 : vector<16xi32>
        %sub3A_1925 = arith.constant 2.000000e-01 : f32
        %sub3A_1926 = vector.broadcast %sub3A_1925 : f32 to vector<16xf32>
        %sub3A_1927 = arith.subf %sub3A_1926, %get3A_1917 : vector<16xf32>
        %add3A_1928 = arith.constant 2.000000e-01 : f32
        %add3A_1929 = vector.broadcast %add3A_1928 : f32 to vector<16xf32>
        %add3A_1930 = arith.addf %add3A_1929, %get3A_1917 : vector<16xf32>
        %select_n3A_1931 = arith.select %eq3A_1924, %sub3A_1927, %add3A_1930 : vector<16xi1>, vector<16xf32>
        %max3A_1932 = arith.constant 0.000000e+00 : f32
        %max3A_1933 = vector.broadcast %max3A_1932 : f32 to vector<16xf32>
        %max3A_1934 = arith.maximumf %select_n3A_1931, %max3A_1933 : vector<16xf32>
        %gt3A_1935 = arith.constant 0 : i32
        %gt3A_1936 = vector.broadcast %gt3A_1935 : i32 to vector<16xi32>
        %gt3A_1937 = arith.cmpi sgt, %get3A_1923, %gt3A_1936 : vector<16xi32>
        %select_n3A_1938 = arith.select %gt3A_1937, %max3A_1934, %broadcast_in_dim3A_1 : vector<16xi1>, vector<16xf32>
        %add3A_1939 = arith.addf %add3A_1906, %select_n3A_1938 : vector<16xf32>
        %all_reduce_population_count3A_1940 = tpu.all_reduce %gt3A_1937 {dim = 0 : i64, kind = #tpu.reduction_kind<sum>} : vector<16xi1> -> vector<16xi32>
        %add3A_1941 = arith.addi %add3A_1908, %all_reduce_population_count3A_1940 : vector<16xi32>
        %gt3A_1942 = arith.cmpf ogt, %get3A_1917, %max3A_1910 : vector<16xf32>
        %max3A_1943 = arith.maximumf %max3A_1910, %get3A_1917 : vector<16xf32>
        %select_n3A_1944 = arith.select %gt3A_1942, %get3A_1923, %select_n3A_1911 : vector<16xi1>, vector<16xi32>
        %mul3A_1945 = arith.constant 16 : i32
        %mul3A_1946 = arith.muli %scan3A_59, %mul3A_1945 : i32
        %get3A_1947 = arith.constant 57 : i32
        %get3A_1948 = arith.index_cast %get3A_1947 : i32 to index
        %get3A_1949 = arith.index_cast %mul3A_1946 : i32 to index
        %get3A_1950 = tpu.vector_load %arg10[%get3A_1948, %get3A_1949] {strides = array<i32>} : memref<64x256xf32, #tpu.memory_space<vmem>>, vector<16xf32>,
        %mul3A_1951 = arith.constant 16 : i32
        %mul3A_1952 = arith.muli %scan3A_59, %mul3A_1951 : i32
        %get3A_1953 = arith.constant 57 : i32
        %get3A_1954 = arith.index_cast %get3A_1953 : i32 to index
        %get3A_1955 = arith.index_cast %mul3A_1952 : i32 to index
        %get3A_1956 = tpu.vector_load %arg11[%get3A_1954, %get3A_1955] {strides = array<i32>} : memref<64x256xi32, #tpu.memory_space<vmem>>, vector<16xi32>,
        %eq3A_1957 = arith.cmpi eq, %get3A_1956, %get3A_64 : vector<16xi32>
        %sub3A_1958 = arith.constant 2.000000e-01 : f32
        %sub3A_1959 = vector.broadcast %sub3A_1958 : f32 to vector<16xf32>
        %sub3A_1960 = arith.subf %sub3A_1959, %get3A_1950 : vector<16xf32>
        %add3A_1961 = arith.constant 2.000000e-01 : f32
        %add3A_1962 = vector.broadcast %add3A_1961 : f32 to vector<16xf32>
        %add3A_1963 = arith.addf %add3A_1962, %get3A_1950 : vector<16xf32>
        %select_n3A_1964 = arith.select %eq3A_1957, %sub3A_1960, %add3A_1963 : vector<16xi1>, vector<16xf32>
        %max3A_1965 = arith.constant 0.000000e+00 : f32
        %max3A_1966 = vector.broadcast %max3A_1965 : f32 to vector<16xf32>
        %max3A_1967 = arith.maximumf %select_n3A_1964, %max3A_1966 : vector<16xf32>
        %gt3A_1968 = arith.constant 0 : i32
        %gt3A_1969 = vector.broadcast %gt3A_1968 : i32 to vector<16xi32>
        %gt3A_1970 = arith.cmpi sgt, %get3A_1956, %gt3A_1969 : vector<16xi32>
        %select_n3A_1971 = arith.select %gt3A_1970, %max3A_1967, %broadcast_in_dim3A_1 : vector<16xi1>, vector<16xf32>
        %add3A_1972 = arith.addf %add3A_1939, %select_n3A_1971 : vector<16xf32>
        %all_reduce_population_count3A_1973 = tpu.all_reduce %gt3A_1970 {dim = 0 : i64, kind = #tpu.reduction_kind<sum>} : vector<16xi1> -> vector<16xi32>
        %add3A_1974 = arith.addi %add3A_1941, %all_reduce_population_count3A_1973 : vector<16xi32>
        %gt3A_1975 = arith.cmpf ogt, %get3A_1950, %max3A_1943 : vector<16xf32>
        %max3A_1976 = arith.maximumf %max3A_1943, %get3A_1950 : vector<16xf32>
        %select_n3A_1977 = arith.select %gt3A_1975, %get3A_1956, %select_n3A_1944 : vector<16xi1>, vector<16xi32>
        %mul3A_1978 = arith.constant 16 : i32
        %mul3A_1979 = arith.muli %scan3A_59, %mul3A_1978 : i32
        %get3A_1980 = arith.constant 58 : i32
        %get3A_1981 = arith.index_cast %get3A_1980 : i32 to index
        %get3A_1982 = arith.index_cast %mul3A_1979 : i32 to index
        %get3A_1983 = tpu.vector_load %arg10[%get3A_1981, %get3A_1982] {strides = array<i32>} : memref<64x256xf32, #tpu.memory_space<vmem>>, vector<16xf32>,
        %mul3A_1984 = arith.constant 16 : i32
        %mul3A_1985 = arith.muli %scan3A_59, %mul3A_1984 : i32
        %get3A_1986 = arith.constant 58 : i32
        %get3A_1987 = arith.index_cast %get3A_1986 : i32 to index
        %get3A_1988 = arith.index_cast %mul3A_1985 : i32 to index
        %get3A_1989 = tpu.vector_load %arg11[%get3A_1987, %get3A_1988] {strides = array<i32>} : memref<64x256xi32, #tpu.memory_space<vmem>>, vector<16xi32>,
        %eq3A_1990 = arith.cmpi eq, %get3A_1989, %get3A_64 : vector<16xi32>
        %sub3A_1991 = arith.constant 2.000000e-01 : f32
        %sub3A_1992 = vector.broadcast %sub3A_1991 : f32 to vector<16xf32>
        %sub3A_1993 = arith.subf %sub3A_1992, %get3A_1983 : vector<16xf32>
        %add3A_1994 = arith.constant 2.000000e-01 : f32
        %add3A_1995 = vector.broadcast %add3A_1994 : f32 to vector<16xf32>
        %add3A_1996 = arith.addf %add3A_1995, %get3A_1983 : vector<16xf32>
        %select_n3A_1997 = arith.select %eq3A_1990, %sub3A_1993, %add3A_1996 : vector<16xi1>, vector<16xf32>
        %max3A_1998 = arith.constant 0.000000e+00 : f32
        %max3A_1999 = vector.broadcast %max3A_1998 : f32 to vector<16xf32>
        %max3A_2000 = arith.maximumf %select_n3A_1997, %max3A_1999 : vector<16xf32>
        %gt3A_2001 = arith.constant 0 : i32
        %gt3A_2002 = vector.broadcast %gt3A_2001 : i32 to vector<16xi32>
        %gt3A_2003 = arith.cmpi sgt, %get3A_1989, %gt3A_2002 : vector<16xi32>
        %select_n3A_2004 = arith.select %gt3A_2003, %max3A_2000, %broadcast_in_dim3A_1 : vector<16xi1>, vector<16xf32>
        %add3A_2005 = arith.addf %add3A_1972, %select_n3A_2004 : vector<16xf32>
        %all_reduce_population_count3A_2006 = tpu.all_reduce %gt3A_2003 {dim = 0 : i64, kind = #tpu.reduction_kind<sum>} : vector<16xi1> -> vector<16xi32>
        %add3A_2007 = arith.addi %add3A_1974, %all_reduce_population_count3A_2006 : vector<16xi32>
        %gt3A_2008 = arith.cmpf ogt, %get3A_1983, %max3A_1976 : vector<16xf32>
        %max3A_2009 = arith.maximumf %max3A_1976, %get3A_1983 : vector<16xf32>
        %select_n3A_2010 = arith.select %gt3A_2008, %get3A_1989, %select_n3A_1977 : vector<16xi1>, vector<16xi32>
        %mul3A_2011 = arith.constant 16 : i32
        %mul3A_2012 = arith.muli %scan3A_59, %mul3A_2011 : i32
        %get3A_2013 = arith.constant 59 : i32
        %get3A_2014 = arith.index_cast %get3A_2013 : i32 to index
        %get3A_2015 = arith.index_cast %mul3A_2012 : i32 to index
        %get3A_2016 = tpu.vector_load %arg10[%get3A_2014, %get3A_2015] {strides = array<i32>} : memref<64x256xf32, #tpu.memory_space<vmem>>, vector<16xf32>,
        %mul3A_2017 = arith.constant 16 : i32
        %mul3A_2018 = arith.muli %scan3A_59, %mul3A_2017 : i32
        %get3A_2019 = arith.constant 59 : i32
        %get3A_2020 = arith.index_cast %get3A_2019 : i32 to index
        %get3A_2021 = arith.index_cast %mul3A_2018 : i32 to index
        %get3A_2022 = tpu.vector_load %arg11[%get3A_2020, %get3A_2021] {strides = array<i32>} : memref<64x256xi32, #tpu.memory_space<vmem>>, vector<16xi32>,
        %eq3A_2023 = arith.cmpi eq, %get3A_2022, %get3A_64 : vector<16xi32>
        %sub3A_2024 = arith.constant 2.000000e-01 : f32
        %sub3A_2025 = vector.broadcast %sub3A_2024 : f32 to vector<16xf32>
        %sub3A_2026 = arith.subf %sub3A_2025, %get3A_2016 : vector<16xf32>
        %add3A_2027 = arith.constant 2.000000e-01 : f32
        %add3A_2028 = vector.broadcast %add3A_2027 : f32 to vector<16xf32>
        %add3A_2029 = arith.addf %add3A_2028, %get3A_2016 : vector<16xf32>
        %select_n3A_2030 = arith.select %eq3A_2023, %sub3A_2026, %add3A_2029 : vector<16xi1>, vector<16xf32>
        %max3A_2031 = arith.constant 0.000000e+00 : f32
        %max3A_2032 = vector.broadcast %max3A_2031 : f32 to vector<16xf32>
        %max3A_2033 = arith.maximumf %select_n3A_2030, %max3A_2032 : vector<16xf32>
        %gt3A_2034 = arith.constant 0 : i32
        %gt3A_2035 = vector.broadcast %gt3A_2034 : i32 to vector<16xi32>
        %gt3A_2036 = arith.cmpi sgt, %get3A_2022, %gt3A_2035 : vector<16xi32>
        %select_n3A_2037 = arith.select %gt3A_2036, %max3A_2033, %broadcast_in_dim3A_1 : vector<16xi1>, vector<16xf32>
        %add3A_2038 = arith.addf %add3A_2005, %select_n3A_2037 : vector<16xf32>
        %all_reduce_population_count3A_2039 = tpu.all_reduce %gt3A_2036 {dim = 0 : i64, kind = #tpu.reduction_kind<sum>} : vector<16xi1> -> vector<16xi32>
        %add3A_2040 = arith.addi %add3A_2007, %all_reduce_population_count3A_2039 : vector<16xi32>
        %gt3A_2041 = arith.cmpf ogt, %get3A_2016, %max3A_2009 : vector<16xf32>
        %max3A_2042 = arith.maximumf %max3A_2009, %get3A_2016 : vector<16xf32>
        %select_n3A_2043 = arith.select %gt3A_2041, %get3A_2022, %select_n3A_2010 : vector<16xi1>, vector<16xi32>
        %mul3A_2044 = arith.constant 16 : i32
        %mul3A_2045 = arith.muli %scan3A_59, %mul3A_2044 : i32
        %get3A_2046 = arith.constant 60 : i32
        %get3A_2047 = arith.index_cast %get3A_2046 : i32 to index
        %get3A_2048 = arith.index_cast %mul3A_2045 : i32 to index
        %get3A_2049 = tpu.vector_load %arg10[%get3A_2047, %get3A_2048] {strides = array<i32>} : memref<64x256xf32, #tpu.memory_space<vmem>>, vector<16xf32>,
        %mul3A_2050 = arith.constant 16 : i32
        %mul3A_2051 = arith.muli %scan3A_59, %mul3A_2050 : i32
        %get3A_2052 = arith.constant 60 : i32
        %get3A_2053 = arith.index_cast %get3A_2052 : i32 to index
        %get3A_2054 = arith.index_cast %mul3A_2051 : i32 to index
        %get3A_2055 = tpu.vector_load %arg11[%get3A_2053, %get3A_2054] {strides = array<i32>} : memref<64x256xi32, #tpu.memory_space<vmem>>, vector<16xi32>,
        %eq3A_2056 = arith.cmpi eq, %get3A_2055, %get3A_64 : vector<16xi32>
        %sub3A_2057 = arith.constant 2.000000e-01 : f32
        %sub3A_2058 = vector.broadcast %sub3A_2057 : f32 to vector<16xf32>
        %sub3A_2059 = arith.subf %sub3A_2058, %get3A_2049 : vector<16xf32>
        %add3A_2060 = arith.constant 2.000000e-01 : f32
        %add3A_2061 = vector.broadcast %add3A_2060 : f32 to vector<16xf32>
        %add3A_2062 = arith.addf %add3A_2061, %get3A_2049 : vector<16xf32>
        %select_n3A_2063 = arith.select %eq3A_2056, %sub3A_2059, %add3A_2062 : vector<16xi1>, vector<16xf32>
        %max3A_2064 = arith.constant 0.000000e+00 : f32
        %max3A_2065 = vector.broadcast %max3A_2064 : f32 to vector<16xf32>
        %max3A_2066 = arith.maximumf %select_n3A_2063, %max3A_2065 : vector<16xf32>
        %gt3A_2067 = arith.constant 0 : i32
        %gt3A_2068 = vector.broadcast %gt3A_2067 : i32 to vector<16xi32>
        %gt3A_2069 = arith.cmpi sgt, %get3A_2055, %gt3A_2068 : vector<16xi32>
        %select_n3A_2070 = arith.select %gt3A_2069, %max3A_2066, %broadcast_in_dim3A_1 : vector<16xi1>, vector<16xf32>
        %add3A_2071 = arith.addf %add3A_2038, %select_n3A_2070 : vector<16xf32>
        %all_reduce_population_count3A_2072 = tpu.all_reduce %gt3A_2069 {dim = 0 : i64, kind = #tpu.reduction_kind<sum>} : vector<16xi1> -> vector<16xi32>
        %add3A_2073 = arith.addi %add3A_2040, %all_reduce_population_count3A_2072 : vector<16xi32>
        %gt3A_2074 = arith.cmpf ogt, %get3A_2049, %max3A_2042 : vector<16xf32>
        %max3A_2075 = arith.maximumf %max3A_2042, %get3A_2049 : vector<16xf32>
        %select_n3A_2076 = arith.select %gt3A_2074, %get3A_2055, %select_n3A_2043 : vector<16xi1>, vector<16xi32>
        %mul3A_2077 = arith.constant 16 : i32
        %mul3A_2078 = arith.muli %scan3A_59, %mul3A_2077 : i32
        %get3A_2079 = arith.constant 61 : i32
        %get3A_2080 = arith.index_cast %get3A_2079 : i32 to index
        %get3A_2081 = arith.index_cast %mul3A_2078 : i32 to index
        %get3A_2082 = tpu.vector_load %arg10[%get3A_2080, %get3A_2081] {strides = array<i32>} : memref<64x256xf32, #tpu.memory_space<vmem>>, vector<16xf32>,
        %mul3A_2083 = arith.constant 16 : i32
        %mul3A_2084 = arith.muli %scan3A_59, %mul3A_2083 : i32
        %get3A_2085 = arith.constant 61 : i32
        %get3A_2086 = arith.index_cast %get3A_2085 : i32 to index
        %get3A_2087 = arith.index_cast %mul3A_2084 : i32 to index
        %get3A_2088 = tpu.vector_load %arg11[%get3A_2086, %get3A_2087] {strides = array<i32>} : memref<64x256xi32, #tpu.memory_space<vmem>>, vector<16xi32>,
        %eq3A_2089 = arith.cmpi eq, %get3A_2088, %get3A_64 : vector<16xi32>
        %sub3A_2090 = arith.constant 2.000000e-01 : f32
        %sub3A_2091 = vector.broadcast %sub3A_2090 : f32 to vector<16xf32>
        %sub3A_2092 = arith.subf %sub3A_2091, %get3A_2082 : vector<16xf32>
        %add3A_2093 = arith.constant 2.000000e-01 : f32
        %add3A_2094 = vector.broadcast %add3A_2093 : f32 to vector<16xf32>
        %add3A_2095 = arith.addf %add3A_2094, %get3A_2082 : vector<16xf32>
        %select_n3A_2096 = arith.select %eq3A_2089, %sub3A_2092, %add3A_2095 : vector<16xi1>, vector<16xf32>
        %max3A_2097 = arith.constant 0.000000e+00 : f32
        %max3A_2098 = vector.broadcast %max3A_2097 : f32 to vector<16xf32>
        %max3A_2099 = arith.maximumf %select_n3A_2096, %max3A_2098 : vector<16xf32>
        %gt3A_2100 = arith.constant 0 : i32
        %gt3A_2101 = vector.broadcast %gt3A_2100 : i32 to vector<16xi32>
        %gt3A_2102 = arith.cmpi sgt, %get3A_2088, %gt3A_2101 : vector<16xi32>
        %select_n3A_2103 = arith.select %gt3A_2102, %max3A_2099, %broadcast_in_dim3A_1 : vector<16xi1>, vector<16xf32>
        %add3A_2104 = arith.addf %add3A_2071, %select_n3A_2103 : vector<16xf32>
        %all_reduce_population_count3A_2105 = tpu.all_reduce %gt3A_2102 {dim = 0 : i64, kind = #tpu.reduction_kind<sum>} : vector<16xi1> -> vector<16xi32>
        %add3A_2106 = arith.addi %add3A_2073, %all_reduce_population_count3A_2105 : vector<16xi32>
        %gt3A_2107 = arith.cmpf ogt, %get3A_2082, %max3A_2075 : vector<16xf32>
        %max3A_2108 = arith.maximumf %max3A_2075, %get3A_2082 : vector<16xf32>
        %select_n3A_2109 = arith.select %gt3A_2107, %get3A_2088, %select_n3A_2076 : vector<16xi1>, vector<16xi32>
        %mul3A_2110 = arith.constant 16 : i32
        %mul3A_2111 = arith.muli %scan3A_59, %mul3A_2110 : i32
        %get3A_2112 = arith.constant 62 : i32
        %get3A_2113 = arith.index_cast %get3A_2112 : i32 to index
        %get3A_2114 = arith.index_cast %mul3A_2111 : i32 to index
        %get3A_2115 = tpu.vector_load %arg10[%get3A_2113, %get3A_2114] {strides = array<i32>} : memref<64x256xf32, #tpu.memory_space<vmem>>, vector<16xf32>,
        %mul3A_2116 = arith.constant 16 : i32
        %mul3A_2117 = arith.muli %scan3A_59, %mul3A_2116 : i32
        %get3A_2118 = arith.constant 62 : i32
        %get3A_2119 = arith.index_cast %get3A_2118 : i32 to index
        %get3A_2120 = arith.index_cast %mul3A_2117 : i32 to index
        %get3A_2121 = tpu.vector_load %arg11[%get3A_2119, %get3A_2120] {strides = array<i32>} : memref<64x256xi32, #tpu.memory_space<vmem>>, vector<16xi32>,
        %eq3A_2122 = arith.cmpi eq, %get3A_2121, %get3A_64 : vector<16xi32>
        %sub3A_2123 = arith.constant 2.000000e-01 : f32
        %sub3A_2124 = vector.broadcast %sub3A_2123 : f32 to vector<16xf32>
        %sub3A_2125 = arith.subf %sub3A_2124, %get3A_2115 : vector<16xf32>
        %add3A_2126 = arith.constant 2.000000e-01 : f32
        %add3A_2127 = vector.broadcast %add3A_2126 : f32 to vector<16xf32>
        %add3A_2128 = arith.addf %add3A_2127, %get3A_2115 : vector<16xf32>
        %select_n3A_2129 = arith.select %eq3A_2122, %sub3A_2125, %add3A_2128 : vector<16xi1>, vector<16xf32>
        %max3A_2130 = arith.constant 0.000000e+00 : f32
        %max3A_2131 = vector.broadcast %max3A_2130 : f32 to vector<16xf32>
        %max3A_2132 = arith.maximumf %select_n3A_2129, %max3A_2131 : vector<16xf32>
        %gt3A_2133 = arith.constant 0 : i32
        %gt3A_2134 = vector.broadcast %gt3A_2133 : i32 to vector<16xi32>
        %gt3A_2135 = arith.cmpi sgt, %get3A_2121, %gt3A_2134 : vector<16xi32>
        %select_n3A_2136 = arith.select %gt3A_2135, %max3A_2132, %broadcast_in_dim3A_1 : vector<16xi1>, vector<16xf32>
        %add3A_2137 = arith.addf %add3A_2104, %select_n3A_2136 : vector<16xf32>
        %all_reduce_population_count3A_2138 = tpu.all_reduce %gt3A_2135 {dim = 0 : i64, kind = #tpu.reduction_kind<sum>} : vector<16xi1> -> vector<16xi32>
        %add3A_2139 = arith.addi %add3A_2106, %all_reduce_population_count3A_2138 : vector<16xi32>
        %gt3A_2140 = arith.cmpf ogt, %get3A_2115, %max3A_2108 : vector<16xf32>
        %max3A_2141 = arith.maximumf %max3A_2108, %get3A_2115 : vector<16xf32>
        %select_n3A_2142 = arith.select %gt3A_2140, %get3A_2121, %select_n3A_2109 : vector<16xi1>, vector<16xi32>
        %mul3A_2143 = arith.constant 16 : i32
        %mul3A_2144 = arith.muli %scan3A_59, %mul3A_2143 : i32
        %get3A_2145 = arith.constant 63 : i32
        %get3A_2146 = arith.index_cast %get3A_2145 : i32 to index
        %get3A_2147 = arith.index_cast %mul3A_2144 : i32 to index
        %get3A_2148 = tpu.vector_load %arg10[%get3A_2146, %get3A_2147] {strides = array<i32>} : memref<64x256xf32, #tpu.memory_space<vmem>>, vector<16xf32>,
        %mul3A_2149 = arith.constant 16 : i32
        %mul3A_2150 = arith.muli %scan3A_59, %mul3A_2149 : i32
        %get3A_2151 = arith.constant 63 : i32
        %get3A_2152 = arith.index_cast %get3A_2151 : i32 to index
        %get3A_2153 = arith.index_cast %mul3A_2150 : i32 to index
        %get3A_2154 = tpu.vector_load %arg11[%get3A_2152, %get3A_2153] {strides = array<i32>} : memref<64x256xi32, #tpu.memory_space<vmem>>, vector<16xi32>,
        %eq3A_2155 = arith.cmpi eq, %get3A_2154, %get3A_64 : vector<16xi32>
        %sub3A_2156 = arith.constant 2.000000e-01 : f32
        %sub3A_2157 = vector.broadcast %sub3A_2156 : f32 to vector<16xf32>
        %sub3A_2158 = arith.subf %sub3A_2157, %get3A_2148 : vector<16xf32>
        %add3A_2159 = arith.constant 2.000000e-01 : f32
        %add3A_2160 = vector.broadcast %add3A_2159 : f32 to vector<16xf32>
        %add3A_2161 = arith.addf %add3A_2160, %get3A_2148 : vector<16xf32>
        %select_n3A_2162 = arith.select %eq3A_2155, %sub3A_2158, %add3A_2161 : vector<16xi1>, vector<16xf32>
        %max3A_2163 = arith.constant 0.000000e+00 : f32
        %max3A_2164 = vector.broadcast %max3A_2163 : f32 to vector<16xf32>
        %max3A_2165 = arith.maximumf %select_n3A_2162, %max3A_2164 : vector<16xf32>
        %gt3A_2166 = arith.constant 0 : i32
        %gt3A_2167 = vector.broadcast %gt3A_2166 : i32 to vector<16xi32>
        %gt3A_2168 = arith.cmpi sgt, %get3A_2154, %gt3A_2167 : vector<16xi32>
        %select_n3A_2169 = arith.select %gt3A_2168, %max3A_2165, %broadcast_in_dim3A_1 : vector<16xi1>, vector<16xf32>
        %add3A_2170 = arith.addf %add3A_2137, %select_n3A_2169 : vector<16xf32>
        %all_reduce_population_count3A_2171 = tpu.all_reduce %gt3A_2168 {dim = 0 : i64, kind = #tpu.reduction_kind<sum>} : vector<16xi1> -> vector<16xi32>
        %add3A_2172 = arith.addi %add3A_2139, %all_reduce_population_count3A_2171 : vector<16xi32>
        %gt3A_2173 = arith.cmpf ogt, %get3A_2148, %max3A_2141 : vector<16xf32>
        %max3A_2174 = arith.maximumf %max3A_2141, %get3A_2148 : vector<16xf32>
        %select_n3A_2175 = arith.select %gt3A_2173, %get3A_2154, %select_n3A_2142 : vector<16xi1>, vector<16xi32>
        %gt3A_2176 = arith.constant 0.000000e+00 : f32
        %gt3A_2177 = vector.broadcast %gt3A_2176 : f32 to vector<16xf32>
        %gt3A_2178 = arith.cmpf ogt, %max3A_2174, %gt3A_2177 : vector<16xf32>
        %ne3A_2179 = arith.constant 0 : i32
        %ne3A_2180 = vector.broadcast %ne3A_2179 : i32 to vector<16xi32>
        %ne3A_2181 = arith.cmpi ne, %select_n3A_2175, %ne3A_2180 : vector<16xi32>
        %and3A_2182 = arith.andi %gt3A_2178, %ne3A_2181 : vector<16xi1>
        %select_n3A_2183 = arith.select %and3A_2182, %select_n3A_2175, %broadcast_in_dim3A_3 : vector<16xi1>, vector<16xi32>
        %mul3A_2184 = arith.constant 16 : i32
        %mul3A_2185 = arith.muli %scan3A_59, %mul3A_2184 : i32
        %swap3A_2186 = arith.index_cast %mul3A_2185 : i32 to index
        %swap3A_2187 = tpu.vector_load %arg13[%swap3A_2186] {strides = array<i32>} : memref<256xf32, #tpu.memory_space<vmem>>, vector<16xf32>,
        tpu.vector_store %arg13[%swap3A_2186], %max3A_2174 {strides = array<i32>} : memref<256xf32, #tpu.memory_space<vmem>>, vector<16xf32>,
        %mul3A_2188 = arith.constant 16 : i32
        %mul3A_2189 = arith.muli %scan3A_59, %mul3A_2188 : i32
        %swap3A_2190 = arith.index_cast %mul3A_2189 : i32 to index
        %swap3A_2191 = tpu.vector_load %arg14[%swap3A_2190] {strides = array<i32>} : memref<256xi32, #tpu.memory_space<vmem>>, vector<16xi32>,
        tpu.vector_store %arg14[%swap3A_2190], %select_n3A_2183 {strides = array<i32>} : memref<256xi32, #tpu.memory_space<vmem>>, vector<16xi32>,
        %jit3A_2192 = arith.constant 1 : i32
        %jit3A_2193 = arith.constant 0 : i32
        %broadcast_in_dim3A_2194 = vector.broadcast %jit3A_2192 : i32 to vector<16xi32>
        %broadcast_in_dim3A_2195 = vector.broadcast %jit3A_2193 : i32 to vector<16xi32>
        %select_n3A_2196 = arith.select %gt3A_2178, %broadcast_in_dim3A_2194, %broadcast_in_dim3A_2195 : vector<16xi1>, vector<16xi32>
        %mul3A_2197 = arith.constant 16 : i32
        %mul3A_2198 = arith.muli %scan3A_59, %mul3A_2197 : i32
        %swap3A_2199 = arith.index_cast %mul3A_2198 : i32 to index
        %swap3A_2200 = tpu.vector_load %arg15[%swap3A_2199] {strides = array<i32>} : memref<256xi32, #tpu.memory_space<vmem>>, vector<16xi32>,
        tpu.vector_store %arg15[%swap3A_2199], %select_n3A_2196 {strides = array<i32>} : memref<256xi32, #tpu.memory_space<vmem>>, vector<16xi32>,
        scf.yield %add3A_2170, %add3A_2172 : vector<16xf32>, vector<16xi32>
      }
      %scan3A_58 = arith.constant 16 : i32
      "tpu.region"() ({
        %run_scoped3A = tpu.sem_alloc : memref<!tpu.dma_semaphore, #tpu.memory_space<semaphore_mem>>
        %dma_start3A = tpu.memref_slice %arg5[%select_n3A, %mul3A_52] : memref<72x1024xf32, #tpu.memory_space<hbm>> -> memref<1x256xf32, #tpu.memory_space<hbm>>
        %dma_start3A_59 = tpu.memref_squeeze %dma_start3A : memref<1x256xf32, #tpu.memory_space<hbm>> -> memref<256xf32, #tpu.memory_space<hbm>>
        %dma_start3A_60 = tpu.memref_slice %arg5[%select_n3A, %mul3A_52] : memref<72x1024xf32, #tpu.memory_space<hbm>> -> memref<1x256xf32, #tpu.memory_space<hbm>>
        %dma_start3A_61 = tpu.memref_squeeze %dma_start3A_60 : memref<1x256xf32, #tpu.memory_space<hbm>> -> memref<256xf32, #tpu.memory_space<hbm>>
        tpu.enqueue_dma source(%arg13 : memref<256xf32, #tpu.memory_space<vmem>>) target(%dma_start3A_61 : memref<256xf32, #tpu.memory_space<hbm>>) target_semaphore(%run_scoped3A : memref<!tpu.dma_semaphore, #tpu.memory_space<semaphore_mem>>)
        %dma_wait3A = tpu.memref_slice %arg5[%select_n3A, %mul3A_52] : memref<72x1024xf32, #tpu.memory_space<hbm>> -> memref<1x256xf32, #tpu.memory_space<hbm>>
        %dma_wait3A_62 = tpu.memref_squeeze %dma_wait3A : memref<1x256xf32, #tpu.memory_space<hbm>> -> memref<256xf32, #tpu.memory_space<hbm>>
        %dma_wait3A_63 = tpu.memref_slice %arg5[%select_n3A, %mul3A_52] : memref<72x1024xf32, #tpu.memory_space<hbm>> -> memref<1x256xf32, #tpu.memory_space<hbm>>
        %dma_wait3A_64 = tpu.memref_squeeze %dma_wait3A_63 : memref<1x256xf32, #tpu.memory_space<hbm>> -> memref<256xf32, #tpu.memory_space<hbm>>
        tpu.wait_dma2 semaphore(%run_scoped3A : memref<!tpu.dma_semaphore, #tpu.memory_space<semaphore_mem>>) src(%arg13 : memref<256xf32, #tpu.memory_space<vmem>>) dst(%dma_wait3A_64 : memref<256xf32, #tpu.memory_space<hbm>>)
        tpu.yield
      }) : () -> ()
      "tpu.region"() ({
        %run_scoped3A = tpu.sem_alloc : memref<!tpu.dma_semaphore, #tpu.memory_space<semaphore_mem>>
        %dma_start3A = tpu.memref_slice %arg6[%select_n3A, %mul3A_52] : memref<72x1024xi32, #tpu.memory_space<hbm>> -> memref<1x256xi32, #tpu.memory_space<hbm>>
        %dma_start3A_59 = tpu.memref_squeeze %dma_start3A : memref<1x256xi32, #tpu.memory_space<hbm>> -> memref<256xi32, #tpu.memory_space<hbm>>
        %dma_start3A_60 = tpu.memref_slice %arg6[%select_n3A, %mul3A_52] : memref<72x1024xi32, #tpu.memory_space<hbm>> -> memref<1x256xi32, #tpu.memory_space<hbm>>
        %dma_start3A_61 = tpu.memref_squeeze %dma_start3A_60 : memref<1x256xi32, #tpu.memory_space<hbm>> -> memref<256xi32, #tpu.memory_space<hbm>>
        tpu.enqueue_dma source(%arg14 : memref<256xi32, #tpu.memory_space<vmem>>) target(%dma_start3A_61 : memref<256xi32, #tpu.memory_space<hbm>>) target_semaphore(%run_scoped3A : memref<!tpu.dma_semaphore, #tpu.memory_space<semaphore_mem>>)
        %dma_wait3A = tpu.memref_slice %arg6[%select_n3A, %mul3A_52] : memref<72x1024xi32, #tpu.memory_space<hbm>> -> memref<1x256xi32, #tpu.memory_space<hbm>>
        %dma_wait3A_62 = tpu.memref_squeeze %dma_wait3A : memref<1x256xi32, #tpu.memory_space<hbm>> -> memref<256xi32, #tpu.memory_space<hbm>>
        %dma_wait3A_63 = tpu.memref_slice %arg6[%select_n3A, %mul3A_52] : memref<72x1024xi32, #tpu.memory_space<hbm>> -> memref<1x256xi32, #tpu.memory_space<hbm>>
        %dma_wait3A_64 = tpu.memref_squeeze %dma_wait3A_63 : memref<1x256xi32, #tpu.memory_space<hbm>> -> memref<256xi32, #tpu.memory_space<hbm>>
        tpu.wait_dma2 semaphore(%run_scoped3A : memref<!tpu.dma_semaphore, #tpu.memory_space<semaphore_mem>>) src(%arg14 : memref<256xi32, #tpu.memory_space<vmem>>) dst(%dma_wait3A_64 : memref<256xi32, #tpu.memory_space<hbm>>)
        tpu.yield
      }) : () -> ()
      "tpu.region"() ({
        %run_scoped3A = tpu.sem_alloc : memref<!tpu.dma_semaphore, #tpu.memory_space<semaphore_mem>>
        %dma_start3A = tpu.memref_slice %arg7[%select_n3A, %mul3A_52] : memref<72x1024xi32, #tpu.memory_space<hbm>> -> memref<1x256xi32, #tpu.memory_space<hbm>>
        %dma_start3A_59 = tpu.memref_squeeze %dma_start3A : memref<1x256xi32, #tpu.memory_space<hbm>> -> memref<256xi32, #tpu.memory_space<hbm>>
        %dma_start3A_60 = tpu.memref_slice %arg7[%select_n3A, %mul3A_52] : memref<72x1024xi32, #tpu.memory_space<hbm>> -> memref<1x256xi32, #tpu.memory_space<hbm>>
        %dma_start3A_61 = tpu.memref_squeeze %dma_start3A_60 : memref<1x256xi32, #tpu.memory_space<hbm>> -> memref<256xi32, #tpu.memory_space<hbm>>
        tpu.enqueue_dma source(%arg15 : memref<256xi32, #tpu.memory_space<vmem>>) target(%dma_start3A_61 : memref<256xi32, #tpu.memory_space<hbm>>) target_semaphore(%run_scoped3A : memref<!tpu.dma_semaphore, #tpu.memory_space<semaphore_mem>>)
        %dma_wait3A = tpu.memref_slice %arg7[%select_n3A, %mul3A_52] : memref<72x1024xi32, #tpu.memory_space<hbm>> -> memref<1x256xi32, #tpu.memory_space<hbm>>
        %dma_wait3A_62 = tpu.memref_squeeze %dma_wait3A : memref<1x256xi32, #tpu.memory_space<hbm>> -> memref<256xi32, #tpu.memory_space<hbm>>
        %dma_wait3A_63 = tpu.memref_slice %arg7[%select_n3A, %mul3A_52] : memref<72x1024xi32, #tpu.memory_space<hbm>> -> memref<1x256xi32, #tpu.memory_space<hbm>>
        %dma_wait3A_64 = tpu.memref_squeeze %dma_wait3A_63 : memref<1x256xi32, #tpu.memory_space<hbm>> -> memref<256xi32, #tpu.memory_space<hbm>>
        tpu.wait_dma2 semaphore(%run_scoped3A : memref<!tpu.dma_semaphore, #tpu.memory_space<semaphore_mem>>) src(%arg15 : memref<256xi32, #tpu.memory_space<vmem>>) dst(%dma_wait3A_64 : memref<256xi32, #tpu.memory_space<hbm>>)
        tpu.yield
      }) : () -> ()
      scf.yield %scan3A_57#0, %scan3A_57#1 : vector<16xf32>, vector<16xi32>
    }
    %scan3A_8 = arith.constant 9 : i32
    %swap3A = arith.constant 0 : index
    %swap3A_9 = tpu.vector_load %arg16[%swap3A] {strides = array<i32>} : memref<16xf32, #tpu.memory_space<vmem>>, vector<16xf32>,
    tpu.vector_store %arg16[%swap3A], %scan3A_7#0 {strides = array<i32>} : memref<16xf32, #tpu.memory_space<vmem>>, vector<16xf32>,
    "tpu.region"() ({
      %run_scoped3A = tpu.sem_alloc : memref<!tpu.dma_semaphore, #tpu.memory_space<semaphore_mem>>
      %dma_start3A = arith.constant 0 : i32
      %dma_start3A_15 = tpu.memref_slice %arg8[%add3A, %dma_start3A] : memref<32x16xf32, #tpu.memory_space<hbm>> -> memref<1x16xf32, #tpu.memory_space<hbm>>
      %dma_start3A_16 = tpu.memref_squeeze %dma_start3A_15 : memref<1x16xf32, #tpu.memory_space<hbm>> -> memref<16xf32, #tpu.memory_space<hbm>>
      %dma_start3A_17 = arith.constant 0 : i32
      %dma_start3A_18 = tpu.memref_slice %arg8[%add3A, %dma_start3A_17] : memref<32x16xf32, #tpu.memory_space<hbm>> -> memref<1x16xf32, #tpu.memory_space<hbm>>
      %dma_start3A_19 = tpu.memref_squeeze %dma_start3A_18 : memref<1x16xf32, #tpu.memory_space<hbm>> -> memref<16xf32, #tpu.memory_space<hbm>>
      tpu.enqueue_dma source(%arg16 : memref<16xf32, #tpu.memory_space<vmem>>) target(%dma_start3A_19 : memref<16xf32, #tpu.memory_space<hbm>>) target_semaphore(%run_scoped3A : memref<!tpu.dma_semaphore, #tpu.memory_space<semaphore_mem>>)
      %dma_wait3A = arith.constant 0 : i32
      %dma_wait3A_20 = tpu.memref_slice %arg8[%add3A, %dma_wait3A] : memref<32x16xf32, #tpu.memory_space<hbm>> -> memref<1x16xf32, #tpu.memory_space<hbm>>
      %dma_wait3A_21 = tpu.memref_squeeze %dma_wait3A_20 : memref<1x16xf32, #tpu.memory_space<hbm>> -> memref<16xf32, #tpu.memory_space<hbm>>
      %dma_wait3A_22 = arith.constant 0 : i32
      %dma_wait3A_23 = tpu.memref_slice %arg8[%add3A, %dma_wait3A_22] : memref<32x16xf32, #tpu.memory_space<hbm>> -> memref<1x16xf32, #tpu.memory_space<hbm>>
      %dma_wait3A_24 = tpu.memref_squeeze %dma_wait3A_23 : memref<1x16xf32, #tpu.memory_space<hbm>> -> memref<16xf32, #tpu.memory_space<hbm>>
      tpu.wait_dma2 semaphore(%run_scoped3A : memref<!tpu.dma_semaphore, #tpu.memory_space<semaphore_mem>>) src(%arg16 : memref<16xf32, #tpu.memory_space<vmem>>) dst(%dma_wait3A_24 : memref<16xf32, #tpu.memory_space<hbm>>)
      tpu.yield
    }) : () -> ()
    %convert_element_type3A = arith.sitofp %scan3A_7#1 : vector<16xi32> to vector<16xf32>
    %mul3A_10 = arith.constant 6.250000e-02 : f32
    %mul3A_11 = vector.broadcast %mul3A_10 : f32 to vector<16xf32>
    %mul3A_12 = arith.mulf %convert_element_type3A, %mul3A_11 : vector<16xf32>
    %swap3A_13 = arith.constant 0 : index
    %swap3A_14 = tpu.vector_load %arg16[%swap3A_13] {strides = array<i32>} : memref<16xf32, #tpu.memory_space<vmem>>, vector<16xf32>,
    tpu.vector_store %arg16[%swap3A_13], %mul3A_12 {strides = array<i32>} : memref<16xf32, #tpu.memory_space<vmem>>, vector<16xf32>,
    "tpu.region"() ({
      %run_scoped3A = tpu.sem_alloc : memref<!tpu.dma_semaphore, #tpu.memory_space<semaphore_mem>>
      %dma_start3A = arith.constant 0 : i32
      %dma_start3A_15 = tpu.memref_slice %arg9[%add3A, %dma_start3A] : memref<32x16xf32, #tpu.memory_space<hbm>> -> memref<1x16xf32, #tpu.memory_space<hbm>>
      %dma_start3A_16 = tpu.memref_squeeze %dma_start3A_15 : memref<1x16xf32, #tpu.memory_space<hbm>> -> memref<16xf32, #tpu.memory_space<hbm>>
      %dma_start3A_17 = arith.constant 0 : i32
      %dma_start3A_18 = tpu.memref_slice %arg9[%add3A, %dma_start3A_17] : memref<32x16xf32, #tpu.memory_space<hbm>> -> memref<1x16xf32, #tpu.memory_space<hbm>>
      %dma_start3A_19 = tpu.memref_squeeze %dma_start3A_18 : memref<1x16xf32, #tpu.memory_space<hbm>> -> memref<16xf32, #tpu.memory_space<hbm>>
      tpu.enqueue_dma source(%arg16 : memref<16xf32, #tpu.memory_space<vmem>>) target(%dma_start3A_19 : memref<16xf32, #tpu.memory_space<hbm>>) target_semaphore(%run_scoped3A : memref<!tpu.dma_semaphore, #tpu.memory_space<semaphore_mem>>)
      %dma_wait3A = arith.constant 0 : i32
      %dma_wait3A_20 = tpu.memref_slice %arg9[%add3A, %dma_wait3A] : memref<32x16xf32, #tpu.memory_space<hbm>> -> memref<1x16xf32, #tpu.memory_space<hbm>>
      %dma_wait3A_21 = tpu.memref_squeeze %dma_wait3A_20 : memref<1x16xf32, #tpu.memory_space<hbm>> -> memref<16xf32, #tpu.memory_space<hbm>>
      %dma_wait3A_22 = arith.constant 0 : i32
      %dma_wait3A_23 = tpu.memref_slice %arg9[%add3A, %dma_wait3A_22] : memref<32x16xf32, #tpu.memory_space<hbm>> -> memref<1x16xf32, #tpu.memory_space<hbm>>
      %dma_wait3A_24 = tpu.memref_squeeze %dma_wait3A_23 : memref<1x16xf32, #tpu.memory_space<hbm>> -> memref<16xf32, #tpu.memory_space<hbm>>
      tpu.wait_dma2 semaphore(%run_scoped3A : memref<!tpu.dma_semaphore, #tpu.memory_space<semaphore_mem>>) src(%arg16 : memref<16xf32, #tpu.memory_space<vmem>>) dst(%dma_wait3A_24 : memref<16xf32, #tpu.memory_space<hbm>>)
      tpu.yield
    }) : () -> ()
    return
  }
}

module attributes {stable_mosaic.version = 14 : i64} {
  func.func @_tc_body(%arg0: i32, %arg1: memref<1x64x1024xf32, #tpu.memory_space<vmem>>, %arg2: memref<1x64x1024xi32, #tpu.memory_space<vmem>>, %arg3: memref<1x1x1024xi32, #tpu.memory_space<vmem>>, %arg4: memref<1x1x1024xf32, #tpu.memory_space<vmem>>, %arg5: memref<1x1x1024xi32, #tpu.memory_space<vmem>>, %arg6: memref<1x1x1024xi32, #tpu.memory_space<vmem>>, %arg7: memref<1x1x1024xf32, #tpu.memory_space<vmem>>, %arg8: memref<1x1x1024xf32, #tpu.memory_space<vmem>>) attributes {dimension_semantics = [#tpu.dimension_semantics<arbitrary>], iteration_bounds = array<i64: 56>, scalar_prefetch = 0 : i64, scratch_operands = 0 : i64, tpu.core_type = #tpu.core_type<tc>, window_params = [{transform_indices = @transform_0, window_bounds = array<i64: 1, 64, 1024>}, {transform_indices = @transform_1, window_bounds = array<i64: 1, 64, 1024>}, {transform_indices = @transform_2, window_bounds = array<i64: 1, 1, 1024>}, {transform_indices = @transform_3, window_bounds = array<i64: 1, 1, 1024>}, {transform_indices = @transform_4, window_bounds = array<i64: 1, 1, 1024>}, {transform_indices = @transform_5, window_bounds = array<i64: 1, 1, 1024>}, {transform_indices = @transform_6, window_bounds = array<i64: 1, 1, 1024>}, {transform_indices = @transform_7, window_bounds = array<i64: 1, 1, 1024>}]} {
    %get3A = arith.constant 0 : index
    %get3A_0 = arith.constant 0 : index
    %get3A_1 = arith.constant 0 : index
    %get3A_2 = vector.load %arg1[%get3A, %get3A_0, %get3A_1] : memref<1x64x1024xf32, #tpu.memory_space<vmem>>, vector<1x64x1024xf32>
    %get3A_3 = vector.shape_cast %get3A_2 : vector<1x64x1024xf32> to vector<64x1024xf32>
    %get3A_4 = arith.constant 0 : index
    %get3A_5 = arith.constant 0 : index
    %get3A_6 = arith.constant 0 : index
    %get3A_7 = vector.load %arg2[%get3A_4, %get3A_5, %get3A_6] : memref<1x64x1024xi32, #tpu.memory_space<vmem>>, vector<1x64x1024xi32>
    %get3A_8 = vector.shape_cast %get3A_7 : vector<1x64x1024xi32> to vector<64x1024xi32>
    %get3A_9 = arith.constant 0 : index
    %get3A_10 = arith.constant 0 : index
    %get3A_11 = arith.constant 0 : index
    %get3A_12 = vector.load %arg3[%get3A_9, %get3A_10, %get3A_11] : memref<1x1x1024xi32, #tpu.memory_space<vmem>>, vector<1x1x1024xi32>
    %get3A_13 = vector.shape_cast %get3A_12 : vector<1x1x1024xi32> to vector<1x1024xi32>
    %eq3A = vector.broadcast %get3A_13 : vector<1x1024xi32> to vector<64x1024xi32>
    %eq3A_14 = arith.cmpi eq, %get3A_8, %eq3A : vector<64x1024xi32>
    %gt3A = arith.constant 0 : i32
    %gt3A_15 = vector.broadcast %gt3A : i32 to vector<64x1024xi32>
    %gt3A_16 = arith.cmpi sgt, %get3A_8, %gt3A_15 : vector<64x1024xi32>
    %sub3A = arith.constant 2.000000e-01 : f32
    %sub3A_17 = vector.broadcast %sub3A : f32 to vector<64x1024xf32>
    %sub3A_18 = arith.subf %sub3A_17, %get3A_3 : vector<64x1024xf32>
    %add3A = arith.constant 2.000000e-01 : f32
    %add3A_19 = vector.broadcast %add3A : f32 to vector<64x1024xf32>
    %add3A_20 = arith.addf %add3A_19, %get3A_3 : vector<64x1024xf32>
    %select_n3A = arith.select %eq3A_14, %sub3A_18, %add3A_20 : vector<64x1024xi1>, vector<64x1024xf32>
    %max3A = arith.constant 0.000000e+00 : f32
    %max3A_21 = vector.broadcast %max3A : f32 to vector<64x1024xf32>
    %max3A_22 = arith.maximumf %select_n3A, %max3A_21 : vector<64x1024xf32>
    %jit3A = arith.constant 0.000000e+00 : f32
    %broadcast_in_dim3A = vector.broadcast %jit3A : f32 to vector<64x1024xf32>
    %select_n3A_23 = arith.select %gt3A_16, %max3A_22, %broadcast_in_dim3A : vector<64x1024xi1>, vector<64x1024xf32>
    %reduce_sum3A = arith.constant dense<0.000000e+00> : vector<1024xf32>
    %reduce_sum3A_24 = vector.multi_reduction <add>, %select_n3A_23, %reduce_sum3A [0] : vector<64x1024xf32> to vector<1024xf32>
    %broadcast_in_dim3A_25 = vector.shape_cast %reduce_sum3A_24 : vector<1024xf32> to vector<1x1024xf32>
    %swap3A = arith.constant 0 : index
    %swap3A_26 = arith.constant 0 : index
    %swap3A_27 = arith.constant 0 : index
    %swap3A_28 = vector.load %arg7[%swap3A, %swap3A_26, %swap3A_27] : memref<1x1x1024xf32, #tpu.memory_space<vmem>>, vector<1x1x1024xf32>
    %swap3A_29 = vector.shape_cast %swap3A_28 : vector<1x1x1024xf32> to vector<1x1024xf32>
    %swap3A_30 = vector.shape_cast %broadcast_in_dim3A_25 : vector<1x1024xf32> to vector<1x1x1024xf32>
    tpu.vector_store %arg7[%swap3A, %swap3A_26, %swap3A_27], %swap3A_30 {strides = array<i32>} : memref<1x1x1024xf32, #tpu.memory_space<vmem>>, vector<1x1x1024xf32>,
    %convert_element_type3A = arith.extui %gt3A_16 : vector<64x1024xi1> to vector<64x1024xi32>
    %convert_element_type3A_31 = arith.sitofp %convert_element_type3A : vector<64x1024xi32> to vector<64x1024xf32>
    %reduce_sum3A_32 = arith.constant dense<0.000000e+00> : vector<1024xf32>
    %reduce_sum3A_33 = vector.multi_reduction <add>, %convert_element_type3A_31, %reduce_sum3A_32 [0] : vector<64x1024xf32> to vector<1024xf32>
    %broadcast_in_dim3A_34 = vector.shape_cast %reduce_sum3A_33 : vector<1024xf32> to vector<1x1024xf32>
    %swap3A_35 = arith.constant 0 : index
    %swap3A_36 = arith.constant 0 : index
    %swap3A_37 = arith.constant 0 : index
    %swap3A_38 = vector.load %arg8[%swap3A_35, %swap3A_36, %swap3A_37] : memref<1x1x1024xf32, #tpu.memory_space<vmem>>, vector<1x1x1024xf32>
    %swap3A_39 = vector.shape_cast %swap3A_38 : vector<1x1x1024xf32> to vector<1x1024xf32>
    %swap3A_40 = vector.shape_cast %broadcast_in_dim3A_34 : vector<1x1024xf32> to vector<1x1x1024xf32>
    tpu.vector_store %arg8[%swap3A_35, %swap3A_36, %swap3A_37], %swap3A_40 {strides = array<i32>} : memref<1x1x1024xf32, #tpu.memory_space<vmem>>, vector<1x1x1024xf32>,
    %reduce_max3A = arith.constant dense<0xFF800000> : vector<1024xf32>
    %reduce_max3A_41 = vector.multi_reduction <maximumf>, %get3A_3, %reduce_max3A [0] : vector<64x1024xf32> to vector<1024xf32>
    %broadcast_in_dim3A_42 = vector.shape_cast %reduce_max3A_41 : vector<1024xf32> to vector<1x1024xf32>
    %iota3A = tpu.iota {dimensions = array<i32: 0>} : vector<64x1024xi32>
    %eq3A_43 = vector.broadcast %broadcast_in_dim3A_42 : vector<1x1024xf32> to vector<64x1024xf32>
    %eq3A_44 = arith.cmpf oeq, %get3A_3, %eq3A_43 : vector<64x1024xf32>
    %jit3A_45 = arith.constant 64 : i32
    %broadcast_in_dim3A_46 = vector.broadcast %jit3A_45 : i32 to vector<64x1024xi32>
    %select_n3A_47 = arith.select %eq3A_44, %iota3A, %broadcast_in_dim3A_46 : vector<64x1024xi1>, vector<64x1024xi32>
    %reduce_min3A = arith.constant dense<2147483647> : vector<1024xi32>
    %reduce_min3A_48 = vector.multi_reduction <minsi>, %select_n3A_47, %reduce_min3A [0] : vector<64x1024xi32> to vector<1024xi32>
    %broadcast_in_dim3A_49 = vector.shape_cast %reduce_min3A_48 : vector<1024xi32> to vector<1x1024xi32>
    %eq3A_50 = vector.broadcast %broadcast_in_dim3A_49 : vector<1x1024xi32> to vector<64x1024xi32>
    %eq3A_51 = arith.cmpi eq, %iota3A, %eq3A_50 : vector<64x1024xi32>
    %jit3A_52 = arith.constant 0 : i32
    %broadcast_in_dim3A_53 = vector.broadcast %jit3A_52 : i32 to vector<64x1024xi32>
    %select_n3A_54 = arith.select %eq3A_51, %get3A_8, %broadcast_in_dim3A_53 : vector<64x1024xi1>, vector<64x1024xi32>
    %reduce_sum3A_55 = arith.constant dense<0> : vector<1024xi32>
    %reduce_sum3A_56 = vector.multi_reduction <add>, %select_n3A_54, %reduce_sum3A_55 [0] : vector<64x1024xi32> to vector<1024xi32>
    %broadcast_in_dim3A_57 = vector.shape_cast %reduce_sum3A_56 : vector<1024xi32> to vector<1x1024xi32>
    %gt3A_58 = arith.constant 0.000000e+00 : f32
    %gt3A_59 = vector.broadcast %gt3A_58 : f32 to vector<1x1024xf32>
    %gt3A_60 = arith.cmpf ogt, %broadcast_in_dim3A_42, %gt3A_59 : vector<1x1024xf32>
    %ne3A = arith.constant 0 : i32
    %ne3A_61 = vector.broadcast %ne3A : i32 to vector<1x1024xi32>
    %ne3A_62 = arith.cmpi ne, %broadcast_in_dim3A_57, %ne3A_61 : vector<1x1024xi32>
    %and3A = arith.andi %gt3A_60, %ne3A_62 : vector<1x1024xi1>
    %jit3A_63 = arith.constant 0 : i32
    %broadcast_in_dim3A_64 = vector.broadcast %jit3A_63 : i32 to vector<1x1024xi32>
    %select_n3A_65 = arith.select %and3A, %broadcast_in_dim3A_57, %broadcast_in_dim3A_64 : vector<1x1024xi1>, vector<1x1024xi32>
    %swap3A_66 = arith.constant 0 : index
    %swap3A_67 = arith.constant 0 : index
    %swap3A_68 = arith.constant 0 : index
    %swap3A_69 = vector.load %arg4[%swap3A_66, %swap3A_67, %swap3A_68] : memref<1x1x1024xf32, #tpu.memory_space<vmem>>, vector<1x1x1024xf32>
    %swap3A_70 = vector.shape_cast %swap3A_69 : vector<1x1x1024xf32> to vector<1x1024xf32>
    %swap3A_71 = vector.shape_cast %broadcast_in_dim3A_42 : vector<1x1024xf32> to vector<1x1x1024xf32>
    tpu.vector_store %arg4[%swap3A_66, %swap3A_67, %swap3A_68], %swap3A_71 {strides = array<i32>} : memref<1x1x1024xf32, #tpu.memory_space<vmem>>, vector<1x1x1024xf32>,
    %swap3A_72 = arith.constant 0 : index
    %swap3A_73 = arith.constant 0 : index
    %swap3A_74 = arith.constant 0 : index
    %swap3A_75 = vector.load %arg5[%swap3A_72, %swap3A_73, %swap3A_74] : memref<1x1x1024xi32, #tpu.memory_space<vmem>>, vector<1x1x1024xi32>
    %swap3A_76 = vector.shape_cast %swap3A_75 : vector<1x1x1024xi32> to vector<1x1024xi32>
    %swap3A_77 = vector.shape_cast %select_n3A_65 : vector<1x1024xi32> to vector<1x1x1024xi32>
    tpu.vector_store %arg5[%swap3A_72, %swap3A_73, %swap3A_74], %swap3A_77 {strides = array<i32>} : memref<1x1x1024xi32, #tpu.memory_space<vmem>>, vector<1x1x1024xi32>,
    %jit3A_78 = arith.constant 1 : i32
    %jit3A_79 = arith.constant 0 : i32
    %broadcast_in_dim3A_80 = vector.broadcast %jit3A_78 : i32 to vector<1x1024xi32>
    %broadcast_in_dim3A_81 = vector.broadcast %jit3A_79 : i32 to vector<1x1024xi32>
    %select_n3A_82 = arith.select %gt3A_60, %broadcast_in_dim3A_80, %broadcast_in_dim3A_81 : vector<1x1024xi1>, vector<1x1024xi32>
    %swap3A_83 = arith.constant 0 : index
    %swap3A_84 = arith.constant 0 : index
    %swap3A_85 = arith.constant 0 : index
    %swap3A_86 = vector.load %arg6[%swap3A_83, %swap3A_84, %swap3A_85] : memref<1x1x1024xi32, #tpu.memory_space<vmem>>, vector<1x1x1024xi32>
    %swap3A_87 = vector.shape_cast %swap3A_86 : vector<1x1x1024xi32> to vector<1x1024xi32>
    %swap3A_88 = vector.shape_cast %select_n3A_82 : vector<1x1024xi32> to vector<1x1x1024xi32>
    tpu.vector_store %arg6[%swap3A_83, %swap3A_84, %swap3A_85], %swap3A_88 {strides = array<i32>} : memref<1x1x1024xi32, #tpu.memory_space<vmem>>, vector<1x1x1024xi32>,
    return
  }
  func.func @transform_0(%arg0: i32) -> (i32, i32, i32) {
    %add3A = arith.constant 72 : i32
    %add3A_0 = arith.addi %add3A, %arg0 : i32
    %c0_i32 = arith.constant 0 : i32
    %c0_i32_1 = arith.constant 0 : i32
    %c0_i32_2 = arith.constant 0 : i32
    return %add3A_0, %c0_i32, %c0_i32_1 : i32, i32, i32
  }
  func.func @transform_1(%arg0: i32) -> (i32, i32, i32) {
    %add3A = arith.constant 72 : i32
    %add3A_0 = arith.addi %add3A, %arg0 : i32
    %c0_i32 = arith.constant 0 : i32
    %c0_i32_1 = arith.constant 0 : i32
    %c0_i32_2 = arith.constant 0 : i32
    return %add3A_0, %c0_i32, %c0_i32_1 : i32, i32, i32
  }
  func.func @transform_2(%arg0: i32) -> (i32, i32, i32) {
    %add3A = arith.constant 72 : i32
    %add3A_0 = arith.addi %add3A, %arg0 : i32
    %c0_i32 = arith.constant 0 : i32
    %c0_i32_1 = arith.constant 0 : i32
    %c0_i32_2 = arith.constant 0 : i32
    return %add3A_0, %c0_i32, %c0_i32_1 : i32, i32, i32
  }
  func.func @transform_3(%arg0: i32) -> (i32, i32, i32) {
    %c0_i32 = arith.constant 0 : i32
    %c0_i32_0 = arith.constant 0 : i32
    %c0_i32_1 = arith.constant 0 : i32
    return %arg0, %c0_i32, %c0_i32_0 : i32, i32, i32
  }
  func.func @transform_4(%arg0: i32) -> (i32, i32, i32) {
    %c0_i32 = arith.constant 0 : i32
    %c0_i32_0 = arith.constant 0 : i32
    %c0_i32_1 = arith.constant 0 : i32
    return %arg0, %c0_i32, %c0_i32_0 : i32, i32, i32
  }
  func.func @transform_5(%arg0: i32) -> (i32, i32, i32) {
    %c0_i32 = arith.constant 0 : i32
    %c0_i32_0 = arith.constant 0 : i32
    %c0_i32_1 = arith.constant 0 : i32
    return %arg0, %c0_i32, %c0_i32_0 : i32, i32, i32
  }
  func.func @transform_6(%arg0: i32) -> (i32, i32, i32) {
    %c0_i32 = arith.constant 0 : i32
    %c0_i32_0 = arith.constant 0 : i32
    %c0_i32_1 = arith.constant 0 : i32
    return %arg0, %c0_i32, %c0_i32_0 : i32, i32, i32
  }
  func.func @transform_7(%arg0: i32) -> (i32, i32, i32) {
    %c0_i32 = arith.constant 0 : i32
    %c0_i32_0 = arith.constant 0 : i32
    %c0_i32_1 = arith.constant 0 : i32
    return %arg0, %c0_i32, %c0_i32_0 : i32, i32, i32
  }
}

</mosaic_0001>

<sc_bundles>
// kernel: kernel.4.cloned.1.call-start
scs
__scs_entry_jumppad:
0x0: {  	(pc) =	sbr.rel $0x88, $3  }
0x1: {  	(tag) =	ssettag $0x0;
	lr =	simm.s32 $0x1  }
0x2: {  	[smem:$0x3F9E] =	sst lr;
	_ =	strace $0xD0000000  }
0x3: {  	_ = 	snop  }
0x4: {  	_ = 	snop  }
0x5: {  	_ = 	snop  }
0x6: {  	_ = 	snop  }
0x7: {  	_ = 	snop  }
__scs_overlays_trampoline_lowered:
0x8: {  	[smem:$0x3FAD] =	sst s0  }
0x9: {  	[smem:$0x3FAE] =	sst s1  }
0xa: {  	[smem:$0x3FAF] =	sst s2  }
0xb: {  	[smem:$0x3FB0] =	sst s3  }
0xc: {  	[smem:$0x3FB1] =	sst s4  }
0xd: {  	[smem:$0x3FB2] =	sst s5  }
0xe: {  	[smem:$0x3FB3] =	sst s6  }
0xf: {  	[smem:$0x3FB4] =	sst s7  }
0x10: {  	[smem:$0x3FB5] =	sst s8  }
0x11: {  	[smem:$0x3FB6] =	sst s9;
	s0 =	simm.s32 @!p0 $0x0  }
0x12: {  	s1 =	sld [smem:$0x3F9C];
	s0 =	simm.s32 @p0 $0x1  }
0x13: {  	[smem:$0x3FB7] =	sst s0;
	s0 =	simm.s32 @!p1 $0x0  }
0x14: {  	s2 =	sld [smem:$0x3F9B];
	s0 =	simm.s32 @p1 $0x1  }
0x15: {  	[smem:$0x3FB8] =	sst s0;
	s0 =	simm.s32 @!p2 $0x0  }
0x16: {  	s3 =	sld [smem:$0x3FDB];
	s0 =	simm.s32 @p2 $0x1  }
0x17: {  	s4 =	simm.s32 $0x1BF5;
	[smem:$0x3FBA] =	sst s0  }
0x18: {  	s0 =	sld [smem:$0x3F9D];
	_ =	swait.ge [sflag:s4], $0x0  }
0x19: {  	s7 =	sld [smem:$0x3F9E]  }
0x1a: {  	s8 =	sadd.s32 $0xFFFFE003, lr  }
0x1b: {  	s9 =	sadd.s32 $0xFFFFFEF7, lr;
	s5 =	simm.s32 $0xFFFFFFFF;
	p2 =	slt.u32 s8, $0xFFFFF086  }
0x1c: {  	p1 =	slt.u32 s9, $0xF7A;
	s5 =	simm.s32 @!p2 $0x0  }
0x1d: {  	s5 =	simm.s32 @p1 $0x1;
	p0 =	seq.s32 s7, s2  }
0x1e: {  	s7 =	smul.u32 @!p0 $0xF7A, s2;
	p2 =	seq.s32 @!p0 s5, $0x0  }
0x1f: {  	s9 =	smul.u32 $0xF7A, s1;
	s8 =	simm.s32 @!p0 $0x1BF5;
	p2 =	por !p2, p0  }
0x20: {  	[sflag:s8] =	ssyncset.s32 @!p0 $0xFFFFF086;
	s6 =	sadd.s32 @!p0 s3, s7;
	s7 =	simm.s32 @!p0 $0x108  }
0x21: {  	s3 =	sadd.s32 s3, s9;
	s6 =	sadd.s32 @!p0 $0x88, s6;
	s7 =	simm.s32 @p2 $0x1082  }
0x22: {  	[simem:s7], [sflag:s8] =	dma.local @!p0 [hbm:s6], $0xF7A  }
0x23: {  	s9 =	sor.u32 $0xD0000000, s2;
	s6 =	simm.s32 $0x108;
	_ =	swait.ge @!p0 [sflag:s8], $0x0  }
0x24: {  	s3 =	sadd.s32 $0x88, s3;
	s6 =	simm.s32 @!p1 $0x1082;
	[sflag:s4] =	ssyncset.s32 $0xFFFFF086  }
0x25: {  	[simem:s6], [sflag:s4] =	dma.local [hbm:s3], $0xF7A  }
0x26: {  	[smem:$0x3F9E] =	sst s1;
	(tag) =	ssettag s2;
	_ =	strace s9  }
0x27: {  	s1 =	sld [smem:$0x3FAE]  }
0x28: {  	s2 =	sld [smem:$0x3FAF]  }
0x29: {  	s4 =	sld [smem:$0x3FB1]  }
0x2a: {  	p0 =	seq.s32 s5, $0x0;
	s5 =	sld [smem:$0x3FB2]  }
0x2b: {  	s6 =	sld [smem:$0x3FB3]  }
0x2c: {  	s7 =	sld [smem:$0x3FB4]  }
0x2d: {  	s3 =	simm.s32 $0x108;
	s8 =	sld [smem:$0x3FB5]  }
0x2e: {  	s3 =	simm.s32 @!p0 $0x1082;
	s9 =	sld [smem:$0x3FB6]  }
0x2f: {  	lr =	sadd.s32 s0, s3;
	s0 =	sld [smem:$0x3FAD]  }
0x30: {  	s3 =	sld [smem:$0x3FB0]  }
0x31: {  	[smem:$0x3FB9] =	sst s10  }
0x32: {  	s10 =	sld [smem:$0x3FB7];
	_ =	sdelay $0x3  }
0x33: {  	p0 =	seq.s32 s10, $0x1;
	s10 =	sld [smem:$0x3FB9];
	_ =	sdelay $0x3  }
0x34: {  	[smem:$0x3FB9] =	sst s10  }
0x35: {  	s10 =	sld [smem:$0x3FB8];
	_ =	sdelay $0x3  }
0x36: {  	p1 =	seq.s32 s10, $0x1;
	s10 =	sld [smem:$0x3FB9];
	_ =	sdelay $0x3  }
0x37: {  	[smem:$0x3FB9] =	sst s10  }
0x38: {  	s10 =	sld [smem:$0x3FBA]  }
0x39: {  	_ = 	snop;
	(pc) =	sbr.ind lr, $3  }
0x3a: {  	_ = 	snop  }
0x3b: {  	_ = 	snop  }
0x3c: {  	p2 =	seq.s32 s10, $0x1;
	s10 =	sld [smem:$0x3FB9]  }
0x3d: {  	_ =	shalt  }
0x3e: {  	_ =	shalt  }
0x3f: {  	_ =	shalt  }
0x40: {  	_ =	shalt  }
0x41: {  	_ =	shalt  }
0x42: {  	_ =	shalt  }
0x43: {  	_ =	shalt  }
0x44: {  	_ =	shalt  }
0x45: {  	_ =	shalt  }
0x46: {  	_ =	shalt  }
0x47: {  	_ =	shalt  }
0x48: {  	_ =	shalt  }
0x49: {  	_ =	shalt  }
0x4a: {  	_ =	shalt  }
0x4b: {  	_ =	shalt  }
0x4c: {  	_ =	shalt  }
0x4d: {  	_ =	shalt  }
0x4e: {  	_ =	shalt  }
0x4f: {  	_ =	shalt  }
0x50: {  	_ =	shalt  }
0x51: {  	_ =	shalt  }
0x52: {  	_ =	shalt  }
0x53: {  	_ =	shalt  }
0x54: {  	_ =	shalt  }
0x55: {  	_ =	shalt  }
0x56: {  	_ =	shalt  }
0x57: {  	_ =	shalt  }
0x58: {  	_ =	shalt  }
0x59: {  	_ =	shalt  }
0x5a: {  	_ =	shalt  }
0x5b: {  	_ =	shalt  }
0x5c: {  	_ =	shalt  }
0x5d: {  	_ =	shalt  }
0x5e: {  	_ =	shalt  }
0x5f: {  	_ =	shalt  }
0x60: {  	_ =	shalt  }
0x61: {  	_ =	shalt  }
0x62: {  	_ =	shalt  }
0x63: {  	_ =	shalt  }
0x64: {  	_ =	shalt  }
0x65: {  	_ =	shalt  }
0x66: {  	_ =	shalt  }
0x67: {  	_ =	shalt  }
0x68: {  	_ =	shalt  }
0x69: {  	_ =	shalt  }
0x6a: {  	_ =	shalt  }
0x6b: {  	_ =	shalt  }
0x6c: {  	_ =	shalt  }
0x6d: {  	_ =	shalt  }
0x6e: {  	_ =	shalt  }
0x6f: {  	_ =	shalt  }
0x70: {  	_ =	shalt  }
0x71: {  	_ =	shalt  }
0x72: {  	_ =	shalt  }
0x73: {  	_ =	shalt  }
0x74: {  	_ =	shalt  }
0x75: {  	_ =	shalt  }
0x76: {  	_ =	shalt  }
0x77: {  	_ =	shalt  }
0x78: {  	_ =	shalt  }
0x79: {  	_ =	shalt  }
0x7a: {  	_ =	shalt  }
0x7b: {  	_ =	shalt  }
0x7c: {  	_ =	shalt  }
0x7d: {  	_ =	shalt  }
0x7e: {  	_ =	shalt  }
0x7f: {  	_ =	shalt  }
0x80: {  	_ =	shalt  }
0x81: {  	_ =	shalt  }
0x82: {  	_ =	shalt  }
0x83: {  	_ =	shalt  }
0x84: {  	_ =	shalt  }
0x85: {  	_ =	shalt  }
0x86: {  	_ =	shalt  }
0x87: {  	_ =	shalt  }
.Lfunc_end0:
.L_simem_size_0:
called_computation_lowered:
.L_overlay_start_0:
0x88: {  	s2 =	sld [smem:$0x3FD9]  }
0x89: {  	s3 =	sld [smem:$0x3FFE];
	_ =	sdelay $0x1  }
0x8a: {  	s1 =	srdreg.scid  }
0x8b: {  	s0 =	sand.u32 $0x1, s1  }
0x8c: {  	s14 =	sshll.u32 s0, $0xA;
	s2 =	sadd.s32 s3, s2  }
0x8d: {  	s2 =	sadd.s32 s2, s14  }
0x8e: {  	[smem:$0x3FC5] =	sst s2  }
0x8f: {  	_ = 	snop  }
0x90: {  	s2 =	sld [smem:$0x3FD0];
	_ =	sdelay $0x1  }
0x91: {  	s15 =	sld [smem:$0x3FC9]  }
0x92: {  	s5 =	simm.s32 $0xA;
	s6 =	simm.s32 $0x10;
	s4 =	sld [smem:$0x3FC8]  }
0x93: {  	[smem:s6], [sflag:s5] =	dma.local [hbm:s2], $0x1  }
0x94: {  	_ =	swait.eq [sflag:s5], $0x1  }
0x95: {  	s16 =	sld [smem:$0x11];
	[sflag:s5] =	ssyncset.done $0x0  }
0x96: {  	s17 =	sld [smem:$0x12];
	[sflag:s5] =	ssyncadd.s32 $0xFFFFFFFF  }
0x97: {  	s18 =	sld [smem:$0x13];
	(tm) =	ssettm $0x1  }
0x98: {  	s7 =	sld [smem:$0x3FFB];
	_ =	sdelay $0x3  }
0x99: {  	_ =	strace s7  }
0x9a: {  	s7 =	sld [smem:$0x3FFC];
	_ =	sdelay $0x3  }
0x9b: {  	_ =	strace s7  }
0x9c: {  	s7 =	sld [smem:$0x3FFD];
	_ =	sdelay $0x3  }
0x9d: {  	_ =	strace s7  }
0x9e: {  	_ =	strace $0x8FFFFFFF  }
0x9f: {  	s19 =	sld [smem:$0x3FDB];
	_ =	sdelay $0x1  }
0xa0: {  	s8 =	simm.s32 $_scs_section_size  }
0xa1: {  	s9 =	simm.s32 $_size__tile_overlayer_lowered;
	s10 =	simm.s32 $_tile_overlayer_lowered  }
0xa2: {  	s22 =	simm.s32 $0x1BFF;
	s21 =	sshll.u32 s10, $0x1;
	s7 =	sadd.s32 s8, s19  }
0xa3: {  	s11 =	simm.s32 $0x0;
	s20 =	sshll.u32 s9, $0x1;
	s9 =	sadd.s32 s21, s7  }
0xa4: {  	[timem:s11], [sflag:s22] =	dma.local [hbm:s9], s20  }
0xa5: {  	_ =	swait.ge [sflag:s22], s20  }
0xa6: {  	s8 =	ssub.s32 $0x0, s20;
	[sflag:s22] =	ssyncset.done $0x0  }
0xa7: {  	[sflag:s22] =	ssyncadd.s32 s8;
	_ =	sdelay $0x1  }
0xa8: {  	s23 =	simm.s32 $0x1B8B  }
0xa9: {  	_ =	swait.ge [sflag:s23], $0x1  }
0xaa: {  	[sflag:s23] =	ssyncset.done $0x0  }
0xab: {  	s25 =	simm.s32 $0x1B8E;
	s24 =	sld [smem:$0x3FFE];
	[sflag:s23] =	ssyncadd.s32 $0xFFFFFFFF  }
0xac: {  	s26 =	simm.s32 $execute0_lowered;
	[smem:$0x3FD2] =	sst s25  }
0xad: {  	s9 =	sshll.u32 s26, $0x1;
	_ =	strace $0x80000046;
	[dreg:$0x1] =	wrdreg $0xFFFFFFFF  }
0xae: {  	s28 =	simm.s32 $_size_execute0_lowered;
	s7 =	sadd.s32 s7, s9;
	[dreg:$0x0] =	wrdreg $0x0  }
0xaf: {  	s9 =	sshll.u32 s28, $0x1;
	[dreg:$0x2] =	wrdreg s7  }
0xb0: {  	[dreg:$0x3] =	wrdreg s9  }
0xb1: {  	[dreg:$0x4] =	wrdreg $0xC0  }
0xb2: {  	_ =	task [dreg:s11], $0x5FFFF  }
0xb3: {  	[dreg:$0x1] =	wrdreg $0xFFFFFFFF  }
0xb4: {  	[dreg:$0x0] =	wrdreg $0x60  }
0xb5: {  	[dreg:$0x2] =	wrdreg s15  }
0xb6: {  	[dreg:$0x3] =	wrdreg s4  }
0xb7: {  	[dreg:$0x4] =	wrdreg s17  }
0xb8: {  	[dreg:$0x5] =	wrdreg s24  }
0xb9: {  	[dreg:$0x6] =	wrdreg s18  }
0xba: {  	[dreg:$0x7] =	wrdreg s16  }
0xbb: {  	[dreg:$0x8] =	wrdreg $0x9  }
0xbc: {  	_ =	task.clear_ibuf [dreg:s11], $0x9FFFF;
	_ =	strace $0x90000046  }
0xbd: {  	s29 =	simm.s32 $0x9;
	_ =	strace $0x80000048  }
0xbe: {  	_ =	swait.ge [sflag:s29], $0x1  }
0xbf: {  	[sflag:s29] =	ssyncadd.s32 $0xFFFFFFFF  }
0xc0: {  	_ =	strace $0x90000048  }
0xc1: {  	_ =	sfence  }
0xc2: {  	s30 =	sld [smem:$0x0];
	_ =	sdelay $0x2  }
0xc3: {  	s31 =	sshll.u32 s1, $0xD;
	s1 =	sshrl.u32 s1, $0x2  }
0xc4: {  	s3 =	sand.u32 $0x4000, s31;
	s1 =	sadd.s32 s1, s30  }
0xc5: {  	s0 =	sor.u32 s3, s0;
	s1 =	sshll.u32 s1, $0x11  }
0xc6: {  	s0 =	sor.u32 s1, s0  }
0xc7: {  	s0 =	sadd.s32 $0x8F2B, s0  }
0xc8: {  	[sflag:s0] =	ssyncadd.remote.s32 $0x1  }
0xc9: {  	_ =	sfence.sel $0xFFFF  }
0xca: {  	[dreg:$0x0] =	wrdreg $0xFFFFFFFF;
	(pc) =	sbr.abs _section_cstart, $3  }
0xcb: {  	[dreg:$0x1] =	wrdreg $0xFFFFFFFF  }
0xcc: {  	_ =	task.clear_ibuf [dreg:s11], $0x2FFFF;
	_ =	strace $0x9FFFFFFF  }
0xcd: {  	(tm) =	ssettm $0x7FFFFFFF  }
tec
execute0_lowered:
.L_overlay_start_1:
0x0: {  	(tag) =	ssettag $0x1  }
0x1: {  	s1 =	rddreg [dreg:$0x0]  }
0x2: {  	s2 =	rddreg [dreg:$0x1]  }
0x3: {  	s3 =	rddreg [dreg:$0x2]  }
0x4: {  	s4 =	rddreg [dreg:$0x3]  }
0x5: {  	s0 =	rddreg [dreg:$0x4]  }
0x6: {  	s5 =	rddreg [dreg:$0x5];
	s7 =	simm.s32 $0x0;
	s6 =	srdreg.scid  }
0x7: {  	s31 =	stileid.u32;
	s13 =	simm.s32 $0x800;
	s14 =	simm.s32 $0x2000  }
0x8: {  	s15 =	simm.s32 $0x1;
	s16 =	simm.s32 $0x4000;
	s17 =	simm.s32 $0x80  }
0x9: {  	s18 =	simm.s32 $0x400;
	s19 =	simm.s32 $0x8100;
	s20 =	simm.s32 $0x8200  }
0xa: {  	s21 =	simm.s32 $0x8300;
	s23 =	simm.s32 $0x0;
	[smem:$0x7FF] =	sst s7  }
0xb: {  	s6 =	sand.u32 $0x1, s6;
	s8 =	sshll.u32 s31, $0x1;
	s7 =	sadd.s32 $0x4800, s4  }
0xc: {  	_ =	strace $0x80000047;
	s9 =	ssub.s32 $0x2, s6;
	s6 =	sor.u32 s6, s8  }
0xd: {  	s8 =	sadd.s32 $0x2400, s4;
	s10 =	sshrl.u32 s9, $0x1;
	s11 =	sshll.u32 s6, $0x4  }
0xe: {  	s12 =	ssub.s32 s9, s10;
	s9 =	smul.u32 $0x9, s6;
	s0 =	sadd.s32 s0, s11  }
0xf: {  	v0 =	vimm.s32 $0x0;
	s11 =	sadd.s32 s5, s11;
	[dreg:$0x7] =	wrdreg s0;
	s12 =	smax.u32 s12, $0x1  }
.LBB2_1:
0x10: {  	v3 =	vimm.f32 $0.0e+00;
	v2 =	vimm.s32 $0x0;
	s24 =	simm.s32 $0x0  }
.LBB2_2:
0x11: {  	s0 =	sadd.s32 s9, s24  }
0x12: {  	s5 =	sshll.u32 s0, $0xB;
	s6 =	sshll.u32 s0, $0xE  }
0x13: {  	s5 =	sand.u32 $0x1800, s5;
	s6 =	sand.u32 $0xFFFF0000, s6  }
0x14: {  	s6 =	sor.u32 s5, s6  }
0x15: {  	s6 =	sshrl.u32 s6, $0x3  }
0x16: {  	s25 =	simm.s32 $0x0;
	s22 =	sadd.s32 s1, s6  }
0x17: {  	[tilespmem:s25], [sflag:$0x1] =	stream.strided.gather [hbm4b:s22+s13], $0x4000, s14, s13, $0x38;
	[tilespmem:$0x8480] =	vst v63  }
0x18: {  	_ =	swait.ge [sflag:s15], $0x4000  }
0x19: {  	s26 =	sshll.u32 s0, $0x8;
	[sflag:s15] =	ssyncset.done $0x0  }
0x1a: {  	s0 =	sshll.u32 s0, $0x5;
	s6 =	sadd.s32 s2, s6;
	[sflag:s15] =	ssyncadd.s32 $0xFFFFC000  }
0x1b: {  	[tilespmem:s16], [sflag:$0x1] =	stream.strided.gather [hbm4b:s6+s13], $0x4000, s14, s13, $0x38;
	[tilespmem:$0x8480] =	vst v63  }
0x1c: {  	s0 =	sand.u32 $0x380, s0;
	s6 =	sand.u32 $0x7FFFE000, s26  }
0x1d: {  	s0 =	sor.u32 s6, s0  }
0x1e: {  	_ =	swait.ge [sflag:s15], $0x4000;
	s0 =	sor.u32 s5, s0  }
0x1f: {  	[sflag:s15] =	ssyncset.done $0x0;
	s26 =	sshrl.u32 s0, $0x3  }
0x20: {  	s28 =	simm.s32 $0x8000;
	[sflag:s15] =	ssyncadd.s32 $0xFFFFC000;
	s0 =	sadd.s32 s3, s26  }
0x21: {  	[tilespmem:s28], [sflag:$0x1] =	stream.strided.gather [hbm4b:s0+s17], $0x100, s18, s17, $0x38;
	[tilespmem:$0x8480] =	vst v63  }
0x22: {  	_ =	swait.ge [sflag:s15], $0x100  }
0x23: {  	s29 =	simm.s32 $0x8100;
	s30 =	simm.s32 $0x8200;
	[sflag:s15] =	ssyncset.done $0x0  }
0x24: {  	s31 =	simm.s32 $0x8300;
	s0 =	simm.s32 $0x0;
	[sflag:s15] =	ssyncadd.s32 $0xFFFFFF00  }
.LBB2_3:
0x25: {  	s5 =	sand.u32 $0x70, s0;
	s6 =	sand.u32 $0x400, s25  }
0x26: {  	v1 =	vld [tilespmem:s28+$0x0];
	s5 =	sor.u32 s5, s6  }
0x27: {  	v4 =	vld [tilespmem:s5+$0x0]  }
0x28: {  	v5 =	vld [tilespmem:s5+$0x4000]  }
0x29: {  	v9 =	vld [tilespmem:s5+$0x100]  }
0x2a: {  	v11 =	vld [tilespmem:s5+$0x4100]  }
0x2b: {  	v15 =	vld [tilespmem:s5+$0x200]  }
0x2c: {  	v30 =	vld [tilespmem:s5+$0x4200]  }
0x2d: {  	s22 =	sand.u32 $0xFFFFFC00, s25;
	v40 =	vld [tilespmem:s5+$0x300]  }
0x2e: {  	s6 =	sadd.s32 s22, s0;
	v52 =	vld [tilespmem:s5+$0x800]  }
0x2f: {  	s22 =	sor.u32 $0x80, s6;
	v61 =	vld [tilespmem:s5+$0x900]  }
0x30: {  	v6 =	vld [tilespmem:s22+$0x0]  }
0x31: {  	v7 =	vld [tilespmem:s22+$0x4000];
	vm0 =	veq.s32 v5, v1;
	v8 =	vxor.u32 $0x80000000, v4  }
0x32: {  	s10 =	sor.u32 $0x180, s6;
	vm5 =	vgt.s32 v5, $0x0;
	vm6 =	vgt.f32 v4, $-3.399999950e+38;
	vm8 =	veq.s32 v11, v1  }
0x33: {  	v14 =	vld [tilespmem:s10+$0x4000];
	v13 =	vxor.u32 $0x80000000, v9;
	vm10 =	vgt.s32 v11, $0x0;
	vm12 =	veq.s32 v30, v1  }
0x34: {  	v27 =	vld [tilespmem:s10+$0x0];
	v35 =	vxor.u32 $0x80000000, v15;
	vm4 =	vgt.s32 v30, $0x0;
	v49 =	vxor.u32 $0x80000000, v40  }
0x35: {  	v43 =	vld [tilespmem:s5+$0x4300];
	v58 =	vxor.u32 $0x80000000, v52;
	v19 =	vxor.u32 $0x80000000, v61;
	v8 =	vsel vm0, v8, v4  }
0x36: {  	vm1 =	veq.s32 v7, v1;
	v10 =	vxor.u32 $0x80000000, v6;
	v12 =	vmpcnt.ones.xlane vm5  }
0x37: {  	v24 =	vld [tilespmem:s5+$0xA00];
	s10 =	sor.u32 $0x280, s6;
	v5 =	vnsel vm6, $0x0, v5;
	vm7 =	vgt.s32 v7, $0x0;
	v4 =	vmax.f32 v4, $-3.399999950e+38  }
0x38: {  	s22 =	sor.u32 s0, s25;
	v36 =	vld [tilespmem:s10+$0x0];
	v13 =	vsel vm8, v13, v9;
	v32 =	vmpcnt.ones.xlane vm10;
	vm11 =	veq.s32 v14, v1  }
0x39: {  	v37 =	vld [tilespmem:s10+$0x4000];
	s10 =	sor.u32 $0x380, s22;
	v33 =	vxor.u32 $0x80000000, v27;
	vm14 =	vgt.s32 v14, $0x0;
	v41 =	vmpcnt.ones.xlane vm4  }
0x3a: {  	v45 =	vld [tilespmem:s10+$0x0];
	vm8 =	veq.s32 v43, v1;
	v8 =	vadd.f32 $2.000000030e-01, v8;
	v10 =	vsel vm1, v10, v6  }
0x3b: {  	v47 =	vld [tilespmem:s10+$0x4000];
	v28 =	vmpcnt.ones.xlane vm7;
	v29 =	vadd.f32 $2.000000030e-01, v13;
	vm9 =	vgt.f32 v6, v4  }
0x3c: {  	v4 =	vmax.f32 v4, v6;
	v34 =	vsel vm11, v33, v27;
	v38 =	vmpcnt.ones.xlane vm14  }
0x3d: {  	s10 =	sor.u32 $0x880, s6;
	v42 =	vxor.u32 $0x80000000, v36;
	v50 =	vsel vm8, v49, v40;
	vm11 =	vgt.s32 v43, $0x0  }
0x3e: {  	v56 =	vld [tilespmem:s10+$0x0];
	v33 =	vxor.u32 $0x80000000, v24;
	v10 =	vadd.f32 $2.000000030e-01, v10;
	v2 =	vadd.s32 v2, v12  }
0x3f: {  	v59 =	vld [tilespmem:s10+$0x4000];
	v5 =	vsel vm9, v7, v5;
	vm13 =	vgt.f32 v9, v4;
	v7 =	vsel vm12, v35, v15  }
0x40: {  	v4 =	vmax.f32 v4, v9;
	vm9 =	veq.s32 v47, v1;
	v51 =	vxor.u32 $0x80000000, v45  }
0x41: {  	v54 =	vmpcnt.ones.xlane vm11;
	v8 =	vmax.f32 v8, $0.0e+00;
	v2 =	vadd.s32 v28, v2  }
0x42: {  	v31 =	vmax.f32 v29, $0.0e+00;
	v5 =	vsel vm13, v11, v5;
	v7 =	vadd.f32 $2.000000030e-01, v7  }
0x43: {  	vm15 =	vgt.f32 v27, v4;
	v4 =	vmax.f32 v4, v27;
	vm13 =	vgt.s32 v47, $0x0  }
0x44: {  	v17 =	vxor.u32 $0x80000000, v56;
	vm8 =	vgt.s32 v59, $0x0;
	v8 =	vnsel vm5, $0x0, v8  }
0x45: {  	v26 =	vmax.f32 v10, $0.0e+00;
	v6 =	vnsel vm10, $0x0, v31;
	v2 =	vadd.s32 v32, v2  }
0x46: {  	v63 =	vld [tilespmem:s5+$0x4900];
	s10 =	sor.u32 $0x980, s6;
	v5 =	vsel vm15, v14, v5;
	vm5 =	veq.s32 v37, v1;
	vm6 =	vgt.f32 v15, v4  }
0x47: {  	v20 =	vld [tilespmem:s10+$0x0];
	v4 =	vmax.f32 v4, v15;
	v10 =	vsel vm9, v51, v45;
	v57 =	vmpcnt.ones.xlane vm13  }
0x48: {  	v22 =	vmpcnt.ones.xlane vm8;
	v3 =	vadd.f32 v8, v3;
	v8 =	vnsel vm7, $0x0, v26  }
0x49: {  	v2 =	vadd.s32 v38, v2;
	v39 =	vmax.f32 v7, $0.0e+00;
	v44 =	vsel vm5, v42, v36  }
0x4a: {  	vm7 =	vgt.s32 v37, $0x0;
	v5 =	vsel vm6, v30, v5;
	vm10 =	vgt.f32 v36, v4  }
0x4b: {  	v4 =	vmax.f32 v4, v36;
	v10 =	vadd.f32 $2.000000030e-01, v10;
	vm5 =	veq.s32 v59, v1  }
0x4c: {  	v21 =	vld [tilespmem:s10+$0x4000];
	s10 =	sor.u32 $0xA80, s6;
	vm6 =	veq.s32 v63, v1;
	v26 =	vxor.u32 $0x80000000, v20;
	v2 =	vadd.s32 v41, v2  }
0x4d: {  	v29 =	vld [tilespmem:s10+$0x0];
	v46 =	vadd.f32 $2.000000030e-01, v44;
	v48 =	vmpcnt.ones.xlane vm7;
	v5 =	vsel vm10, v37, v5  }
0x4e: {  	v27 =	vld [tilespmem:s5+$0x4A00];
	vm12 =	vgt.f32 v40, v4;
	v4 =	vmax.f32 v4, v40;
	v18 =	vsel vm5, v17, v56  }
0x4f: {  	v31 =	vld [tilespmem:s10+$0x4000];
	v9 =	vsel vm6, v19, v61;
	vm10 =	vgt.s32 v63, $0x0;
	v3 =	vadd.f32 v8, v3  }
0x50: {  	v53 =	vld [tilespmem:s5+$0x4800];
	v5 =	vsel vm12, v43, v5;
	v55 =	vmax.f32 v10, $0.0e+00;
	vm15 =	vgt.f32 v45, v4  }
0x51: {  	s10 =	sor.u32 $0xB80, s22;
	v36 =	vld [tilespmem:s5+$0xB00];
	v4 =	vmax.f32 v4, v45;
	v9 =	vadd.f32 $2.000000030e-01, v9;
	v25 =	vmpcnt.ones.xlane vm10  }
0x52: {  	v40 =	vld [tilespmem:s10+$0x0];
	v2 =	vadd.s32 v48, v2;
	v5 =	vsel vm15, v47, v5;
	v35 =	vxor.u32 $0x80000000, v29  }
0x53: {  	v45 =	vld [tilespmem:s5+$0x1000];
	vm5 =	vgt.s32 v27, $0x0;
	v3 =	vadd.f32 v6, v3;
	v6 =	vadd.f32 $2.000000030e-01, v34  }
0x54: {  	v2 =	vadd.s32 v54, v2;
	v23 =	vmax.f32 v9, $0.0e+00;
	vm15 =	veq.s32 v31, v1  }
0x55: {  	v38 =	vmpcnt.ones.xlane vm5;
	v2 =	vadd.s32 v57, v2;
	v7 =	vsel vm15, v35, v29  }
0x56: {  	v43 =	vld [tilespmem:s10+$0x4000];
	v42 =	vxor.u32 $0x80000000, v36;
	v6 =	vmax.f32 v6, $0.0e+00;
	v7 =	vadd.f32 $2.000000030e-01, v7  }
0x57: {  	v49 =	vxor.u32 $0x80000000, v40;
	v6 =	vnsel vm14, $0x0, v6;
	vm14 =	veq.s32 v53, v1  }
0x58: {  	v51 =	vxor.u32 $0x80000000, v45;
	v3 =	vadd.f32 v6, v3;
	v6 =	vnsel vm4, $0x0, v39  }
0x59: {  	v60 =	vsel vm14, v58, v52;
	vm4 =	vgt.s32 v53, $0x0;
	vm14 =	veq.s32 v27, v1  }
0x5a: {  	v39 =	vmax.f32 v7, $0.0e+00;
	v16 =	vmpcnt.ones.xlane vm4;
	v34 =	vsel vm14, v33, v24  }
0x5b: {  	vm14 =	vgt.s32 v43, $0x0;
	v3 =	vadd.f32 v6, v3;
	v6 =	vmax.f32 v46, $0.0e+00  }
0x5c: {  	v62 =	vadd.f32 $2.000000030e-01, v60;
	v54 =	vmpcnt.ones.xlane vm14;
	v6 =	vnsel vm7, $0x0, v6  }
0x5d: {  	v47 =	vld [tilespmem:s5+$0x5000];
	v2 =	vadd.s32 v16, v2;
	vm7 =	vgt.f32 v52, v4;
	v4 =	vmax.f32 v4, v52  }
0x5e: {  	v3 =	vadd.f32 v6, v3;
	v6 =	vadd.f32 $2.000000030e-01, v50;
	v5 =	vsel vm7, v53, v5  }
0x5f: {  	s10 =	sor.u32 $0x1080, s6;
	v2 =	vadd.s32 v22, v2;
	vm9 =	vgt.f32 v56, v4;
	v4 =	vmax.f32 v4, v56  }
0x60: {  	v52 =	vld [tilespmem:s10+$0x0];
	vm7 =	vgt.s32 v31, $0x0;
	v5 =	vsel vm9, v59, v5;
	v2 =	vadd.s32 v25, v2  }
0x61: {  	v53 =	vld [tilespmem:s10+$0x4000];
	vm12 =	vgt.f32 v61, v4;
	v4 =	vmax.f32 v4, v61;
	v41 =	vmpcnt.ones.xlane vm7  }
0x62: {  	v56 =	vld [tilespmem:s5+$0x1100];
	s10 =	sor.u32 $0x1180, s6;
	v6 =	vmax.f32 v6, $0.0e+00;
	v5 =	vsel vm12, v63, v5;
	vm12 =	veq.s32 v47, v1  }
0x63: {  	v61 =	vld [tilespmem:s10+$0x0];
	v6 =	vnsel vm11, $0x0, v6;
	vm11 =	veq.s32 v21, v1;
	v8 =	vsel vm12, v51, v45  }
0x64: {  	v59 =	vld [tilespmem:s5+$0x5100];
	v3 =	vadd.f32 v6, v3;
	v6 =	vnsel vm13, $0x0, v55;
	v28 =	vsel vm11, v26, v20  }
0x65: {  	vm13 =	vgt.s32 v21, $0x0;
	vm11 =	veq.s32 v43, v1;
	v8 =	vadd.f32 $2.000000030e-01, v8  }
0x66: {  	v58 =	vxor.u32 $0x80000000, v52;
	v30 =	vadd.f32 $2.000000030e-01, v28;
	v32 =	vmpcnt.ones.xlane vm13  }
0x67: {  	v50 =	vsel vm11, v49, v40;
	v17 =	vxor.u32 $0x80000000, v56;
	v3 =	vadd.f32 v6, v3  }
0x68: {  	v6 =	vmax.f32 v62, $0.0e+00;
	v55 =	vmax.f32 v8, $0.0e+00;
	v19 =	vxor.u32 $0x80000000, v61  }
0x69: {  	vm11 =	vgt.s32 v59, $0x0;
	v6 =	vnsel vm4, $0x0, v6;
	v2 =	vadd.s32 v32, v2  }
0x6a: {  	v63 =	vld [tilespmem:s10+$0x4000];
	vm4 =	vgt.f32 v20, v4;
	v4 =	vmax.f32 v4, v20;
	v22 =	vmpcnt.ones.xlane vm11  }
0x6b: {  	v37 =	vld [tilespmem:s5+$0x4B00];
	v3 =	vadd.f32 v6, v3;
	v6 =	vadd.f32 $2.000000030e-01, v18;
	v5 =	vsel vm4, v21, v5  }
0x6c: {  	v2 =	vadd.s32 v38, v2;
	vm6 =	vgt.f32 v24, v4;
	v4 =	vmax.f32 v4, v24  }
0x6d: {  	vm4 =	vgt.s32 v47, $0x0;
	v5 =	vsel vm6, v27, v5;
	v2 =	vadd.s32 v41, v2  }
0x6e: {  	s10 =	sor.u32 $0x1280, s6;
	v20 =	vld [tilespmem:s5+$0x1200];
	vm9 =	vgt.f32 v29, v4;
	v4 =	vmax.f32 v4, v29;
	v57 =	vmpcnt.ones.xlane vm4  }
0x6f: {  	v24 =	vld [tilespmem:s10+$0x0];
	v6 =	vmax.f32 v6, $0.0e+00;
	v5 =	vsel vm9, v31, v5;
	vm9 =	veq.s32 v63, v1  }
0x70: {  	v29 =	vld [tilespmem:s5+$0x1300];
	v6 =	vnsel vm8, $0x0, v6;
	vm8 =	veq.s32 v37, v1;
	v9 =	vsel vm9, v19, v61  }
0x71: {  	v27 =	vld [tilespmem:s10+$0x4000];
	v3 =	vadd.f32 v6, v3;
	v6 =	vnsel vm10, $0x0, v23;
	v44 =	vsel vm8, v42, v36  }
0x72: {  	vm10 =	vgt.s32 v37, $0x0;
	vm8 =	veq.s32 v59, v1;
	v9 =	vadd.f32 $2.000000030e-01, v9  }
0x73: {  	v26 =	vxor.u32 $0x80000000, v20;
	v46 =	vadd.f32 $2.000000030e-01, v44;
	v48 =	vmpcnt.ones.xlane vm10  }
0x74: {  	v18 =	vsel vm8, v17, v56;
	v33 =	vxor.u32 $0x80000000, v24;
	v3 =	vadd.f32 v6, v3  }
0x75: {  	v6 =	vmax.f32 v30, $0.0e+00;
	v23 =	vmax.f32 v9, $0.0e+00;
	v35 =	vxor.u32 $0x80000000, v29  }
0x76: {  	vm8 =	vgt.s32 v27, $0x0;
	v6 =	vnsel vm13, $0x0, v6;
	v2 =	vadd.s32 v48, v2  }
0x77: {  	v31 =	vld [tilespmem:s5+$0x5300];
	vm13 =	vgt.f32 v36, v4;
	v4 =	vmax.f32 v4, v36;
	v38 =	vmpcnt.ones.xlane vm8  }
0x78: {  	v3 =	vadd.f32 v6, v3;
	v6 =	vadd.f32 $2.000000030e-01, v34;
	v5 =	vsel vm13, v37, v5  }
0x79: {  	s10 =	sor.u32 $0x1380, s22;
	v2 =	vadd.s32 v54, v2;
	vm15 =	vgt.f32 v40, v4;
	v4 =	vmax.f32 v4, v40  }
0x7a: {  	v36 =	vld [tilespmem:s10+$0x0];
	vm13 =	vgt.s32 v63, $0x0;
	v5 =	vsel vm15, v43, v5;
	v2 =	vadd.s32 v57, v2  }
0x7b: {  	v37 =	vld [tilespmem:s10+$0x4000];
	vm6 =	vgt.f32 v45, v4;
	v4 =	vmax.f32 v4, v45;
	v25 =	vmpcnt.ones.xlane vm13  }
0x7c: {  	v40 =	vld [tilespmem:s5+$0x1800];
	s10 =	sor.u32 $0x1880, s6;
	v6 =	vmax.f32 v6, $0.0e+00;
	v5 =	vsel vm6, v47, v5;
	vm6 =	veq.s32 v31, v1  }
0x7d: {  	v45 =	vld [tilespmem:s10+$0x0];
	v6 =	vnsel vm5, $0x0, v6;
	vm5 =	veq.s32 v53, v1;
	v7 =	vsel vm6, v35, v29  }
0x7e: {  	v43 =	vld [tilespmem:s5+$0x5800];
	v3 =	vadd.f32 v6, v3;
	v6 =	vnsel vm7, $0x0, v39;
	v60 =	vsel vm5, v58, v52  }
0x7f: {  	vm7 =	vgt.s32 v53, $0x0;
	vm5 =	veq.s32 v27, v1;
	v7 =	vadd.f32 $2.000000030e-01, v7  }
0x80: {  	v42 =	vxor.u32 $0x80000000, v36;
	v62 =	vadd.f32 $2.000000030e-01, v60;
	v16 =	vmpcnt.ones.xlane vm7  }
0x81: {  	v34 =	vsel vm5, v33, v24;
	v49 =	vxor.u32 $0x80000000, v40;
	v3 =	vadd.f32 v6, v3  }
0x82: {  	v6 =	vmax.f32 v46, $0.0e+00;
	v39 =	vmax.f32 v7, $0.0e+00;
	v51 =	vxor.u32 $0x80000000, v45  }
0x83: {  	vm5 =	vgt.s32 v43, $0x0;
	v6 =	vnsel vm10, $0x0, v6;
	v2 =	vadd.s32 v16, v2  }
0x84: {  	v47 =	vld [tilespmem:s10+$0x4000];
	vm10 =	vgt.f32 v52, v4;
	v4 =	vmax.f32 v4, v52;
	v54 =	vmpcnt.ones.xlane vm5  }
0x85: {  	v21 =	vld [tilespmem:s5+$0x5200];
	v3 =	vadd.f32 v6, v3;
	v6 =	vadd.f32 $2.000000030e-01, v50;
	v5 =	vsel vm10, v53, v5  }
0x86: {  	v2 =	vadd.s32 v22, v2;
	vm12 =	vgt.f32 v56, v4;
	v4 =	vmax.f32 v4, v56  }
0x87: {  	vm10 =	vgt.s32 v31, $0x0;
	v5 =	vsel vm12, v59, v5;
	v2 =	vadd.s32 v25, v2  }
0x88: {  	s10 =	sor.u32 $0x1980, s6;
	v52 =	vld [tilespmem:s5+$0x1900];
	vm15 =	vgt.f32 v61, v4;
	v4 =	vmax.f32 v4, v61;
	v41 =	vmpcnt.ones.xlane vm10  }
0x89: {  	v56 =	vld [tilespmem:s10+$0x0];
	v6 =	vmax.f32 v6, $0.0e+00;
	v5 =	vsel vm15, v63, v5;
	vm15 =	veq.s32 v47, v1  }
0x8a: {  	v61 =	vld [tilespmem:s5+$0x1A00];
	v6 =	vnsel vm14, $0x0, v6;
	vm14 =	veq.s32 v21, v1;
	v8 =	vsel vm15, v51, v45  }
0x8b: {  	v59 =	vld [tilespmem:s10+$0x4000];
	v3 =	vadd.f32 v6, v3;
	v6 =	vnsel vm4, $0x0, v55;
	v28 =	vsel vm14, v26, v20  }
0x8c: {  	vm4 =	vgt.s32 v21, $0x0;
	vm14 =	veq.s32 v43, v1;
	v8 =	vadd.f32 $2.000000030e-01, v8  }
0x8d: {  	v58 =	vxor.u32 $0x80000000, v52;
	v30 =	vadd.f32 $2.000000030e-01, v28;
	v32 =	vmpcnt.ones.xlane vm4  }
0x8e: {  	v50 =	vsel vm14, v49, v40;
	v17 =	vxor.u32 $0x80000000, v56;
	v3 =	vadd.f32 v6, v3  }
0x8f: {  	v6 =	vmax.f32 v62, $0.0e+00;
	v55 =	vmax.f32 v8, $0.0e+00;
	v19 =	vxor.u32 $0x80000000, v61  }
0x90: {  	vm14 =	vgt.s32 v59, $0x0;
	v6 =	vnsel vm7, $0x0, v6;
	v2 =	vadd.s32 v32, v2  }
0x91: {  	v63 =	vld [tilespmem:s5+$0x5A00];
	vm7 =	vgt.f32 v20, v4;
	v4 =	vmax.f32 v4, v20;
	v22 =	vmpcnt.ones.xlane vm14  }
0x92: {  	v3 =	vadd.f32 v6, v3;
	v6 =	vadd.f32 $2.000000030e-01, v18;
	v5 =	vsel vm7, v21, v5  }
0x93: {  	s10 =	sor.u32 $0x1A80, s6;
	v2 =	vadd.s32 v38, v2;
	vm9 =	vgt.f32 v24, v4;
	v4 =	vmax.f32 v4, v24  }
0x94: {  	v20 =	vld [tilespmem:s10+$0x0];
	vm7 =	vgt.s32 v47, $0x0;
	v5 =	vsel vm9, v27, v5;
	v2 =	vadd.s32 v41, v2  }
0x95: {  	v21 =	vld [tilespmem:s10+$0x4000];
	vm12 =	vgt.f32 v29, v4;
	v4 =	vmax.f32 v4, v29;
	v57 =	vmpcnt.ones.xlane vm7  }
0x96: {  	v24 =	vld [tilespmem:s5+$0x1B00];
	s10 =	sor.u32 $0x1B80, s22;
	v6 =	vmax.f32 v6, $0.0e+00;
	v5 =	vsel vm12, v31, v5;
	vm12 =	veq.s32 v63, v1  }
0x97: {  	v29 =	vld [tilespmem:s10+$0x0];
	v6 =	vnsel vm11, $0x0, v6;
	vm11 =	veq.s32 v37, v1;
	v9 =	vsel vm12, v19, v61  }
0x98: {  	v27 =	vld [tilespmem:s5+$0x5B00];
	v3 =	vadd.f32 v6, v3;
	v6 =	vnsel vm13, $0x0, v23;
	v44 =	vsel vm11, v42, v36  }
0x99: {  	vm13 =	vgt.s32 v37, $0x0;
	vm11 =	veq.s32 v59, v1;
	v9 =	vadd.f32 $2.000000030e-01, v9  }
0x9a: {  	v26 =	vxor.u32 $0x80000000, v20;
	v46 =	vadd.f32 $2.000000030e-01, v44;
	v48 =	vmpcnt.ones.xlane vm13  }
0x9b: {  	v18 =	vsel vm11, v17, v56;
	v33 =	vxor.u32 $0x80000000, v24;
	v3 =	vadd.f32 v6, v3  }
0x9c: {  	v6 =	vmax.f32 v30, $0.0e+00;
	v23 =	vmax.f32 v9, $0.0e+00;
	v35 =	vxor.u32 $0x80000000, v29  }
0x9d: {  	vm11 =	vgt.s32 v27, $0x0;
	v6 =	vnsel vm4, $0x0, v6;
	v2 =	vadd.s32 v48, v2  }
0x9e: {  	v31 =	vld [tilespmem:s10+$0x4000];
	vm4 =	vgt.f32 v36, v4;
	v4 =	vmax.f32 v4, v36;
	v38 =	vmpcnt.ones.xlane vm11  }
0x9f: {  	v53 =	vld [tilespmem:s5+$0x5900];
	v3 =	vadd.f32 v6, v3;
	v6 =	vadd.f32 $2.000000030e-01, v34;
	v5 =	vsel vm4, v37, v5  }
0xa0: {  	v2 =	vadd.s32 v54, v2;
	vm6 =	vgt.f32 v40, v4;
	v4 =	vmax.f32 v4, v40  }
0xa1: {  	vm4 =	vgt.s32 v63, $0x0;
	v5 =	vsel vm6, v43, v5;
	v2 =	vadd.s32 v57, v2  }
0xa2: {  	s10 =	sor.u32 $0x2080, s6;
	v36 =	vld [tilespmem:s5+$0x2000];
	vm9 =	vgt.f32 v45, v4;
	v4 =	vmax.f32 v4, v45;
	v25 =	vmpcnt.ones.xlane vm4  }
0xa3: {  	v40 =	vld [tilespmem:s10+$0x0];
	v6 =	vmax.f32 v6, $0.0e+00;
	v5 =	vsel vm9, v47, v5;
	vm9 =	veq.s32 v31, v1  }
0xa4: {  	v45 =	vld [tilespmem:s5+$0x2100];
	v6 =	vnsel vm8, $0x0, v6;
	vm8 =	veq.s32 v53, v1;
	v7 =	vsel vm9, v35, v29  }
0xa5: {  	v43 =	vld [tilespmem:s10+$0x4000];
	v3 =	vadd.f32 v6, v3;
	v6 =	vnsel vm10, $0x0, v39;
	v60 =	vsel vm8, v58, v52  }
0xa6: {  	vm10 =	vgt.s32 v53, $0x0;
	vm8 =	veq.s32 v27, v1;
	v7 =	vadd.f32 $2.000000030e-01, v7  }
0xa7: {  	v42 =	vxor.u32 $0x80000000, v36;
	v62 =	vadd.f32 $2.000000030e-01, v60;
	v16 =	vmpcnt.ones.xlane vm10  }
0xa8: {  	v34 =	vsel vm8, v33, v24;
	v49 =	vxor.u32 $0x80000000, v40;
	v3 =	vadd.f32 v6, v3  }
0xa9: {  	v6 =	vmax.f32 v46, $0.0e+00;
	v39 =	vmax.f32 v7, $0.0e+00;
	v51 =	vxor.u32 $0x80000000, v45  }
0xaa: {  	vm8 =	vgt.s32 v43, $0x0;
	v6 =	vnsel vm13, $0x0, v6;
	v2 =	vadd.s32 v16, v2  }
0xab: {  	v47 =	vld [tilespmem:s5+$0x6100];
	vm13 =	vgt.f32 v52, v4;
	v4 =	vmax.f32 v4, v52;
	v54 =	vmpcnt.ones.xlane vm8  }
0xac: {  	v3 =	vadd.f32 v6, v3;
	v6 =	vadd.f32 $2.000000030e-01, v50;
	v5 =	vsel vm13, v53, v5  }
0xad: {  	s10 =	sor.u32 $0x2180, s6;
	v2 =	vadd.s32 v22, v2;
	vm15 =	vgt.f32 v56, v4;
	v4 =	vmax.f32 v4, v56  }
0xae: {  	v52 =	vld [tilespmem:s10+$0x0];
	vm13 =	vgt.s32 v31, $0x0;
	v5 =	vsel vm15, v59, v5;
	v2 =	vadd.s32 v25, v2  }
0xaf: {  	v53 =	vld [tilespmem:s10+$0x4000];
	vm6 =	vgt.f32 v61, v4;
	v4 =	vmax.f32 v4, v61;
	v41 =	vmpcnt.ones.xlane vm13  }
0xb0: {  	v56 =	vld [tilespmem:s5+$0x2200];
	s10 =	sor.u32 $0x2280, s6;
	v6 =	vmax.f32 v6, $0.0e+00;
	v5 =	vsel vm6, v63, v5;
	vm6 =	veq.s32 v47, v1  }
0xb1: {  	v61 =	vld [tilespmem:s10+$0x0];
	v6 =	vnsel vm5, $0x0, v6;
	vm5 =	veq.s32 v21, v1;
	v8 =	vsel vm6, v51, v45  }
0xb2: {  	v59 =	vld [tilespmem:s5+$0x6200];
	v3 =	vadd.f32 v6, v3;
	v6 =	vnsel vm7, $0x0, v55;
	v28 =	vsel vm5, v26, v20  }
0xb3: {  	vm7 =	vgt.s32 v21, $0x0;
	vm5 =	veq.s32 v43, v1;
	v8 =	vadd.f32 $2.000000030e-01, v8  }
0xb4: {  	v58 =	vxor.u32 $0x80000000, v52;
	v30 =	vadd.f32 $2.000000030e-01, v28;
	v32 =	vmpcnt.ones.xlane vm7  }
0xb5: {  	v50 =	vsel vm5, v49, v40;
	v17 =	vxor.u32 $0x80000000, v56;
	v3 =	vadd.f32 v6, v3  }
0xb6: {  	v6 =	vmax.f32 v62, $0.0e+00;
	v55 =	vmax.f32 v8, $0.0e+00;
	v19 =	vxor.u32 $0x80000000, v61  }
0xb7: {  	vm5 =	vgt.s32 v59, $0x0;
	v6 =	vnsel vm10, $0x0, v6;
	v2 =	vadd.s32 v32, v2  }
0xb8: {  	v63 =	vld [tilespmem:s10+$0x4000];
	vm10 =	vgt.f32 v20, v4;
	v4 =	vmax.f32 v4, v20;
	v22 =	vmpcnt.ones.xlane vm5  }
0xb9: {  	v37 =	vld [tilespmem:s5+$0x6000];
	v3 =	vadd.f32 v6, v3;
	v6 =	vadd.f32 $2.000000030e-01, v18;
	v5 =	vsel vm10, v21, v5  }
0xba: {  	v2 =	vadd.s32 v38, v2;
	vm12 =	vgt.f32 v24, v4;
	v4 =	vmax.f32 v4, v24  }
0xbb: {  	vm10 =	vgt.s32 v47, $0x0;
	v5 =	vsel vm12, v27, v5;
	v2 =	vadd.s32 v41, v2  }
0xbc: {  	s10 =	sor.u32 $0x2380, s22;
	v20 =	vld [tilespmem:s5+$0x2300];
	vm15 =	vgt.f32 v29, v4;
	v4 =	vmax.f32 v4, v29;
	v57 =	vmpcnt.ones.xlane vm10  }
0xbd: {  	v24 =	vld [tilespmem:s10+$0x0];
	v6 =	vmax.f32 v6, $0.0e+00;
	v5 =	vsel vm15, v31, v5;
	vm15 =	veq.s32 v63, v1  }
0xbe: {  	v29 =	vld [tilespmem:s5+$0x2800];
	v6 =	vnsel vm14, $0x0, v6;
	vm14 =	veq.s32 v37, v1;
	v9 =	vsel vm15, v19, v61  }
0xbf: {  	v27 =	vld [tilespmem:s10+$0x4000];
	v3 =	vadd.f32 v6, v3;
	v6 =	vnsel vm4, $0x0, v23;
	v44 =	vsel vm14, v42, v36  }
0xc0: {  	vm4 =	vgt.s32 v37, $0x0;
	vm14 =	veq.s32 v59, v1;
	v9 =	vadd.f32 $2.000000030e-01, v9  }
0xc1: {  	v26 =	vxor.u32 $0x80000000, v20;
	v46 =	vadd.f32 $2.000000030e-01, v44;
	v48 =	vmpcnt.ones.xlane vm4  }
0xc2: {  	v18 =	vsel vm14, v17, v56;
	v33 =	vxor.u32 $0x80000000, v24;
	v3 =	vadd.f32 v6, v3  }
0xc3: {  	v6 =	vmax.f32 v30, $0.0e+00;
	v23 =	vmax.f32 v9, $0.0e+00;
	v35 =	vxor.u32 $0x80000000, v29  }
0xc4: {  	vm14 =	vgt.s32 v27, $0x0;
	v6 =	vnsel vm7, $0x0, v6;
	v2 =	vadd.s32 v48, v2  }
0xc5: {  	v31 =	vld [tilespmem:s5+$0x6800];
	vm7 =	vgt.f32 v36, v4;
	v4 =	vmax.f32 v4, v36;
	v38 =	vmpcnt.ones.xlane vm14  }
0xc6: {  	v3 =	vadd.f32 v6, v3;
	v6 =	vadd.f32 $2.000000030e-01, v34;
	v5 =	vsel vm7, v37, v5  }
0xc7: {  	s10 =	sor.u32 $0x2880, s6;
	v2 =	vadd.s32 v54, v2;
	vm9 =	vgt.f32 v40, v4;
	v4 =	vmax.f32 v4, v40  }
0xc8: {  	v36 =	vld [tilespmem:s10+$0x0];
	vm7 =	vgt.s32 v63, $0x0;
	v5 =	vsel vm9, v43, v5;
	v2 =	vadd.s32 v57, v2  }
0xc9: {  	v37 =	vld [tilespmem:s10+$0x4000];
	vm12 =	vgt.f32 v45, v4;
	v4 =	vmax.f32 v4, v45;
	v25 =	vmpcnt.ones.xlane vm7  }
0xca: {  	v40 =	vld [tilespmem:s5+$0x2900];
	s10 =	sor.u32 $0x2980, s6;
	v6 =	vmax.f32 v6, $0.0e+00;
	v5 =	vsel vm12, v47, v5;
	vm12 =	veq.s32 v31, v1  }
0xcb: {  	v45 =	vld [tilespmem:s10+$0x0];
	v6 =	vnsel vm11, $0x0, v6;
	vm11 =	veq.s32 v53, v1;
	v7 =	vsel vm12, v35, v29  }
0xcc: {  	v43 =	vld [tilespmem:s5+$0x6900];
	v3 =	vadd.f32 v6, v3;
	v6 =	vnsel vm13, $0x0, v39;
	v60 =	vsel vm11, v58, v52  }
0xcd: {  	vm13 =	vgt.s32 v53, $0x0;
	vm11 =	veq.s32 v27, v1;
	v7 =	vadd.f32 $2.000000030e-01, v7  }
0xce: {  	v42 =	vxor.u32 $0x80000000, v36;
	v62 =	vadd.f32 $2.000000030e-01, v60;
	v16 =	vmpcnt.ones.xlane vm13  }
0xcf: {  	v34 =	vsel vm11, v33, v24;
	v49 =	vxor.u32 $0x80000000, v40;
	v3 =	vadd.f32 v6, v3  }
0xd0: {  	v6 =	vmax.f32 v46, $0.0e+00;
	v39 =	vmax.f32 v7, $0.0e+00;
	v51 =	vxor.u32 $0x80000000, v45  }
0xd1: {  	vm11 =	vgt.s32 v43, $0x0;
	v6 =	vnsel vm4, $0x0, v6;
	v2 =	vadd.s32 v16, v2  }
0xd2: {  	v47 =	vld [tilespmem:s10+$0x4000];
	vm4 =	vgt.f32 v52, v4;
	v4 =	vmax.f32 v4, v52;
	v54 =	vmpcnt.ones.xlane vm11  }
0xd3: {  	v21 =	vld [tilespmem:s5+$0x6300];
	v3 =	vadd.f32 v6, v3;
	v6 =	vadd.f32 $2.000000030e-01, v50;
	v5 =	vsel vm4, v53, v5  }
0xd4: {  	v2 =	vadd.s32 v22, v2;
	vm6 =	vgt.f32 v56, v4;
	v4 =	vmax.f32 v4, v56  }
0xd5: {  	vm4 =	vgt.s32 v31, $0x0;
	v5 =	vsel vm6, v59, v5;
	v2 =	vadd.s32 v25, v2  }
0xd6: {  	s10 =	sor.u32 $0x2A80, s6;
	v52 =	vld [tilespmem:s5+$0x2A00];
	vm9 =	vgt.f32 v61, v4;
	v4 =	vmax.f32 v4, v61;
	v41 =	vmpcnt.ones.xlane vm4  }
0xd7: {  	v56 =	vld [tilespmem:s10+$0x0];
	v6 =	vmax.f32 v6, $0.0e+00;
	v5 =	vsel vm9, v63, v5;
	vm9 =	veq.s32 v47, v1  }
0xd8: {  	v59 =	vld [tilespmem:s10+$0x4000];
	v6 =	vnsel vm8, $0x0, v6;
	vm8 =	veq.s32 v21, v1;
	v8 =	vsel vm9, v51, v45  }
0xd9: {  	s10 =	sor.u32 $0x2B80, s22;
	v3 =	vadd.f32 v6, v3;
	v6 =	vnsel vm10, $0x0, v55;
	v28 =	vsel vm8, v26, v20  }
0xda: {  	v19 =	vld [tilespmem:s10+$0x0];
	vm10 =	vgt.s32 v21, $0x0;
	vm8 =	veq.s32 v43, v1;
	v8 =	vadd.f32 $2.000000030e-01, v8  }
0xdb: {  	v58 =	vxor.u32 $0x80000000, v52;
	v30 =	vadd.f32 $2.000000030e-01, v28;
	v32 =	vmpcnt.ones.xlane vm10  }
0xdc: {  	v50 =	vsel vm8, v49, v40;
	v16 =	vxor.u32 $0x80000000, v56;
	v3 =	vadd.f32 v6, v3  }
0xdd: {  	v61 =	vld [tilespmem:s5+$0x2B00];
	v6 =	vmax.f32 v62, $0.0e+00;
	v55 =	vmax.f32 v8, $0.0e+00;
	vm8 =	vgt.s32 v59, $0x0  }
0xde: {  	v6 =	vnsel vm13, $0x0, v6;
	v2 =	vadd.s32 v32, v2;
	vm13 =	vgt.f32 v20, v4  }
0xdf: {  	v35 =	vld [tilespmem:s5+$0x3100];
	v4 =	vmax.f32 v4, v20;
	v25 =	vxor.u32 $0x80000000, v19;
	v3 =	vadd.f32 v6, v3  }
0xe0: {  	v63 =	vld [tilespmem:s5+$0x6B00];
	v6 =	vadd.f32 $2.000000030e-01, v18;
	v5 =	vsel vm13, v21, v5;
	v2 =	vadd.s32 v38, v2  }
0xe1: {  	vm15 =	vgt.f32 v24, v4;
	v4 =	vmax.f32 v4, v24;
	vm13 =	vgt.s32 v47, $0x0  }
0xe2: {  	v18 =	vxor.u32 $0x80000000, v61;
	v21 =	vmpcnt.ones.xlane vm8;
	v5 =	vsel vm15, v27, v5  }
0xe3: {  	v2 =	vadd.s32 v41, v2;
	vm6 =	vgt.f32 v29, v4;
	v4 =	vmax.f32 v4, v29  }
0xe4: {  	v26 =	vld [tilespmem:s5+$0x7000];
	v57 =	vmpcnt.ones.xlane vm13;
	v41 =	vxor.u32 $0x80000000, v35;
	v6 =	vmax.f32 v6, $0.0e+00  }
0xe5: {  	v5 =	vsel vm6, v31, v5;
	vm6 =	veq.s32 v63, v1;
	v6 =	vnsel vm5, $0x0, v6  }
0xe6: {  	vm5 =	veq.s32 v37, v1;
	v9 =	vsel vm6, v18, v61;
	v3 =	vadd.f32 v6, v3  }
0xe7: {  	v6 =	vnsel vm7, $0x0, v23;
	v44 =	vsel vm5, v42, v36;
	vm7 =	vgt.s32 v37, $0x0  }
0xe8: {  	v20 =	vld [tilespmem:s10+$0x4000];
	s10 =	sor.u32 $0x3080, s6;
	vm5 =	veq.s32 v59, v1;
	v9 =	vadd.f32 $2.000000030e-01, v9;
	v46 =	vadd.f32 $2.000000030e-01, v44  }
0xe9: {  	v28 =	vld [tilespmem:s10+$0x0];
	v48 =	vmpcnt.ones.xlane vm7;
	v17 =	vsel vm5, v16, v56;
	vm5 =	vgt.s32 v26, $0x0  }
0xea: {  	v3 =	vadd.f32 v6, v3;
	v6 =	vmax.f32 v30, $0.0e+00;
	v22 =	vmax.f32 v9, $0.0e+00  }
0xeb: {  	v53 =	vld [tilespmem:s5+$0x6A00];
	v6 =	vnsel vm10, $0x0, v6;
	v2 =	vadd.s32 v48, v2;
	vm10 =	vgt.f32 v36, v4  }
0xec: {  	v23 =	vld [tilespmem:s5+$0x3000];
	v4 =	vmax.f32 v4, v36;
	v3 =	vadd.f32 v6, v3;
	v6 =	vadd.f32 $2.000000030e-01, v34  }
0xed: {  	v30 =	vld [tilespmem:s10+$0x4000];
	v5 =	vsel vm10, v37, v5;
	v2 =	vadd.s32 v54, v2;
	vm12 =	vgt.f32 v40, v4  }
0xee: {  	v4 =	vmax.f32 v4, v40;
	vm10 =	vgt.s32 v63, $0x0;
	v34 =	vxor.u32 $0x80000000, v28  }
0xef: {  	v37 =	vmpcnt.ones.xlane vm5;
	v5 =	vsel vm12, v43, v5;
	v2 =	vadd.s32 v57, v2  }
0xf0: {  	vm15 =	vgt.f32 v45, v4;
	v4 =	vmax.f32 v4, v45;
	v24 =	vmpcnt.ones.xlane vm10  }
0xf1: {  	s10 =	sor.u32 $0x3180, s6;
	v32 =	vxor.u32 $0x80000000, v23;
	v6 =	vmax.f32 v6, $0.0e+00;
	v5 =	vsel vm15, v47, v5  }
0xf2: {  	v42 =	vld [tilespmem:s10+$0x4000];
	v6 =	vnsel vm14, $0x0, v6;
	vm14 =	veq.s32 v53, v1;
	vm15 =	veq.s32 v30, v1  }
0xf3: {  	v3 =	vadd.f32 v6, v3;
	v6 =	vnsel vm4, $0x0, v39;
	v60 =	vsel vm14, v58, v52  }
0xf4: {  	vm4 =	vgt.s32 v53, $0x0;
	vm14 =	veq.s32 v26, v1;
	v7 =	vsel vm15, v34, v28  }
0xf5: {  	v62 =	vadd.f32 $2.000000030e-01, v60;
	v12 =	vmpcnt.ones.xlane vm4;
	v33 =	vsel vm14, v32, v23  }
0xf6: {  	v44 =	vld [tilespmem:s5+$0x3200];
	v7 =	vadd.f32 $2.000000030e-01, v7;
	v3 =	vadd.f32 v6, v3;
	v6 =	vmax.f32 v46, $0.0e+00  }
0xf7: {  	vm14 =	vgt.s32 v42, $0x0;
	v6 =	vnsel vm7, $0x0, v6;
	v2 =	vadd.s32 v12, v2  }
0xf8: {  	v39 =	vld [tilespmem:s10+$0x0];
	s10 =	sor.u32 $0x3280, s6;
	vm7 =	vgt.f32 v52, v4;
	v4 =	vmax.f32 v4, v52;
	v38 =	vmax.f32 v7, $0.0e+00  }
0xf9: {  	v51 =	vld [tilespmem:s10+$0x0];
	v3 =	vadd.f32 v6, v3;
	v6 =	vadd.f32 $2.000000030e-01, v50;
	v5 =	vsel vm7, v53, v5  }
0xfa: {  	v46 =	vld [tilespmem:s5+$0x7200];
	v2 =	vadd.s32 v21, v2;
	vm9 =	vgt.f32 v56, v4;
	v4 =	vmax.f32 v4, v56  }
0xfb: {  	vm7 =	vgt.s32 v30, $0x0;
	v50 =	vxor.u32 $0x80000000, v44;
	v53 =	vmpcnt.ones.xlane vm14  }
0xfc: {  	v5 =	vsel vm9, v59, v5;
	v2 =	vadd.s32 v24, v2;
	vm12 =	vgt.f32 v61, v4  }
0xfd: {  	v4 =	vmax.f32 v4, v61;
	v40 =	vmpcnt.ones.xlane vm7;
	v48 =	vxor.u32 $0x80000000, v39  }
0xfe: {  	v6 =	vmax.f32 v6, $0.0e+00;
	v5 =	vsel vm12, v63, v5;
	v57 =	vxor.u32 $0x80000000, v51  }
0xff: {  	v54 =	vld [tilespmem:s5+$0x3300];
	v6 =	vnsel vm11, $0x0, v6;
	vm11 =	veq.s32 v20, v1;
	vm12 =	veq.s32 v46, v1  }
0x100: {  	v52 =	vld [tilespmem:s10+$0x4000];
	s10 =	sor.u32 $0x3380, s22;
	v3 =	vadd.f32 v6, v3;
	v6 =	vnsel vm13, $0x0, v55;
	v27 =	vsel vm11, v25, v19  }
0x101: {  	v63 =	vld [tilespmem:s10+$0x4000];
	vm13 =	vgt.s32 v20, $0x0;
	vm11 =	veq.s32 v42, v1;
	v8 =	vsel vm12, v50, v44  }
0x102: {  	v29 =	vadd.f32 $2.000000030e-01, v27;
	v31 =	vmpcnt.ones.xlane vm13;
	v49 =	vsel vm11, v48, v39  }
0x103: {  	v61 =	vld [tilespmem:s10+$0x0];
	v8 =	vadd.f32 $2.000000030e-01, v8;
	v3 =	vadd.f32 v6, v3;
	v6 =	vmax.f32 v62, $0.0e+00  }
0x104: {  	v62 =	vxor.u32 $0x80000000, v54;
	v6 =	vnsel vm4, $0x0, v6;
	v2 =	vadd.s32 v31, v2  }
0x105: {  	v21 =	vld [tilespmem:s5+$0x3800];
	s10 =	sor.u32 $0x3880, s6;
	vm4 =	vgt.f32 v19, v4;
	v4 =	vmax.f32 v4, v19;
	v8 =	vmax.f32 v8, $0.0e+00  }
0x106: {  	v25 =	vld [tilespmem:s10+$0x0];
	vm11 =	veq.s32 v63, v1;
	v3 =	vadd.f32 v6, v3;
	v6 =	vadd.f32 $2.000000030e-01, v17  }
0x107: {  	v27 =	vld [tilespmem:s10+$0x4000];
	v5 =	vsel vm4, v20, v5;
	v2 =	vadd.s32 v37, v2;
	vm6 =	vgt.f32 v23, v4  }
0x108: {  	v36 =	vld [tilespmem:s5+$0x7100];
	v4 =	vmax.f32 v4, v23;
	vm4 =	vgt.s32 v46, $0x0;
	v20 =	vxor.u32 $0x80000000, v61  }
0x109: {  	v5 =	vsel vm6, v26, v5;
	v2 =	vadd.s32 v40, v2;
	vm9 =	vgt.f32 v28, v4  }
0x10a: {  	v4 =	vmax.f32 v4, v28;
	v56 =	vmpcnt.ones.xlane vm4;
	v58 =	vnsel vm4, $0x0, v8  }
0x10b: {  	v32 =	vxor.u32 $0x80000000, v25;
	v6 =	vmax.f32 v6, $0.0e+00;
	v5 =	vsel vm9, v30, v5  }
0x10c: {  	v30 =	vxor.u32 $0x80000000, v21;
	vm4 =	veq.s32 v27, v1;
	v6 =	vnsel vm8, $0x0, v6  }
0x10d: {  	vm8 =	veq.s32 v36, v1;
	v34 =	vsel vm4, v32, v25;
	v3 =	vadd.f32 v6, v3  }
0x10e: {  	v6 =	vnsel vm10, $0x0, v22;
	v43 =	vsel vm8, v41, v35;
	vm10 =	vgt.s32 v36, $0x0  }
0x10f: {  	vm8 =	vgt.s32 v52, $0x0;
	v45 =	vadd.f32 $2.000000030e-01, v43;
	v47 =	vmpcnt.ones.xlane vm10  }
0x110: {  	s10 =	sor.u32 $0x3980, s6;
	v23 =	vld [tilespmem:s5+$0x7800];
	v18 =	vmpcnt.ones.xlane vm8;
	v3 =	vadd.f32 v6, v3;
	v6 =	vmax.f32 v29, $0.0e+00  }
0x111: {  	v37 =	vld [tilespmem:s10+$0x0];
	v6 =	vnsel vm13, $0x0, v6;
	v2 =	vadd.s32 v47, v2;
	vm13 =	vgt.f32 v35, v4  }
0x112: {  	v4 =	vmax.f32 v4, v35;
	v3 =	vadd.f32 v6, v3;
	v6 =	vadd.f32 $2.000000030e-01, v33  }
0x113: {  	v16 =	vld [tilespmem:s5+$0x3A00];
	v5 =	vsel vm13, v36, v5;
	v2 =	vadd.s32 v53, v2;
	vm15 =	vgt.f32 v39, v4  }
0x114: {  	v43 =	vld [tilespmem:s5+$0x7A00];
	v4 =	vmax.f32 v4, v39;
	vm13 =	vgt.s32 v63, $0x0;
	v5 =	vsel vm15, v42, v5  }
0x115: {  	v2 =	vadd.s32 v56, v2;
	vm6 =	vgt.f32 v44, v4;
	v4 =	vmax.f32 v4, v44  }
0x116: {  	v29 =	vmpcnt.ones.xlane vm13;
	vm15 =	veq.s32 v23, v1;
	v44 =	vxor.u32 $0x80000000, v37  }
0x117: {  	v55 =	vld [tilespmem:s5+$0x7300];
	v6 =	vmax.f32 v6, $0.0e+00;
	v5 =	vsel vm6, v46, v5;
	vm9 =	vgt.f32 v51, v4  }
0x118: {  	v2 =	vadd.s32 v18, v2;
	v4 =	vmax.f32 v4, v51;
	v31 =	vsel vm15, v30, v21  }
0x119: {  	v46 =	vxor.u32 $0x80000000, v16;
	vm15 =	vgt.s32 v43, $0x0;
	v6 =	vnsel vm5, $0x0, v6  }
0x11a: {  	v33 =	vld [tilespmem:s5+$0x3900];
	vm5 =	veq.s32 v52, v1;
	v5 =	vsel vm9, v52, v5;
	vm12 =	vgt.f32 v54, v4  }
0x11b: {  	v4 =	vmax.f32 v4, v54;
	v53 =	vmpcnt.ones.xlane vm15;
	v3 =	vadd.f32 v6, v3  }
0x11c: {  	s6 =	sor.u32 $0x3A80, s6;
	v6 =	vnsel vm7, $0x0, v38;
	v59 =	vsel vm5, v57, v51;
	vm7 =	veq.s32 v55, v1  }
0x11d: {  	v48 =	vld [tilespmem:s6+$0x0];
	v5 =	vsel vm12, v55, v5;
	vm5 =	vgt.s32 v23, $0x0;
	vm12 =	veq.s32 v43, v1  }
0x11e: {  	v60 =	vadd.f32 $2.000000030e-01, v59;
	v11 =	vsel vm7, v62, v54;
	v36 =	vmpcnt.ones.xlane vm5  }
0x11f: {  	vm7 =	vgt.s32 v27, $0x0;
	v41 =	vxor.u32 $0x80000000, v33;
	v12 =	vsel vm12, v46, v16  }
0x120: {  	v35 =	vld [tilespmem:s5+$0x7900];
	v3 =	vadd.f32 v6, v3;
	v6 =	vmax.f32 v45, $0.0e+00;
	v11 =	vadd.f32 $2.000000030e-01, v11  }
0x121: {  	v52 =	vld [tilespmem:s5+$0x3B00];
	v40 =	vmpcnt.ones.xlane vm7;
	v12 =	vadd.f32 $2.000000030e-01, v12;
	v6 =	vnsel vm10, $0x0, v6  }
0x122: {  	v38 =	vld [tilespmem:s10+$0x4000];
	v7 =	vmax.f32 v60, $0.0e+00;
	vm10 =	vgt.s32 v55, $0x0;
	v55 =	vxor.u32 $0x80000000, v48  }
0x123: {  	v54 =	vld [tilespmem:s5+$0x7B00];
	v3 =	vadd.f32 v6, v3;
	v6 =	vadd.f32 $2.000000030e-01, v49;
	v7 =	vnsel vm8, $0x0, v7  }
0x124: {  	v19 =	vmax.f32 v11, $0.0e+00;
	v11 =	vsel vm11, v20, v61;
	v26 =	vmpcnt.ones.xlane vm10  }
0x125: {  	vm8 =	veq.s32 v35, v1;
	vm11 =	vgt.s32 v35, $0x0;
	v51 =	vmax.f32 v12, $0.0e+00  }
0x126: {  	v56 =	vxor.u32 $0x80000000, v52;
	v22 =	vnsel vm10, $0x0, v19;
	v24 =	vadd.f32 $2.000000030e-01, v11  }
0x127: {  	v42 =	vsel vm8, v41, v33;
	vm10 =	veq.s32 v38, v1;
	v45 =	vmpcnt.ones.xlane vm11  }
0x128: {  	v6 =	vmax.f32 v6, $0.0e+00;
	v2 =	vadd.s32 v26, v2;
	vm8 =	veq.s32 v54, v1  }
0x129: {  	v6 =	vnsel vm14, $0x0, v6;
	v28 =	vmax.f32 v24, $0.0e+00;
	vm14 =	vgt.f32 v61, v4  }
0x12a: {  	v2 =	vadd.s32 v29, v2;
	v4 =	vmax.f32 v4, v61;
	v3 =	vadd.f32 v6, v3  }
0x12b: {  	v9 =	vsel vm8, v56, v52;
	v6 =	vnsel vm13, $0x0, v28;
	v5 =	vsel vm14, v63, v5  }
0x12c: {  	v50 =	vld [tilespmem:s6+$0x4000];
	vm6 =	vgt.f32 v21, v4;
	v2 =	vadd.s32 v36, v2;
	v3 =	vadd.f32 v58, v3  }
0x12d: {  	v4 =	vmax.f32 v4, v21;
	vm13 =	vgt.s32 v38, $0x0;
	v59 =	vadd.f32 $2.000000030e-01, v9  }
0x12e: {  	v5 =	vsel vm6, v23, v5;
	v2 =	vadd.s32 v40, v2;
	v3 =	vadd.f32 v7, v3  }
0x12f: {  	vm9 =	vgt.f32 v25, v4;
	v4 =	vmax.f32 v4, v25;
	v49 =	vmpcnt.ones.xlane vm13  }
0x130: {  	v5 =	vsel vm9, v27, v5;
	v2 =	vadd.s32 v45, v2;
	v3 =	vadd.f32 v22, v3  }
0x131: {  	vm14 =	vgt.f32 v33, v4;
	v4 =	vmax.f32 v4, v33;
	vm9 =	vgt.s32 v50, $0x0  }
0x132: {  	v5 =	vsel vm14, v35, v5;
	v3 =	vadd.f32 v6, v3;
	v6 =	vadd.f32 $2.000000030e-01, v31  }
0x133: {  	v2 =	vadd.s32 v49, v2;
	vm4 =	vgt.f32 v37, v4;
	v4 =	vmax.f32 v4, v37  }
0x134: {  	v60 =	vmpcnt.ones.xlane vm9;
	v7 =	vadd.f32 $2.000000030e-01, v34;
	v6 =	vmax.f32 v6, $0.0e+00  }
0x135: {  	v5 =	vsel vm4, v38, v5;
	v2 =	vadd.s32 v53, v2;
	v6 =	vnsel vm5, $0x0, v6  }
0x136: {  	s22 =	sor.u32 $0x3B80, s22;
	v7 =	vmax.f32 v7, $0.0e+00;
	v3 =	vadd.f32 v6, v3;
	v6 =	vadd.f32 $2.000000030e-01, v42  }
0x137: {  	v58 =	vld [tilespmem:s22+$0x4000];
	vm6 =	vgt.f32 v16, v4;
	v39 =	vnsel vm7, $0x0, v7;
	v7 =	vsel vm10, v44, v37  }
0x138: {  	v7 =	vadd.f32 $2.000000030e-01, v7;
	v3 =	vadd.f32 v39, v3;
	v6 =	vmax.f32 v6, $0.0e+00  }
0x139: {  	v4 =	vmax.f32 v4, v16;
	v5 =	vsel vm6, v43, v5;
	v6 =	vnsel vm11, $0x0, v6  }
0x13a: {  	v2 =	vadd.s32 v60, v2;
	v7 =	vmax.f32 v7, $0.0e+00;
	v3 =	vadd.f32 v6, v3  }
0x13b: {  	v57 =	vld [tilespmem:s22+$0x0];
	vm7 =	vgt.f32 v48, v4;
	v4 =	vmax.f32 v4, v48;
	v47 =	vnsel vm13, $0x0, v7  }
0x13c: {  	vm12 =	veq.s32 v58, v1;
	v5 =	vsel vm7, v50, v5;
	v3 =	vadd.f32 v47, v3  }
0x13d: {  	vm10 =	vgt.f32 v52, v4;
	vm5 =	veq.s32 v50, v1;
	v6 =	vnsel vm15, $0x0, v51  }
0x13e: {  	v4 =	vmax.f32 v4, v52;
	v3 =	vadd.f32 v6, v3;
	v6 =	vsel vm5, v55, v48  }
0x13f: {  	v5 =	vsel vm10, v54, v5;
	v7 =	vmax.f32 v59, $0.0e+00;
	v6 =	vadd.f32 $2.000000030e-01, v6  }
0x140: {  	v1 =	vxor.u32 $0x80000000, v57;
	vm13 =	vgt.f32 v57, v4;
	v4 =	vmax.f32 v4, v57  }
0x141: {  	v1 =	vsel vm12, v1, v57;
	v5 =	vsel vm13, v58, v5;
	v6 =	vmax.f32 v6, $0.0e+00  }
0x142: {  	p0 =	sne.s32 s0, $0xF0;
	vm14 =	vgt.f32 v4, $0.0e+00;
	v1 =	vadd.f32 $2.000000030e-01, v1;
	v6 =	vnsel vm9, $0x0, v6  }
.Ltmp0:
0x143: {  	v5 =	vnsel vm14, $0x0, v5;
	vm11 =	vgt.s32 v54, $0x0;
	v3 =	vadd.f32 v6, v3;
	(pc) =	sbr.rel @p0 .LBB2_3-.Ltmp0, $4  }
0x144: {  	v61 =	vnsel vm11, $0x0, v7;
	v62 =	vmpcnt.ones.xlane vm11;
	vm15 =	vgt.s32 v58, $0x0  }
0x145: {  	[tilespmem:s29+$0x0] =	vst v4;
	v1 =	vmax.f32 v1, $0.0e+00;
	v4 =	vmpcnt.ones.xlane vm15;
	v3 =	vadd.f32 v61, v3  }
0x146: {  	s28 =	sadd.s32 $0x10, s28;
	s25 =	sadd.s32 $0x80, s25;
	s0 =	sadd.s32 $0x10, s0;
	v63 =	vsel vm14, $0x1, v0;
	[tilespmem:s30+$0x0] =	vst v5;
	v1 =	vnsel vm15, $0x0, v1;
	v2 =	vadd.s32 v62, v2  }
0x147: {  	s29 =	sadd.s32 $0x10, s29;
	s30 =	sadd.s32 $0x10, s30;
	[tilespmem:s31+$0x0] =	vst v63;
	s31 =	sadd.s32 $0x10, s31;
	v2 =	vadd.s32 v4, v2;
	v3 =	vadd.f32 v1, v3  }
0x148: {  	s0 =	sadd.s32 s4, s26  }
0x149: {  	[hbm4b:s0+s17] =	stream.strided.scatter [tilespmem:s19], [sflag:$0x1], $0x100, s18, s17, $0x38;
	[tilespmem:$0x8480] =	vst v63  }
0x14a: {  	_ =	swait.ge [sflag:s15], $0x100  }
0x14b: {  	[sflag:s15] =	ssyncset.done $0x0  }
0x14c: {  	s30 =	sadd.s32 s7, s26;
	[sflag:s15] =	ssyncadd.s32 $0xFFFFFF00  }
0x14d: {  	[hbm4b:s30+s17] =	stream.strided.scatter [tilespmem:s20], [sflag:$0x1], $0x100, s18, s17, $0x38;
	[tilespmem:$0x8480] =	vst v63  }
0x14e: {  	s24 =	sadd.s32 $0x1, s24;
	_ =	swait.ge [sflag:s15], $0x100  }
0x14f: {  	p0 =	sne.s32 s24, $0x9;
	[sflag:s15] =	ssyncset.done $0x0  }
.Ltmp1:
0x150: {  	s31 =	sadd.s32 s8, s26;
	[sflag:s15] =	ssyncadd.s32 $0xFFFFFF00;
	(pc) =	sbr.rel @p0 .LBB2_2-.Ltmp1, $4  }
0x151: {  	[hbm4b:s31+s17] =	stream.strided.scatter [tilespmem:s21], [sflag:$0x1], $0x100, s18, s17, $0x38;
	[tilespmem:$0x8480] =	vst v63  }
0x152: {  	_ =	swait.ge [sflag:s15], $0x100  }
0x153: {  	[sflag:s15] =	ssyncset.done $0x0  }
0x154: {  	[sflag:s15] =	ssyncadd.s32 $0xFFFFFF00  }
0x155: {  	[tilespmem:$0x8400] =	vst v3;
	s0 =	simm.s32 $0x0;
	s5 =	rddreg [dreg:$0x7];
	s6 =	simm.s32 $0x8400  }
0x156: {  	v1 =	vcvt.s32.f32 v2;
	[hbm4b:s5+s0] =	stream.linear.scatter [tilespmem:s6], [sflag:$0x1], $0x80, $0x38;
	[tilespmem:$0x8480] =	vst v63  }
0x157: {  	_ =	swait.ge [sflag:s15], $0x80  }
0x158: {  	s23 =	sadd.s32 $0x1, s23;
	v1 =	vmul.f32 $6.250000000e-02, v1;
	[sflag:s15] =	ssyncset.done $0x0  }
0x159: {  	p0 =	sne.s32 s23, s12;
	[sflag:s15] =	ssyncadd.s32 $0xFFFFFF80  }
.Ltmp2:
0x15a: {  	[tilespmem:$0x8400] =	vst v1;
	(pc) =	sbr.rel @p0 .LBB2_1-.Ltmp2, $4  }
0x15b: {  	[hbm4b:s11+s0] =	stream.linear.scatter [tilespmem:s6], [sflag:$0x1], $0x80, $0x38;
	[tilespmem:$0x8480] =	vst v63  }
0x15c: {  	_ =	swait.ge [sflag:s15], $0x80  }
0x15d: {  	[sflag:s15] =	ssyncset.done $0x0  }
0x15e: {  	[sflag:s15] =	ssyncadd.s32 $0xFFFFFF80  }
0x15f: {  	_ =	sfence.sel $0x180000  }
0x160: {  	[bflag:$0x0] =	sbarrier.arrive $0xFFFF  }
0x161: {  	_ =	strace $0x90000047  }
0x162: {  	s0 =	stileid.u32;
	[bflag:$0x2] =	sbarrier.arrive $0xFFFF  }
0x163: {  	p0 =	sne.s32 s0, $0x0;
	s0 =	rddreg [dreg:$0x6]  }
0x164: {  	s0 =	sadd.s32 @!p0 $0x100000, s0  }
0x165: {  	[sflag:s0] =	ssyncadd.tile.s32 @!p0 $0x1;
	_ =	shalt  }
.Lfunc_end2:
_tile_overlayer_lowered:
.L_overlay_start_2:
0x166: {  	(tag) =	ssettag $0x2  }
0x167: {  	s0 =	rddreg [dreg:$0x0];
	s2 =	stileid.u32  }
0x168: {  	s1 =	rddreg [dreg:$0x1];
	p0 =	sne.s32 s2, $0x0  }
0x169: {  	s3 =	rddreg [dreg:$0x2];
	[bflag:$0x3] =	sbarrier.arrive $0xFFFF;
	s2 =	simm.s32 @!p0 $0x1C01  }
0x16a: {  	[timem:s3], [sflag:s2] =	dma.local @!p0 [hbm:s0], s1  }
0x16b: {  	s0 =	simm.s32 @!p0 $0x1  }
0x16c: {  	_ =	swait.ge @!p0 [sflag:s0], s1  }
0x16d: {  	s1 =	ssub.s32 @!p0 $0x0, s1;
	[sflag:s0] =	ssyncset.done @!p0 $0x0  }
0x16e: {  	[sflag:s0] =	ssyncadd.s32 @!p0 s1  }
0x16f: {  	[bflag:$0x3] =	sbarrier.arrive $0xFFFF  }
0x170: {  	_ =	shalt  }

</sc_bundles>
